<compile_context>
chip_gen: v7x
topology: tpu7x:2x2x1
jax: 0.10.2.dev20260603
libtpu: 0.0.44.dev20260713+nightly
codegen_flags: <defaults>
</compile_context>

<pallas_src>
import functools

import jax
import jax.numpy as jnp
from jax import lax
from jax.experimental import pallas as pl
from jax.experimental.pallas import tpu as pltpu
from jax.experimental.pallas import tpu_sc as plsc

N = 10000
NP = 10240
D = 128
E = 320000
EP = 327680
CH = 80
NCH0 = 146
NCH1 = 110
RPT = NP // 16



def _xlxr_body(x_ref, wl_ref, wr_ref, xl_ref, xr_ref):
    xv = x_ref[...]
    xl_ref[...] = jnp.dot(xv, wl_ref[...], preferred_element_type=jnp.float32)
    xr_ref[...] = jnp.dot(xv, wr_ref[...], preferred_element_type=jnp.float32)


def _xlxr(x_pad, Wl, Wr):
    blk = 1280
    grid = NP // blk
    return pl.pallas_call(
        _xlxr_body,
        grid=(grid,),
        in_specs=[
            pl.BlockSpec((blk, D), lambda i: (i, 0)),
            pl.BlockSpec((D, D), lambda i: (0, 0)),
            pl.BlockSpec((D, D), lambda i: (0, 0)),
        ],
        out_specs=[
            pl.BlockSpec((blk, D), lambda i: (i, 0)),
            pl.BlockSpec((blk, D), lambda i: (i, 0)),
        ],
        out_shape=[
            jax.ShapeDtypeStruct((NP, D), jnp.float32),
            jax.ShapeDtypeStruct((NP, D), jnp.float32),
        ],
    )(x_pad, Wl, Wr)



def _edges_body(xl_hbm, xr_hbm, src_hbm, dst_hbm, att_hbm,
                num_out, den_out,
                num_sh, den_sh,
                srcv0, srcv1, dstv0, dstv1, dsc0, dsc1,
                xl0, xl1, xr0, xr1, st0, st1, w0, w1, att_v, zden,
                isem0, isem1, gsem0, gsem1, ssem0, ssem1, wsem0, wsem1):
    cid = lax.axis_index("c")
    sid = lax.axis_index("s")
    wid = cid * 16 + sid

    srcv = (srcv0, srcv1)
    dstv = (dstv0, dstv1)
    dsc = (dsc0, dsc1)
    xlb = (xl0, xl1)
    xrb = (xr0, xr1)
    stb = (st0, st1)
    wb_ = (w0, w1)
    isem = (isem0, isem1)
    gsem = (gsem0, gsem1)
    ssem = (ssem0, ssem1)
    wsem = (wsem0, wsem1)

    zv = jnp.zeros((16,), jnp.float32)

    def _zrow(i, _):
        r = i // 8
        c = (i % 8) * 16
        st0[r, pl.ds(c, 16)] = zv
        return 0
    lax.fori_loop(0, CH * 8, _zrow, 0)

    def _zden(i, _):
        zden[pl.ds(i * 16, 16)] = zv
        return 0
    lax.fori_loop(0, RPT // 16, _zden, 0)

    for k in range(RPT // CH):
        pltpu.sync_copy(st0, num_sh.at[pl.ds(sid * RPT + k * CH, CH)])
    pltpu.sync_copy(zden, den_sh.at[pl.ds(sid * RPT, RPT)])

    pltpu.sync_copy(att_hbm, att_v)
    att_r = [att_v[pl.ds(j * 16, 16)] for j in range(8)]
    plsc.subcore_barrier()

    lane0 = lax.iota(jnp.int32, 16) == 0
    nch = jnp.where(cid == 0, NCH0, NCH1)
    ebase = jnp.where(cid == 0, sid * (NCH0 * CH),
                      16 * (NCH0 * CH) + sid * (NCH1 * CH))

    def idx_start(g, b):
        pltpu.async_copy(src_hbm.at[pl.ds(ebase + g * CH, CH)], srcv[b], isem[b])
        pltpu.async_copy(dst_hbm.at[pl.ds(ebase + g * CH, CH)], dstv[b], isem[b])

    def idx_wait(g, b):
        pltpu.make_async_copy(src_hbm.at[pl.ds(ebase + g * CH, CH)], srcv[b], isem[b]).wait()
        pltpu.make_async_copy(dst_hbm.at[pl.ds(ebase + g * CH, CH)], dstv[b], isem[b]).wait()

    def gather_start(b):
        pltpu.async_copy(xl_hbm.at[srcv[b]], xlb[b], gsem[b])
        pltpu.async_copy(xr_hbm.at[dstv[b]], xrb[b], gsem[b])

    def gather_wait(b):
        pltpu.make_async_copy(xl_hbm.at[srcv[b]], xlb[b], gsem[b]).wait()
        pltpu.make_async_copy(xr_hbm.at[dstv[b]], xrb[b], gsem[b]).wait()

    def scatter_start(b):
        pltpu.async_copy(stb[b], num_sh.at[dsc[b]], ssem[b], add=True)
        pltpu.async_copy(wb_[b], den_sh.at[dsc[b]], wsem[b], add=True)

    def scatter_wait(b):
        pltpu.make_async_copy(stb[b], num_sh.at[dsc[b]], ssem[b]).wait()
        pltpu.make_async_copy(wb_[b], den_sh.at[dsc[b]], wsem[b]).wait()

    def compute(b):
        xl_r, xr_r, st_r, w_r = xlb[b], xrb[b], stb[b], wb_[b]

        @plsc.parallel_loop(0, CH, unroll=2)
        def _edge(e):
            xle = []
            acc = jnp.zeros((16,), jnp.float32)
            for t in range(4):
                l0, l1 = plsc.unpack(
                    plsc.bitcast(xl_r[e, pl.ds(t * 16, 16)], jnp.bfloat16),
                    format=plsc.PackFormat.INTERLEAVED)
                r0, r1 = plsc.unpack(
                    plsc.bitcast(xr_r[e, pl.ds(t * 16, 16)], jnp.bfloat16),
                    format=plsc.PackFormat.INTERLEAVED)
                xle += [l0, l1]
                for lj, rj, j in ((l0, r0, 2 * t), (l1, r1, 2 * t + 1)):
                    v = lj + rj
                    v = jnp.maximum(v, 0.2 * v)
                    acc = acc + v * att_r[j]
            wv = jnp.exp(jnp.full((16,), jnp.sum(acc), jnp.float32))
            plsc.store_scatter(w_r, [jnp.full((16,), e, jnp.int32)], wv,
                               mask=lane0)
            for j in range(8):
                st_r[e, pl.ds(j * 16, 16)] = xle[j] * wv

    def copy_dst(b):
        for j in range(CH // 16):
            dsc[b][pl.ds(j * 16, 16)] = dstv[b][pl.ds(j * 16, 16)]

    idx_start(0, 0)
    idx_start(1, 1)
    idx_wait(0, 0)
    gather_start(0)

    def _pair(g2, _):
        for b in (0, 1):
            g = g2 * 2 + b
            ob = 1 - b
            gather_wait(b)
            copy_dst(b)

            @pl.when(g >= 1)
            def _():
                scatter_wait(ob)

            @pl.when(g + 1 < nch)
            def _():
                idx_wait(g + 1, ob)
                gather_start(ob)

            @pl.when(g + 2 < nch)
            def _():
                idx_start(g + 2, b)

            compute(b)
            scatter_start(b)
        return 0
    lax.fori_loop(0, nch // 2, _pair, 0)
    scatter_wait(1)

    plsc.subcore_barrier()

    pltpu.sync_copy(num_sh.at[pl.ds(sid * RPT, RPT)],
                    num_out.at[cid, pl.ds(sid * RPT, RPT)])
    pltpu.sync_copy(den_sh.at[pl.ds(sid * RPT, RPT)],
                    den_out.at[cid, pl.ds(sid * RPT, RPT)])


def _edges(xl, xr, src_p, dst_p, att):
    mesh = plsc.VectorSubcoreMesh(core_axis_name="c", subcore_axis_name="s",
                                  num_cores=2, num_subcores=16)
    f = functools.partial(
        pl.kernel,
        out_type=(
            jax.ShapeDtypeStruct((2, NP, D), jnp.float32),
            jax.ShapeDtypeStruct((2, NP), jnp.float32),
        ),
        mesh=mesh,
        compiler_params=pltpu.CompilerParams(needs_layout_passes=False,
                                             use_tc_tiling_on_sc=False),
        scratch_types=(
            [
                pltpu.VMEM_SHARED((NP, D), jnp.float32),
                pltpu.VMEM_SHARED((NP,), jnp.float32),
            ]
            + [pltpu.VMEM((CH,), jnp.int32)] * 6
            + [pltpu.VMEM((CH, D // 2), jnp.int32)] * 4
            + [pltpu.VMEM((CH, D), jnp.float32)] * 2
            + [pltpu.VMEM((CH,), jnp.float32)] * 2
            + [
                pltpu.VMEM((D,), jnp.float32),
                pltpu.VMEM((RPT,), jnp.float32),
            ]
            + [pltpu.SemaphoreType.DMA] * 8
        ),
    )(_edges_body)
    return f(xl, xr, src_p, dst_p, att)



def _merge_body(xl_ref, xr_ref, n0_ref, n1_ref, d0_ref, d1_ref,
                att_ref, bg_ref, w1_ref, b1_ref, w2_ref, b2_ref,
                w3_ref, b3_ref, out_ref):
    xlv = xl_ref[...]
    v = xlv + xr_ref[...]
    v = jnp.maximum(v, 0.2 * v)
    logit = jnp.dot(v, att_ref[...], preferred_element_type=jnp.float32)
    w = jnp.exp(logit)
    num = n0_ref[...] + n1_ref[...] + w * xlv
    den = d0_ref[...] + d1_ref[...] + w
    h = num / den + bg_ref[...]
    h = jnp.maximum(jnp.dot(h, w1_ref[...], preferred_element_type=jnp.float32)
                    + b1_ref[...], 0.0)
    h = jnp.maximum(jnp.dot(h, w2_ref[...], preferred_element_type=jnp.float32)
                    + b2_ref[...], 0.0)
    out_ref[...] = (jnp.dot(h, w3_ref[...], preferred_element_type=jnp.float32)
                    + b3_ref[...])


def _merge(xl, xr, n0, n1, d0, d1, att_col, bg, W1, b1, W2, b2, W3, b3):
    blk = 1280
    grid = NP // blk
    full = lambda r, c: pl.BlockSpec((r, c), lambda i: (0, 0))
    rows = lambda c: pl.BlockSpec((blk, c), lambda i: (i, 0))
    return pl.pallas_call(
        _merge_body,
        grid=(grid,),
        in_specs=[
            rows(D), rows(D), rows(D), rows(D), rows(1), rows(1),
            full(D, 1), full(1, D),
            full(D, 32), full(1, 32), full(32, 32), full(1, 32),
            full(32, D), full(1, D),
        ],
        out_specs=rows(D),
        out_shape=jax.ShapeDtypeStruct((NP, D), jnp.float32),
    )(xl, xr, n0, n1, d0, d1, att_col, bg, W1, b1, W2, b2, W3, b3)



def kernel(x, edge_index, Wl, Wr, att, bias_gat, W1, b1, W2, b2, W3, b3):
    x_pad = jnp.concatenate(
        [x, jnp.zeros((NP - N, D), jnp.float32)], axis=0)
    src = edge_index[0].astype(jnp.int32)
    dst = edge_index[1].astype(jnp.int32)
    src_p = jnp.concatenate([src, jnp.zeros((EP - E,), jnp.int32)])
    dst_p = jnp.concatenate([dst, jnp.full((EP - E,), N, jnp.int32)])

    xl, xr = _xlxr(x_pad, Wl, Wr)
    def _perm_bf(a):
        b = (a.reshape(NP, 4, 2, 16).transpose(0, 1, 3, 2)
             .reshape(NP, D).astype(jnp.bfloat16))
        return jax.lax.bitcast_convert_type(
            b.reshape(NP, D // 2, 2), jnp.int32)
    num, den = _edges(_perm_bf(xl), _perm_bf(xr), src_p, dst_p, att)

    out = _merge(
        xl, xr, num[0], num[1],
        den[0].reshape(NP, 1), den[1].reshape(NP, 1),
        att.reshape(D, 1), bias_gat.reshape(1, D),
        W1, b1.reshape(1, 32), W2, b2.reshape(1, 32),
        W3, b3.reshape(1, D),
    )
    return out[:N]

# --- scband reference (transcript-rebuilt; emitter-appended) ---
"""Pipeline reference for scband-gatgcn-40175124087240 (READ-ONLY COPY).

The authoritative reference and input builder live on the scoring server;
editing this copy changes nothing except your own understanding.
"""

import jax, jax.numpy as jnp
import numpy as np

N_NODES = 10000
N_EDGES = 320000
D_IN = 128
D_HID = 32
D_OUT = 128

def setup_inputs(seed: int = 0) -> dict:
    key = jax.random.key(seed)
    ks = jax.random.split(key, 12)
    x = jax.random.normal(ks[0], (N_NODES, D_IN), dtype=jnp.float32)
    edge_index = jax.random.randint(ks[1], (2, N_EDGES), 0, N_NODES, dtype=jnp.int64)
    s = 1.0 / np.sqrt(D_IN)
    Wl = jax.random.uniform(ks[2], (D_IN, D_IN), jnp.float32, -s, s)
    Wr = jax.random.uniform(ks[3], (D_IN, D_IN), jnp.float32, -s, s)
    att = jax.random.uniform(ks[4], (D_IN,), jnp.float32, -s, s)
    bias_gat = jnp.zeros((D_IN,), jnp.float32)
    W1 = jax.random.uniform(ks[5], (D_IN, D_HID), jnp.float32, -s, s)
    b1 = jnp.zeros((D_HID,), jnp.float32)
    s2 = 1.0 / np.sqrt(D_HID)
    W2 = jax.random.uniform(ks[6], (D_HID, D_HID), jnp.float32, -s2, s2)
    b2 = jnp.zeros((D_HID,), jnp.float32)
    W3 = jax.random.uniform(ks[7], (D_HID, D_OUT), jnp.float32, -s2, s2)
    b3 = jnp.zeros((D_OUT,), jnp.float32)
    return {"x": x, "edge_index": edge_index, "Wl": Wl, "Wr": Wr, "att": att, "bias_gat": bias_gat, "W1": W1, "b1": b1, "W2": W2, "b2": b2, "W3": W3, "b3": b3}

def _gatv2(x, edge_index, Wl, Wr, att, bias_gat):
    N = x.shape[0]
    loops = jnp.arange(N, dtype=edge_index.dtype)
    ei = jnp.concatenate([edge_index, jnp.stack([loops, loops])], axis=1)
    src, dst = ei[0], ei[1]
    x_l = x @ Wl  # source transform
    x_r = x @ Wr  # target transform
    e = x_l[src] + x_r[dst]
    e = jax.nn.leaky_relu(e, 0.2)
    logits = e @ att
    m = jax.ops.segment_max(logits, dst, num_segments=N)
    ex = jnp.exp(logits - m[dst])
    denom = jax.ops.segment_sum(ex, dst, num_segments=N)
    alpha = ex / (denom[dst] + 1e-16)
    out = jax.ops.segment_sum(alpha[:, None] * x_l[src], dst, num_segments=N)
    return out + bias_gat

def reference(x, edge_index, Wl, Wr, att, bias_gat, W1, b1, W2, b2, W3, b3):
    # GATv2Conv (1 head, concat, add_self_loops=True)
    h = _gatv2(x, edge_index, Wl, Wr, att, bias_gat)
    # ChebConv with K=1 reduces to a linear layer (Tx_0 = x only)
    h = jnp.maximum(h @ W1 + b1, 0.0)
    h = jnp.maximum(h @ W2 + b2, 0.0)
    # dropout rate 0.0 -> identity
    h = h @ W3 + b3
    return h

if __name__ == "__main__":
    import jax
    _d = setup_inputs()
    print(jax.jit(kernel)(*tuple(_d.values())))

</pallas_src>

<mosaic_0001>
#map = affine_map<(d0, d1) -> (0, 0)>
#map1 = affine_map<(d0, d1) -> (0)>
#map2 = affine_map<(d0, d1) -> (0, 0, 0)>
module attributes {stable_mosaic.version = 14 : i64} {
  func.func @_edges_body(%arg0: i32, %arg1: i32, %arg2: memref<10240x64xi32, #tpu.memory_space<hbm>>, %arg3: memref<10240x64xi32, #tpu.memory_space<hbm>>, %arg4: memref<327680xi32, #tpu.memory_space<hbm>>, %arg5: memref<327680xi32, #tpu.memory_space<hbm>>, %arg6: memref<128xf32, #tpu.memory_space<hbm>>, %arg7: memref<2x10240x128xf32, #tpu.memory_space<hbm>>, %arg8: memref<2x10240xf32, #tpu.memory_space<hbm>>, %arg9: memref<10240x128xf32, #tpu.memory_space<vmem_shared>>, %arg10: memref<10240xf32, #tpu.memory_space<vmem_shared>>, %arg11: memref<80xi32, #tpu.memory_space<vmem>>, %arg12: memref<80xi32, #tpu.memory_space<vmem>>, %arg13: memref<80xi32, #tpu.memory_space<vmem>>, %arg14: memref<80xi32, #tpu.memory_space<vmem>>, %arg15: memref<80xi32, #tpu.memory_space<vmem>>, %arg16: memref<80xi32, #tpu.memory_space<vmem>>, %arg17: memref<80x64xi32, #tpu.memory_space<vmem>>, %arg18: memref<80x64xi32, #tpu.memory_space<vmem>>, %arg19: memref<80x64xi32, #tpu.memory_space<vmem>>, %arg20: memref<80x64xi32, #tpu.memory_space<vmem>>, %arg21: memref<80x128xf32, #tpu.memory_space<vmem>>, %arg22: memref<80x128xf32, #tpu.memory_space<vmem>>, %arg23: memref<80xf32, #tpu.memory_space<vmem>>, %arg24: memref<80xf32, #tpu.memory_space<vmem>>, %arg25: memref<128xf32, #tpu.memory_space<vmem>>, %arg26: memref<640xf32, #tpu.memory_space<vmem>>, %arg27: memref<!tpu.dma_semaphore, #tpu.memory_space<semaphore_mem>>, %arg28: memref<!tpu.dma_semaphore, #tpu.memory_space<semaphore_mem>>, %arg29: memref<!tpu.dma_semaphore, #tpu.memory_space<semaphore_mem>>, %arg30: memref<!tpu.dma_semaphore, #tpu.memory_space<semaphore_mem>>, %arg31: memref<!tpu.dma_semaphore, #tpu.memory_space<semaphore_mem>>, %arg32: memref<!tpu.dma_semaphore, #tpu.memory_space<semaphore_mem>>, %arg33: memref<!tpu.dma_semaphore, #tpu.memory_space<semaphore_mem>>, %arg34: memref<!tpu.dma_semaphore, #tpu.memory_space<semaphore_mem>>) attributes {dimension_semantics = [#tpu.dimension_semantics<core_parallel>, #tpu.dimension_semantics<subcore_parallel>], iteration_bounds = array<i64: 2, 16>, scalar_prefetch = 0 : i64, scratch_operands = 26 : i64, tpu.core_type = #tpu.core_type<sc_vector_subcore>, window_params = [{transform_indices = #map}, {transform_indices = #map}, {transform_indices = #map1}, {transform_indices = #map1}, {transform_indices = #map1}, {transform_indices = #map2}, {transform_indices = #map}]} {
    %mul3A = arith.constant 16 : i32
    %mul3A_0 = arith.muli %arg0, %mul3A : i32
    %add3A = arith.addi %mul3A_0, %arg1 : i32
    %broadcast_in_dim3A = arith.constant 0.000000e+00 : f32
    %broadcast_in_dim3A_1 = vector.broadcast %broadcast_in_dim3A : f32 to vector<16xf32>
    %scan3A = arith.constant 0 : i32
    %scan3A_2 = arith.constant 0 : i32
    %scan3A_3 = arith.constant 640 : i32
    %scan3A_4 = arith.addi %scan3A_2, %scan3A_3 : i32
    %scan3A_5 = arith.constant 1 : i32
    %scan3A_6 = scf.for %scan3A_149 = %scan3A_2 to %scan3A_4 step %scan3A_5 iter_args(%scan3A_150 = %scan3A) -> (i32)  : i32 {
      %jit3A_151 = arith.constant 8 : i32
      %div3A_152 = arith.divsi %scan3A_149, %jit3A_151 : i32
      %sign3A_153 = arith.constant 0 : i32
      %sign3A_154 = arith.cmpi sgt, %scan3A_149, %sign3A_153 : i32
      %sign3A_155 = arith.extui %sign3A_154 : i1 to i32
      %sign3A_156 = arith.constant 0 : i32
      %sign3A_157 = arith.cmpi slt, %scan3A_149, %sign3A_156 : i32
      %sign3A_158 = arith.extui %sign3A_157 : i1 to i32
      %sign3A_159 = arith.subi %sign3A_155, %sign3A_158 : i32
      %sign3A_160 = arith.constant 0 : i32
      %sign3A_161 = arith.cmpi sgt, %jit3A_151, %sign3A_160 : i32
      %sign3A_162 = arith.extui %sign3A_161 : i1 to i32
      %sign3A_163 = arith.constant 0 : i32
      %sign3A_164 = arith.cmpi slt, %jit3A_151, %sign3A_163 : i32
      %sign3A_165 = arith.extui %sign3A_164 : i1 to i32
      %sign3A_166 = arith.subi %sign3A_162, %sign3A_165 : i32
      %ne3A_167 = arith.cmpi ne, %sign3A_159, %sign3A_166 : i32
      %rem3A_168 = arith.remsi %scan3A_149, %jit3A_151 : i32
      %ne3A_169 = arith.constant 0 : i32
      %ne3A_170 = arith.cmpi ne, %rem3A_168, %ne3A_169 : i32
      %and3A_171 = arith.andi %ne3A_167, %ne3A_170 : i1
      %sub3A_172 = arith.constant 1 : i32
      %sub3A_173 = arith.subi %div3A_152, %sub3A_172 : i32
      %select_n3A_174 = arith.select %and3A_171, %sub3A_173, %div3A_152 : i32
      %jit3A_175 = arith.constant 8 : i32
      %eq3A_176 = arith.constant 0 : i32
      %eq3A_177 = arith.cmpi eq, %jit3A_175, %eq3A_176 : i32
      %jit3A_178 = arith.constant 1 : i32
      %select_n3A_179 = arith.select %eq3A_177, %jit3A_178, %jit3A_175 : i32
      %rem3A_180 = arith.remsi %scan3A_149, %select_n3A_179 : i32
      %ne3A_181 = arith.constant 0 : i32
      %ne3A_182 = arith.cmpi ne, %rem3A_180, %ne3A_181 : i32
      %lt3A = arith.constant 0 : i32
      %lt3A_183 = arith.cmpi slt, %rem3A_180, %lt3A : i32
      %lt3A_184 = arith.constant 0 : i32
      %lt3A_185 = arith.cmpi slt, %select_n3A_179, %lt3A_184 : i32
      %ne3A_186 = arith.xori %lt3A_183, %lt3A_185 : i1
      %and3A_187 = arith.andi %ne3A_186, %ne3A_182 : i1
      %add3A_188 = arith.addi %rem3A_180, %select_n3A_179 : i32
      %select_n3A_189 = arith.select %and3A_187, %add3A_188, %rem3A_180 : i32
      %mul3A_190 = arith.constant 16 : i32
      %mul3A_191 = arith.muli %select_n3A_189, %mul3A_190 : i32
      %swap3A = arith.index_cast %select_n3A_174 : i32 to index
      %swap3A_192 = arith.index_cast %mul3A_191 : i32 to index
      %swap3A_193 = tpu.vector_load %arg21[%swap3A, %swap3A_192] {strides = array<i32>} : memref<80x128xf32, #tpu.memory_space<vmem>>, vector<16xf32>,
      tpu.vector_store %arg21[%swap3A, %swap3A_192], %broadcast_in_dim3A_1 {strides = array<i32>} : memref<80x128xf32, #tpu.memory_space<vmem>>, vector<16xf32>,
      %scan3A_194 = arith.constant 0 : i32
      scf.yield %scan3A_194 : i32
    }
    %scan3A_7 = arith.constant 640 : i32
    %scan3A_8 = arith.constant 0 : i32
    %scan3A_9 = arith.constant 0 : i32
    %scan3A_10 = arith.constant 40 : i32
    %scan3A_11 = arith.addi %scan3A_9, %scan3A_10 : i32
    %scan3A_12 = arith.constant 1 : i32
    %scan3A_13 = scf.for %scan3A_149 = %scan3A_9 to %scan3A_11 step %scan3A_12 iter_args(%scan3A_150 = %scan3A_8) -> (i32)  : i32 {
      %mul3A_151 = arith.constant 16 : i32
      %mul3A_152 = arith.muli %scan3A_149, %mul3A_151 : i32
      %swap3A = arith.index_cast %mul3A_152 : i32 to index
      %swap3A_153 = tpu.vector_load %arg26[%swap3A] {strides = array<i32>} : memref<640xf32, #tpu.memory_space<vmem>>, vector<16xf32>,
      tpu.vector_store %arg26[%swap3A], %broadcast_in_dim3A_1 {strides = array<i32>} : memref<640xf32, #tpu.memory_space<vmem>>, vector<16xf32>,
      %scan3A_154 = arith.constant 0 : i32
      scf.yield %scan3A_154 : i32
    }
    %scan3A_14 = arith.constant 40 : i32
    %mul3A_15 = arith.constant 640 : i32
    %mul3A_16 = arith.muli %arg1, %mul3A_15 : i32
    %add3A_17 = arith.constant 0 : i32
    %add3A_18 = arith.addi %mul3A_16, %add3A_17 : i32
    "tpu.region"() ({
      %run_scoped3A = tpu.sem_alloc : memref<!tpu.dma_semaphore, #tpu.memory_space<semaphore_mem>>
      %dma_start3A_149 = arith.constant 0 : i32
      %dma_start3A_150 = tpu.memref_slice %arg9[%add3A_18, %dma_start3A_149] : memref<10240x128xf32, #tpu.memory_space<vmem_shared>> -> memref<80x128xf32, #tpu.memory_space<vmem_shared>>
      %dma_start3A_151 = arith.constant 0 : i32
      %dma_start3A_152 = tpu.memref_slice %arg9[%add3A_18, %dma_start3A_151] : memref<10240x128xf32, #tpu.memory_space<vmem_shared>> -> memref<80x128xf32, #tpu.memory_space<vmem_shared>>
      tpu.enqueue_dma source(%arg21 : memref<80x128xf32, #tpu.memory_space<vmem>>) target(%dma_start3A_152 : memref<80x128xf32, #tpu.memory_space<vmem_shared>>) target_semaphore(%run_scoped3A : memref<!tpu.dma_semaphore, #tpu.memory_space<semaphore_mem>>)
      %dma_wait3A_153 = arith.constant 0 : i32
      %dma_wait3A_154 = tpu.memref_slice %arg9[%add3A_18, %dma_wait3A_153] : memref<10240x128xf32, #tpu.memory_space<vmem_shared>> -> memref<80x128xf32, #tpu.memory_space<vmem_shared>>
      %dma_wait3A_155 = arith.constant 0 : i32
      %dma_wait3A_156 = tpu.memref_slice %arg9[%add3A_18, %dma_wait3A_155] : memref<10240x128xf32, #tpu.memory_space<vmem_shared>> -> memref<80x128xf32, #tpu.memory_space<vmem_shared>>
      tpu.wait_dma2 semaphore(%run_scoped3A : memref<!tpu.dma_semaphore, #tpu.memory_space<semaphore_mem>>) src(%arg21 : memref<80x128xf32, #tpu.memory_space<vmem>>) dst(%dma_wait3A_156 : memref<80x128xf32, #tpu.memory_space<vmem_shared>>)
      tpu.yield
    }) : () -> ()
    %mul3A_19 = arith.constant 640 : i32
    %mul3A_20 = arith.muli %arg1, %mul3A_19 : i32
    %add3A_21 = arith.constant 80 : i32
    %add3A_22 = arith.addi %mul3A_20, %add3A_21 : i32
    "tpu.region"() ({
      %run_scoped3A = tpu.sem_alloc : memref<!tpu.dma_semaphore, #tpu.memory_space<semaphore_mem>>
      %dma_start3A_149 = arith.constant 0 : i32
      %dma_start3A_150 = tpu.memref_slice %arg9[%add3A_22, %dma_start3A_149] : memref<10240x128xf32, #tpu.memory_space<vmem_shared>> -> memref<80x128xf32, #tpu.memory_space<vmem_shared>>
      %dma_start3A_151 = arith.constant 0 : i32
      %dma_start3A_152 = tpu.memref_slice %arg9[%add3A_22, %dma_start3A_151] : memref<10240x128xf32, #tpu.memory_space<vmem_shared>> -> memref<80x128xf32, #tpu.memory_space<vmem_shared>>
      tpu.enqueue_dma source(%arg21 : memref<80x128xf32, #tpu.memory_space<vmem>>) target(%dma_start3A_152 : memref<80x128xf32, #tpu.memory_space<vmem_shared>>) target_semaphore(%run_scoped3A : memref<!tpu.dma_semaphore, #tpu.memory_space<semaphore_mem>>)
      %dma_wait3A_153 = arith.constant 0 : i32
      %dma_wait3A_154 = tpu.memref_slice %arg9[%add3A_22, %dma_wait3A_153] : memref<10240x128xf32, #tpu.memory_space<vmem_shared>> -> memref<80x128xf32, #tpu.memory_space<vmem_shared>>
      %dma_wait3A_155 = arith.constant 0 : i32
      %dma_wait3A_156 = tpu.memref_slice %arg9[%add3A_22, %dma_wait3A_155] : memref<10240x128xf32, #tpu.memory_space<vmem_shared>> -> memref<80x128xf32, #tpu.memory_space<vmem_shared>>
      tpu.wait_dma2 semaphore(%run_scoped3A : memref<!tpu.dma_semaphore, #tpu.memory_space<semaphore_mem>>) src(%arg21 : memref<80x128xf32, #tpu.memory_space<vmem>>) dst(%dma_wait3A_156 : memref<80x128xf32, #tpu.memory_space<vmem_shared>>)
      tpu.yield
    }) : () -> ()
    %mul3A_23 = arith.constant 640 : i32
    %mul3A_24 = arith.muli %arg1, %mul3A_23 : i32
    %add3A_25 = arith.constant 160 : i32
    %add3A_26 = arith.addi %mul3A_24, %add3A_25 : i32
    "tpu.region"() ({
      %run_scoped3A = tpu.sem_alloc : memref<!tpu.dma_semaphore, #tpu.memory_space<semaphore_mem>>
      %dma_start3A_149 = arith.constant 0 : i32
      %dma_start3A_150 = tpu.memref_slice %arg9[%add3A_26, %dma_start3A_149] : memref<10240x128xf32, #tpu.memory_space<vmem_shared>> -> memref<80x128xf32, #tpu.memory_space<vmem_shared>>
      %dma_start3A_151 = arith.constant 0 : i32
      %dma_start3A_152 = tpu.memref_slice %arg9[%add3A_26, %dma_start3A_151] : memref<10240x128xf32, #tpu.memory_space<vmem_shared>> -> memref<80x128xf32, #tpu.memory_space<vmem_shared>>
      tpu.enqueue_dma source(%arg21 : memref<80x128xf32, #tpu.memory_space<vmem>>) target(%dma_start3A_152 : memref<80x128xf32, #tpu.memory_space<vmem_shared>>) target_semaphore(%run_scoped3A : memref<!tpu.dma_semaphore, #tpu.memory_space<semaphore_mem>>)
      %dma_wait3A_153 = arith.constant 0 : i32
      %dma_wait3A_154 = tpu.memref_slice %arg9[%add3A_26, %dma_wait3A_153] : memref<10240x128xf32, #tpu.memory_space<vmem_shared>> -> memref<80x128xf32, #tpu.memory_space<vmem_shared>>
      %dma_wait3A_155 = arith.constant 0 : i32
      %dma_wait3A_156 = tpu.memref_slice %arg9[%add3A_26, %dma_wait3A_155] : memref<10240x128xf32, #tpu.memory_space<vmem_shared>> -> memref<80x128xf32, #tpu.memory_space<vmem_shared>>
      tpu.wait_dma2 semaphore(%run_scoped3A : memref<!tpu.dma_semaphore, #tpu.memory_space<semaphore_mem>>) src(%arg21 : memref<80x128xf32, #tpu.memory_space<vmem>>) dst(%dma_wait3A_156 : memref<80x128xf32, #tpu.memory_space<vmem_shared>>)
      tpu.yield
    }) : () -> ()
    %mul3A_27 = arith.constant 640 : i32
    %mul3A_28 = arith.muli %arg1, %mul3A_27 : i32
    %add3A_29 = arith.constant 240 : i32
    %add3A_30 = arith.addi %mul3A_28, %add3A_29 : i32
    "tpu.region"() ({
      %run_scoped3A = tpu.sem_alloc : memref<!tpu.dma_semaphore, #tpu.memory_space<semaphore_mem>>
      %dma_start3A_149 = arith.constant 0 : i32
      %dma_start3A_150 = tpu.memref_slice %arg9[%add3A_30, %dma_start3A_149] : memref<10240x128xf32, #tpu.memory_space<vmem_shared>> -> memref<80x128xf32, #tpu.memory_space<vmem_shared>>
      %dma_start3A_151 = arith.constant 0 : i32
      %dma_start3A_152 = tpu.memref_slice %arg9[%add3A_30, %dma_start3A_151] : memref<10240x128xf32, #tpu.memory_space<vmem_shared>> -> memref<80x128xf32, #tpu.memory_space<vmem_shared>>
      tpu.enqueue_dma source(%arg21 : memref<80x128xf32, #tpu.memory_space<vmem>>) target(%dma_start3A_152 : memref<80x128xf32, #tpu.memory_space<vmem_shared>>) target_semaphore(%run_scoped3A : memref<!tpu.dma_semaphore, #tpu.memory_space<semaphore_mem>>)
      %dma_wait3A_153 = arith.constant 0 : i32
      %dma_wait3A_154 = tpu.memref_slice %arg9[%add3A_30, %dma_wait3A_153] : memref<10240x128xf32, #tpu.memory_space<vmem_shared>> -> memref<80x128xf32, #tpu.memory_space<vmem_shared>>
      %dma_wait3A_155 = arith.constant 0 : i32
      %dma_wait3A_156 = tpu.memref_slice %arg9[%add3A_30, %dma_wait3A_155] : memref<10240x128xf32, #tpu.memory_space<vmem_shared>> -> memref<80x128xf32, #tpu.memory_space<vmem_shared>>
      tpu.wait_dma2 semaphore(%run_scoped3A : memref<!tpu.dma_semaphore, #tpu.memory_space<semaphore_mem>>) src(%arg21 : memref<80x128xf32, #tpu.memory_space<vmem>>) dst(%dma_wait3A_156 : memref<80x128xf32, #tpu.memory_space<vmem_shared>>)
      tpu.yield
    }) : () -> ()
    %mul3A_31 = arith.constant 640 : i32
    %mul3A_32 = arith.muli %arg1, %mul3A_31 : i32
    %add3A_33 = arith.constant 320 : i32
    %add3A_34 = arith.addi %mul3A_32, %add3A_33 : i32
    "tpu.region"() ({
      %run_scoped3A = tpu.sem_alloc : memref<!tpu.dma_semaphore, #tpu.memory_space<semaphore_mem>>
      %dma_start3A_149 = arith.constant 0 : i32
      %dma_start3A_150 = tpu.memref_slice %arg9[%add3A_34, %dma_start3A_149] : memref<10240x128xf32, #tpu.memory_space<vmem_shared>> -> memref<80x128xf32, #tpu.memory_space<vmem_shared>>
      %dma_start3A_151 = arith.constant 0 : i32
      %dma_start3A_152 = tpu.memref_slice %arg9[%add3A_34, %dma_start3A_151] : memref<10240x128xf32, #tpu.memory_space<vmem_shared>> -> memref<80x128xf32, #tpu.memory_space<vmem_shared>>
      tpu.enqueue_dma source(%arg21 : memref<80x128xf32, #tpu.memory_space<vmem>>) target(%dma_start3A_152 : memref<80x128xf32, #tpu.memory_space<vmem_shared>>) target_semaphore(%run_scoped3A : memref<!tpu.dma_semaphore, #tpu.memory_space<semaphore_mem>>)
      %dma_wait3A_153 = arith.constant 0 : i32
      %dma_wait3A_154 = tpu.memref_slice %arg9[%add3A_34, %dma_wait3A_153] : memref<10240x128xf32, #tpu.memory_space<vmem_shared>> -> memref<80x128xf32, #tpu.memory_space<vmem_shared>>
      %dma_wait3A_155 = arith.constant 0 : i32
      %dma_wait3A_156 = tpu.memref_slice %arg9[%add3A_34, %dma_wait3A_155] : memref<10240x128xf32, #tpu.memory_space<vmem_shared>> -> memref<80x128xf32, #tpu.memory_space<vmem_shared>>
      tpu.wait_dma2 semaphore(%run_scoped3A : memref<!tpu.dma_semaphore, #tpu.memory_space<semaphore_mem>>) src(%arg21 : memref<80x128xf32, #tpu.memory_space<vmem>>) dst(%dma_wait3A_156 : memref<80x128xf32, #tpu.memory_space<vmem_shared>>)
      tpu.yield
    }) : () -> ()
    %mul3A_35 = arith.constant 640 : i32
    %mul3A_36 = arith.muli %arg1, %mul3A_35 : i32
    %add3A_37 = arith.constant 400 : i32
    %add3A_38 = arith.addi %mul3A_36, %add3A_37 : i32
    "tpu.region"() ({
      %run_scoped3A = tpu.sem_alloc : memref<!tpu.dma_semaphore, #tpu.memory_space<semaphore_mem>>
      %dma_start3A_149 = arith.constant 0 : i32
      %dma_start3A_150 = tpu.memref_slice %arg9[%add3A_38, %dma_start3A_149] : memref<10240x128xf32, #tpu.memory_space<vmem_shared>> -> memref<80x128xf32, #tpu.memory_space<vmem_shared>>
      %dma_start3A_151 = arith.constant 0 : i32
      %dma_start3A_152 = tpu.memref_slice %arg9[%add3A_38, %dma_start3A_151] : memref<10240x128xf32, #tpu.memory_space<vmem_shared>> -> memref<80x128xf32, #tpu.memory_space<vmem_shared>>
      tpu.enqueue_dma source(%arg21 : memref<80x128xf32, #tpu.memory_space<vmem>>) target(%dma_start3A_152 : memref<80x128xf32, #tpu.memory_space<vmem_shared>>) target_semaphore(%run_scoped3A : memref<!tpu.dma_semaphore, #tpu.memory_space<semaphore_mem>>)
      %dma_wait3A_153 = arith.constant 0 : i32
      %dma_wait3A_154 = tpu.memref_slice %arg9[%add3A_38, %dma_wait3A_153] : memref<10240x128xf32, #tpu.memory_space<vmem_shared>> -> memref<80x128xf32, #tpu.memory_space<vmem_shared>>
      %dma_wait3A_155 = arith.constant 0 : i32
      %dma_wait3A_156 = tpu.memref_slice %arg9[%add3A_38, %dma_wait3A_155] : memref<10240x128xf32, #tpu.memory_space<vmem_shared>> -> memref<80x128xf32, #tpu.memory_space<vmem_shared>>
      tpu.wait_dma2 semaphore(%run_scoped3A : memref<!tpu.dma_semaphore, #tpu.memory_space<semaphore_mem>>) src(%arg21 : memref<80x128xf32, #tpu.memory_space<vmem>>) dst(%dma_wait3A_156 : memref<80x128xf32, #tpu.memory_space<vmem_shared>>)
      tpu.yield
    }) : () -> ()
    %mul3A_39 = arith.constant 640 : i32
    %mul3A_40 = arith.muli %arg1, %mul3A_39 : i32
    %add3A_41 = arith.constant 480 : i32
    %add3A_42 = arith.addi %mul3A_40, %add3A_41 : i32
    "tpu.region"() ({
      %run_scoped3A = tpu.sem_alloc : memref<!tpu.dma_semaphore, #tpu.memory_space<semaphore_mem>>
      %dma_start3A_149 = arith.constant 0 : i32
      %dma_start3A_150 = tpu.memref_slice %arg9[%add3A_42, %dma_start3A_149] : memref<10240x128xf32, #tpu.memory_space<vmem_shared>> -> memref<80x128xf32, #tpu.memory_space<vmem_shared>>
      %dma_start3A_151 = arith.constant 0 : i32
      %dma_start3A_152 = tpu.memref_slice %arg9[%add3A_42, %dma_start3A_151] : memref<10240x128xf32, #tpu.memory_space<vmem_shared>> -> memref<80x128xf32, #tpu.memory_space<vmem_shared>>
      tpu.enqueue_dma source(%arg21 : memref<80x128xf32, #tpu.memory_space<vmem>>) target(%dma_start3A_152 : memref<80x128xf32, #tpu.memory_space<vmem_shared>>) target_semaphore(%run_scoped3A : memref<!tpu.dma_semaphore, #tpu.memory_space<semaphore_mem>>)
      %dma_wait3A_153 = arith.constant 0 : i32
      %dma_wait3A_154 = tpu.memref_slice %arg9[%add3A_42, %dma_wait3A_153] : memref<10240x128xf32, #tpu.memory_space<vmem_shared>> -> memref<80x128xf32, #tpu.memory_space<vmem_shared>>
      %dma_wait3A_155 = arith.constant 0 : i32
      %dma_wait3A_156 = tpu.memref_slice %arg9[%add3A_42, %dma_wait3A_155] : memref<10240x128xf32, #tpu.memory_space<vmem_shared>> -> memref<80x128xf32, #tpu.memory_space<vmem_shared>>
      tpu.wait_dma2 semaphore(%run_scoped3A : memref<!tpu.dma_semaphore, #tpu.memory_space<semaphore_mem>>) src(%arg21 : memref<80x128xf32, #tpu.memory_space<vmem>>) dst(%dma_wait3A_156 : memref<80x128xf32, #tpu.memory_space<vmem_shared>>)
      tpu.yield
    }) : () -> ()
    %mul3A_43 = arith.constant 640 : i32
    %mul3A_44 = arith.muli %arg1, %mul3A_43 : i32
    %add3A_45 = arith.constant 560 : i32
    %add3A_46 = arith.addi %mul3A_44, %add3A_45 : i32
    "tpu.region"() ({
      %run_scoped3A = tpu.sem_alloc : memref<!tpu.dma_semaphore, #tpu.memory_space<semaphore_mem>>
      %dma_start3A_149 = arith.constant 0 : i32
      %dma_start3A_150 = tpu.memref_slice %arg9[%add3A_46, %dma_start3A_149] : memref<10240x128xf32, #tpu.memory_space<vmem_shared>> -> memref<80x128xf32, #tpu.memory_space<vmem_shared>>
      %dma_start3A_151 = arith.constant 0 : i32
      %dma_start3A_152 = tpu.memref_slice %arg9[%add3A_46, %dma_start3A_151] : memref<10240x128xf32, #tpu.memory_space<vmem_shared>> -> memref<80x128xf32, #tpu.memory_space<vmem_shared>>
      tpu.enqueue_dma source(%arg21 : memref<80x128xf32, #tpu.memory_space<vmem>>) target(%dma_start3A_152 : memref<80x128xf32, #tpu.memory_space<vmem_shared>>) target_semaphore(%run_scoped3A : memref<!tpu.dma_semaphore, #tpu.memory_space<semaphore_mem>>)
      %dma_wait3A_153 = arith.constant 0 : i32
      %dma_wait3A_154 = tpu.memref_slice %arg9[%add3A_46, %dma_wait3A_153] : memref<10240x128xf32, #tpu.memory_space<vmem_shared>> -> memref<80x128xf32, #tpu.memory_space<vmem_shared>>
      %dma_wait3A_155 = arith.constant 0 : i32
      %dma_wait3A_156 = tpu.memref_slice %arg9[%add3A_46, %dma_wait3A_155] : memref<10240x128xf32, #tpu.memory_space<vmem_shared>> -> memref<80x128xf32, #tpu.memory_space<vmem_shared>>
      tpu.wait_dma2 semaphore(%run_scoped3A : memref<!tpu.dma_semaphore, #tpu.memory_space<semaphore_mem>>) src(%arg21 : memref<80x128xf32, #tpu.memory_space<vmem>>) dst(%dma_wait3A_156 : memref<80x128xf32, #tpu.memory_space<vmem_shared>>)
      tpu.yield
    }) : () -> ()
    %mul3A_47 = arith.constant 640 : i32
    %mul3A_48 = arith.muli %arg1, %mul3A_47 : i32
    "tpu.region"() ({
      %run_scoped3A = tpu.sem_alloc : memref<!tpu.dma_semaphore, #tpu.memory_space<semaphore_mem>>
      %dma_start3A_149 = tpu.memref_slice %arg10[%mul3A_48] : memref<10240xf32, #tpu.memory_space<vmem_shared>> -> memref<640xf32, #tpu.memory_space<vmem_shared>>
      %dma_start3A_150 = tpu.memref_slice %arg10[%mul3A_48] : memref<10240xf32, #tpu.memory_space<vmem_shared>> -> memref<640xf32, #tpu.memory_space<vmem_shared>>
      tpu.enqueue_dma source(%arg26 : memref<640xf32, #tpu.memory_space<vmem>>) target(%dma_start3A_150 : memref<640xf32, #tpu.memory_space<vmem_shared>>) target_semaphore(%run_scoped3A : memref<!tpu.dma_semaphore, #tpu.memory_space<semaphore_mem>>)
      %dma_wait3A_151 = tpu.memref_slice %arg10[%mul3A_48] : memref<10240xf32, #tpu.memory_space<vmem_shared>> -> memref<640xf32, #tpu.memory_space<vmem_shared>>
      %dma_wait3A_152 = tpu.memref_slice %arg10[%mul3A_48] : memref<10240xf32, #tpu.memory_space<vmem_shared>> -> memref<640xf32, #tpu.memory_space<vmem_shared>>
      tpu.wait_dma2 semaphore(%run_scoped3A : memref<!tpu.dma_semaphore, #tpu.memory_space<semaphore_mem>>) src(%arg26 : memref<640xf32, #tpu.memory_space<vmem>>) dst(%dma_wait3A_152 : memref<640xf32, #tpu.memory_space<vmem_shared>>)
      tpu.yield
    }) : () -> ()
    "tpu.region"() ({
      %run_scoped3A = tpu.sem_alloc : memref<!tpu.dma_semaphore, #tpu.memory_space<semaphore_mem>>
      tpu.enqueue_dma source(%arg6 : memref<128xf32, #tpu.memory_space<hbm>>) target(%arg25 : memref<128xf32, #tpu.memory_space<vmem>>) target_semaphore(%run_scoped3A : memref<!tpu.dma_semaphore, #tpu.memory_space<semaphore_mem>>)
      tpu.wait_dma2 semaphore(%run_scoped3A : memref<!tpu.dma_semaphore, #tpu.memory_space<semaphore_mem>>) src(%arg6 : memref<128xf32, #tpu.memory_space<hbm>>) dst(%arg25 : memref<128xf32, #tpu.memory_space<vmem>>)
      tpu.yield
    }) : () -> ()
    %get3A = arith.constant 0 : index
    %get3A_49 = tpu.vector_load %arg25[%get3A] {strides = array<i32>} : memref<128xf32, #tpu.memory_space<vmem>>, vector<16xf32>,
    %get3A_50 = arith.constant 16 : index
    %get3A_51 = tpu.vector_load %arg25[%get3A_50] {strides = array<i32>} : memref<128xf32, #tpu.memory_space<vmem>>, vector<16xf32>,
    %get3A_52 = arith.constant 32 : index
    %get3A_53 = tpu.vector_load %arg25[%get3A_52] {strides = array<i32>} : memref<128xf32, #tpu.memory_space<vmem>>, vector<16xf32>,
    %get3A_54 = arith.constant 48 : index
    %get3A_55 = tpu.vector_load %arg25[%get3A_54] {strides = array<i32>} : memref<128xf32, #tpu.memory_space<vmem>>, vector<16xf32>,
    %get3A_56 = arith.constant 64 : index
    %get3A_57 = tpu.vector_load %arg25[%get3A_56] {strides = array<i32>} : memref<128xf32, #tpu.memory_space<vmem>>, vector<16xf32>,
    %get3A_58 = arith.constant 80 : index
    %get3A_59 = tpu.vector_load %arg25[%get3A_58] {strides = array<i32>} : memref<128xf32, #tpu.memory_space<vmem>>, vector<16xf32>,
    %get3A_60 = arith.constant 96 : index
    %get3A_61 = tpu.vector_load %arg25[%get3A_60] {strides = array<i32>} : memref<128xf32, #tpu.memory_space<vmem>>, vector<16xf32>,
    %get3A_62 = arith.constant 112 : index
    %get3A_63 = tpu.vector_load %arg25[%get3A_62] {strides = array<i32>} : memref<128xf32, #tpu.memory_space<vmem>>, vector<16xf32>,
    %barrier3A = arith.constant 0 : index
    tpu.barrier barrier_id(%barrier3A)
    %iota3A = tpu.iota {dimensions = array<i32: 0>} : vector<16xi32>
    %eq3A = arith.constant 0 : i32
    %eq3A_64 = vector.broadcast %eq3A : i32 to vector<16xi32>
    %eq3A_65 = arith.cmpi eq, %iota3A, %eq3A_64 : vector<16xi32>
    %eq3A_66 = arith.constant 0 : i32
    %eq3A_67 = arith.cmpi eq, %arg0, %eq3A_66 : i32
    %jit3A = arith.constant 146 : i32
    %jit3A_68 = arith.constant 110 : i32
    %select_n3A = arith.select %eq3A_67, %jit3A, %jit3A_68 : i32
    %eq3A_69 = arith.constant 0 : i32
    %eq3A_70 = arith.cmpi eq, %arg0, %eq3A_69 : i32
    %mul3A_71 = arith.constant 11680 : i32
    %mul3A_72 = arith.muli %arg1, %mul3A_71 : i32
    %mul3A_73 = arith.constant 8800 : i32
    %mul3A_74 = arith.muli %arg1, %mul3A_73 : i32
    %add3A_75 = arith.constant 186880 : i32
    %add3A_76 = arith.addi %add3A_75, %mul3A_74 : i32
    %select_n3A_77 = arith.select %eq3A_70, %mul3A_72, %add3A_76 : i32
    %add3A_78 = arith.constant 0 : i32
    %add3A_79 = arith.addi %select_n3A_77, %add3A_78 : i32
    %dma_start3A = tpu.memref_slice %arg4[%add3A_79] : memref<327680xi32, #tpu.memory_space<hbm>> -> memref<80xi32, #tpu.memory_space<hbm>>
    %dma_start3A_80 = tpu.memref_slice %arg4[%add3A_79] : memref<327680xi32, #tpu.memory_space<hbm>> -> memref<80xi32, #tpu.memory_space<hbm>>
    tpu.enqueue_dma source(%dma_start3A_80 : memref<80xi32, #tpu.memory_space<hbm>>) target(%arg11 : memref<80xi32, #tpu.memory_space<vmem>>) target_semaphore(%arg27 : memref<!tpu.dma_semaphore, #tpu.memory_space<semaphore_mem>>)
    %add3A_81 = arith.constant 0 : i32
    %add3A_82 = arith.addi %select_n3A_77, %add3A_81 : i32
    %dma_start3A_83 = tpu.memref_slice %arg5[%add3A_82] : memref<327680xi32, #tpu.memory_space<hbm>> -> memref<80xi32, #tpu.memory_space<hbm>>
    %dma_start3A_84 = tpu.memref_slice %arg5[%add3A_82] : memref<327680xi32, #tpu.memory_space<hbm>> -> memref<80xi32, #tpu.memory_space<hbm>>
    tpu.enqueue_dma source(%dma_start3A_84 : memref<80xi32, #tpu.memory_space<hbm>>) target(%arg13 : memref<80xi32, #tpu.memory_space<vmem>>) target_semaphore(%arg27 : memref<!tpu.dma_semaphore, #tpu.memory_space<semaphore_mem>>)
    %add3A_85 = arith.constant 80 : i32
    %add3A_86 = arith.addi %select_n3A_77, %add3A_85 : i32
    %dma_start3A_87 = tpu.memref_slice %arg4[%add3A_86] : memref<327680xi32, #tpu.memory_space<hbm>> -> memref<80xi32, #tpu.memory_space<hbm>>
    %dma_start3A_88 = tpu.memref_slice %arg4[%add3A_86] : memref<327680xi32, #tpu.memory_space<hbm>> -> memref<80xi32, #tpu.memory_space<hbm>>
    tpu.enqueue_dma source(%dma_start3A_88 : memref<80xi32, #tpu.memory_space<hbm>>) target(%arg12 : memref<80xi32, #tpu.memory_space<vmem>>) target_semaphore(%arg28 : memref<!tpu.dma_semaphore, #tpu.memory_space<semaphore_mem>>)
    %add3A_89 = arith.constant 80 : i32
    %add3A_90 = arith.addi %select_n3A_77, %add3A_89 : i32
    %dma_start3A_91 = tpu.memref_slice %arg5[%add3A_90] : memref<327680xi32, #tpu.memory_space<hbm>> -> memref<80xi32, #tpu.memory_space<hbm>>
    %dma_start3A_92 = tpu.memref_slice %arg5[%add3A_90] : memref<327680xi32, #tpu.memory_space<hbm>> -> memref<80xi32, #tpu.memory_space<hbm>>
    tpu.enqueue_dma source(%dma_start3A_92 : memref<80xi32, #tpu.memory_space<hbm>>) target(%arg14 : memref<80xi32, #tpu.memory_space<vmem>>) target_semaphore(%arg28 : memref<!tpu.dma_semaphore, #tpu.memory_space<semaphore_mem>>)
    %add3A_93 = arith.constant 0 : i32
    %add3A_94 = arith.addi %select_n3A_77, %add3A_93 : i32
    %dma_wait3A = tpu.memref_slice %arg4[%add3A_94] : memref<327680xi32, #tpu.memory_space<hbm>> -> memref<80xi32, #tpu.memory_space<hbm>>
    %dma_wait3A_95 = tpu.memref_slice %arg4[%add3A_94] : memref<327680xi32, #tpu.memory_space<hbm>> -> memref<80xi32, #tpu.memory_space<hbm>>
    tpu.wait_dma2 semaphore(%arg27 : memref<!tpu.dma_semaphore, #tpu.memory_space<semaphore_mem>>) src(%dma_wait3A_95 : memref<80xi32, #tpu.memory_space<hbm>>) dst(%arg11 : memref<80xi32, #tpu.memory_space<vmem>>)
    %add3A_96 = arith.constant 0 : i32
    %add3A_97 = arith.addi %select_n3A_77, %add3A_96 : i32
    %dma_wait3A_98 = tpu.memref_slice %arg5[%add3A_97] : memref<327680xi32, #tpu.memory_space<hbm>> -> memref<80xi32, #tpu.memory_space<hbm>>
    %dma_wait3A_99 = tpu.memref_slice %arg5[%add3A_97] : memref<327680xi32, #tpu.memory_space<hbm>> -> memref<80xi32, #tpu.memory_space<hbm>>
    tpu.wait_dma2 semaphore(%arg27 : memref<!tpu.dma_semaphore, #tpu.memory_space<semaphore_mem>>) src(%dma_wait3A_99 : memref<80xi32, #tpu.memory_space<hbm>>) dst(%arg13 : memref<80xi32, #tpu.memory_space<vmem>>)
    %dma_start3A_100 = arith.constant 0 : i32
    %dma_start3A_101 = arith.constant 0 : i32
    %dma_start3A_102 = tpu.memref_slice %arg2[%dma_start3A_100, %dma_start3A_101] : memref<10240x64xi32, #tpu.memory_space<hbm>> -> memref<10240x64xi32, #tpu.memory_space<hbm>>
    tpu.enqueue_indirect_dma source(%dma_start3A_102 : memref<10240x64xi32, #tpu.memory_space<hbm>>) target(%arg17 : memref<80x64xi32, #tpu.memory_space<vmem>>) offsets(%arg11 : memref<80xi32, #tpu.memory_space<vmem>>) semaphore(%arg29 : memref<!tpu.dma_semaphore, #tpu.memory_space<semaphore_mem>>)
    %dma_start3A_103 = arith.constant 0 : i32
    %dma_start3A_104 = arith.constant 0 : i32
    %dma_start3A_105 = tpu.memref_slice %arg3[%dma_start3A_103, %dma_start3A_104] : memref<10240x64xi32, #tpu.memory_space<hbm>> -> memref<10240x64xi32, #tpu.memory_space<hbm>>
    tpu.enqueue_indirect_dma source(%dma_start3A_105 : memref<10240x64xi32, #tpu.memory_space<hbm>>) target(%arg19 : memref<80x64xi32, #tpu.memory_space<vmem>>) offsets(%arg13 : memref<80xi32, #tpu.memory_space<vmem>>) semaphore(%arg29 : memref<!tpu.dma_semaphore, #tpu.memory_space<semaphore_mem>>)
    %jit3A_106 = arith.constant 2 : i32
    %div3A = arith.divsi %select_n3A, %jit3A_106 : i32
    %sign3A = arith.constant 0 : i32
    %sign3A_107 = arith.cmpi sgt, %select_n3A, %sign3A : i32
    %sign3A_108 = arith.extui %sign3A_107 : i1 to i32
    %sign3A_109 = arith.constant 0 : i32
    %sign3A_110 = arith.cmpi slt, %select_n3A, %sign3A_109 : i32
    %sign3A_111 = arith.extui %sign3A_110 : i1 to i32
    %sign3A_112 = arith.subi %sign3A_108, %sign3A_111 : i32
    %sign3A_113 = arith.constant 0 : i32
    %sign3A_114 = arith.cmpi sgt, %jit3A_106, %sign3A_113 : i32
    %sign3A_115 = arith.extui %sign3A_114 : i1 to i32
    %sign3A_116 = arith.constant 0 : i32
    %sign3A_117 = arith.cmpi slt, %jit3A_106, %sign3A_116 : i32
    %sign3A_118 = arith.extui %sign3A_117 : i1 to i32
    %sign3A_119 = arith.subi %sign3A_115, %sign3A_118 : i32
    %ne3A = arith.cmpi ne, %sign3A_112, %sign3A_119 : i32
    %rem3A = arith.remsi %select_n3A, %jit3A_106 : i32
    %ne3A_120 = arith.constant 0 : i32
    %ne3A_121 = arith.cmpi ne, %rem3A, %ne3A_120 : i32
    %and3A = arith.andi %ne3A, %ne3A_121 : i1
    %sub3A = arith.constant 1 : i32
    %sub3A_122 = arith.subi %div3A, %sub3A : i32
    %select_n3A_123 = arith.select %and3A, %sub3A_122, %div3A : i32
    %while3A = arith.constant 0 : i32
    %while3A_124 = arith.constant 0 : i32
    %while3A_125 = arith.subi %select_n3A_123, %while3A : i32
    %while3A_126 = arith.addi %while3A, %while3A_125 : i32
    %while3A_127 = arith.constant 1 : i32
    %while3A_128 = arith.divsi %while3A_125, %while3A_127 : i32
    %while3A_129 = arith.muli %while3A_128, %while3A_127 : i32
    %while3A_130 = arith.addi %while3A, %while3A_129 : i32
    %while3A_131 = arith.constant 1 : i32
    %while3A_132 = scf.for %while3A_149 = %while3A to %while3A_130 step %while3A_131 iter_args(%while3A_150 = %while3A_124) -> (i32)  : i32 {
      %mul3A_151 = arith.constant 2 : i32
      %mul3A_152 = arith.muli %while3A_149, %mul3A_151 : i32
      %add3A_153 = arith.constant 0 : i32
      %add3A_154 = arith.addi %mul3A_152, %add3A_153 : i32
      %dma_wait3A_155 = arith.constant 0 : i32
      %dma_wait3A_156 = arith.constant 0 : i32
      %dma_wait3A_157 = tpu.memref_slice %arg2[%dma_wait3A_155, %dma_wait3A_156] : memref<10240x64xi32, #tpu.memory_space<hbm>> -> memref<10240x64xi32, #tpu.memory_space<hbm>>
      tpu.wait_indirect_dma semaphore(%arg29 : memref<!tpu.dma_semaphore, #tpu.memory_space<semaphore_mem>>) src(%dma_wait3A_157 : memref<10240x64xi32, #tpu.memory_space<hbm>>) dst(%arg17 : memref<80x64xi32, #tpu.memory_space<vmem>>)
      %dma_wait3A_158 = arith.constant 0 : i32
      %dma_wait3A_159 = arith.constant 0 : i32
      %dma_wait3A_160 = tpu.memref_slice %arg3[%dma_wait3A_158, %dma_wait3A_159] : memref<10240x64xi32, #tpu.memory_space<hbm>> -> memref<10240x64xi32, #tpu.memory_space<hbm>>
      tpu.wait_indirect_dma semaphore(%arg29 : memref<!tpu.dma_semaphore, #tpu.memory_space<semaphore_mem>>) src(%dma_wait3A_160 : memref<10240x64xi32, #tpu.memory_space<hbm>>) dst(%arg19 : memref<80x64xi32, #tpu.memory_space<vmem>>)
      %get3A_161 = arith.constant 0 : index
      %get3A_162 = tpu.vector_load %arg13[%get3A_161] {strides = array<i32>} : memref<80xi32, #tpu.memory_space<vmem>>, vector<16xi32>,
      %swap3A = arith.constant 0 : index
      %swap3A_163 = tpu.vector_load %arg15[%swap3A] {strides = array<i32>} : memref<80xi32, #tpu.memory_space<vmem>>, vector<16xi32>,
      tpu.vector_store %arg15[%swap3A], %get3A_162 {strides = array<i32>} : memref<80xi32, #tpu.memory_space<vmem>>, vector<16xi32>,
      %get3A_164 = arith.constant 16 : index
      %get3A_165 = tpu.vector_load %arg13[%get3A_164] {strides = array<i32>} : memref<80xi32, #tpu.memory_space<vmem>>, vector<16xi32>,
      %swap3A_166 = arith.constant 16 : index
      %swap3A_167 = tpu.vector_load %arg15[%swap3A_166] {strides = array<i32>} : memref<80xi32, #tpu.memory_space<vmem>>, vector<16xi32>,
      tpu.vector_store %arg15[%swap3A_166], %get3A_165 {strides = array<i32>} : memref<80xi32, #tpu.memory_space<vmem>>, vector<16xi32>,
      %get3A_168 = arith.constant 32 : index
      %get3A_169 = tpu.vector_load %arg13[%get3A_168] {strides = array<i32>} : memref<80xi32, #tpu.memory_space<vmem>>, vector<16xi32>,
      %swap3A_170 = arith.constant 32 : index
      %swap3A_171 = tpu.vector_load %arg15[%swap3A_170] {strides = array<i32>} : memref<80xi32, #tpu.memory_space<vmem>>, vector<16xi32>,
      tpu.vector_store %arg15[%swap3A_170], %get3A_169 {strides = array<i32>} : memref<80xi32, #tpu.memory_space<vmem>>, vector<16xi32>,
      %get3A_172 = arith.constant 48 : index
      %get3A_173 = tpu.vector_load %arg13[%get3A_172] {strides = array<i32>} : memref<80xi32, #tpu.memory_space<vmem>>, vector<16xi32>,
      %swap3A_174 = arith.constant 48 : index
      %swap3A_175 = tpu.vector_load %arg15[%swap3A_174] {strides = array<i32>} : memref<80xi32, #tpu.memory_space<vmem>>, vector<16xi32>,
      tpu.vector_store %arg15[%swap3A_174], %get3A_173 {strides = array<i32>} : memref<80xi32, #tpu.memory_space<vmem>>, vector<16xi32>,
      %get3A_176 = arith.constant 64 : index
      %get3A_177 = tpu.vector_load %arg13[%get3A_176] {strides = array<i32>} : memref<80xi32, #tpu.memory_space<vmem>>, vector<16xi32>,
      %swap3A_178 = arith.constant 64 : index
      %swap3A_179 = tpu.vector_load %arg15[%swap3A_178] {strides = array<i32>} : memref<80xi32, #tpu.memory_space<vmem>>, vector<16xi32>,
      tpu.vector_store %arg15[%swap3A_178], %get3A_177 {strides = array<i32>} : memref<80xi32, #tpu.memory_space<vmem>>, vector<16xi32>,
      %ge3A = arith.constant 1 : i32
      %ge3A_180 = arith.cmpi sge, %add3A_154, %ge3A : i32
      %convert_element_type3A = arith.extui %ge3A_180 : i1 to i32
      %cond3A = arith.constant 0 : i32
      %cond3A_181 = arith.cmpi ne, %convert_element_type3A, %cond3A : i32
      scf.if %cond3A_181 {
        %dma_wait3A_256 = arith.constant 0 : i32
        %dma_wait3A_257 = arith.constant 0 : i32
        %dma_wait3A_258 = tpu.memref_slice %arg9[%dma_wait3A_256, %dma_wait3A_257] : memref<10240x128xf32, #tpu.memory_space<vmem_shared>> -> memref<10240x128xf32, #tpu.memory_space<vmem_shared>>
        tpu.wait_indirect_dma semaphore(%arg32 : memref<!tpu.dma_semaphore, #tpu.memory_space<semaphore_mem>>) src(%arg22 : memref<80x128xf32, #tpu.memory_space<vmem>>) dst(%dma_wait3A_258 : memref<10240x128xf32, #tpu.memory_space<vmem_shared>>)
        %dma_wait3A_259 = arith.constant 0 : i32
        %dma_wait3A_260 = tpu.memref_slice %arg10[%dma_wait3A_259] : memref<10240xf32, #tpu.memory_space<vmem_shared>> -> memref<10240xf32, #tpu.memory_space<vmem_shared>>
        tpu.wait_indirect_dma semaphore(%arg34 : memref<!tpu.dma_semaphore, #tpu.memory_space<semaphore_mem>>) src(%arg24 : memref<80xf32, #tpu.memory_space<vmem>>) dst(%dma_wait3A_260 : memref<10240xf32, #tpu.memory_space<vmem_shared>>)
      } else {
      }
      %add3A_182 = arith.constant 1 : i32
      %add3A_183 = arith.addi %add3A_154, %add3A_182 : i32
      %lt3A = arith.cmpi slt, %add3A_183, %select_n3A : i32
      %convert_element_type3A_184 = arith.extui %lt3A : i1 to i32
      %cond3A_185 = arith.constant 0 : i32
      %cond3A_186 = arith.cmpi ne, %convert_element_type3A_184, %cond3A_185 : i32
      scf.if %cond3A_186 {
        %add3A_256 = arith.constant 1 : i32
        %add3A_257 = arith.addi %add3A_154, %add3A_256 : i32
        %mul3A_258 = arith.constant 80 : i32
        %mul3A_259 = arith.muli %add3A_257, %mul3A_258 : i32
        %add3A_260 = arith.addi %select_n3A_77, %mul3A_259 : i32
        %dma_wait3A_261 = tpu.memref_slice %arg4[%add3A_260] : memref<327680xi32, #tpu.memory_space<hbm>> -> memref<80xi32, #tpu.memory_space<hbm>>
        %dma_wait3A_262 = tpu.memref_slice %arg4[%add3A_260] : memref<327680xi32, #tpu.memory_space<hbm>> -> memref<80xi32, #tpu.memory_space<hbm>>
        tpu.wait_dma2 semaphore(%arg28 : memref<!tpu.dma_semaphore, #tpu.memory_space<semaphore_mem>>) src(%dma_wait3A_262 : memref<80xi32, #tpu.memory_space<hbm>>) dst(%arg12 : memref<80xi32, #tpu.memory_space<vmem>>)
        %mul3A_263 = arith.constant 80 : i32
        %mul3A_264 = arith.muli %add3A_257, %mul3A_263 : i32
        %add3A_265 = arith.addi %select_n3A_77, %mul3A_264 : i32
        %dma_wait3A_266 = tpu.memref_slice %arg5[%add3A_265] : memref<327680xi32, #tpu.memory_space<hbm>> -> memref<80xi32, #tpu.memory_space<hbm>>
        %dma_wait3A_267 = tpu.memref_slice %arg5[%add3A_265] : memref<327680xi32, #tpu.memory_space<hbm>> -> memref<80xi32, #tpu.memory_space<hbm>>
        tpu.wait_dma2 semaphore(%arg28 : memref<!tpu.dma_semaphore, #tpu.memory_space<semaphore_mem>>) src(%dma_wait3A_267 : memref<80xi32, #tpu.memory_space<hbm>>) dst(%arg14 : memref<80xi32, #tpu.memory_space<vmem>>)
        %dma_start3A_268 = arith.constant 0 : i32
        %dma_start3A_269 = arith.constant 0 : i32
        %dma_start3A_270 = tpu.memref_slice %arg2[%dma_start3A_268, %dma_start3A_269] : memref<10240x64xi32, #tpu.memory_space<hbm>> -> memref<10240x64xi32, #tpu.memory_space<hbm>>
        tpu.enqueue_indirect_dma source(%dma_start3A_270 : memref<10240x64xi32, #tpu.memory_space<hbm>>) target(%arg18 : memref<80x64xi32, #tpu.memory_space<vmem>>) offsets(%arg12 : memref<80xi32, #tpu.memory_space<vmem>>) semaphore(%arg30 : memref<!tpu.dma_semaphore, #tpu.memory_space<semaphore_mem>>)
        %dma_start3A_271 = arith.constant 0 : i32
        %dma_start3A_272 = arith.constant 0 : i32
        %dma_start3A_273 = tpu.memref_slice %arg3[%dma_start3A_271, %dma_start3A_272] : memref<10240x64xi32, #tpu.memory_space<hbm>> -> memref<10240x64xi32, #tpu.memory_space<hbm>>
        tpu.enqueue_indirect_dma source(%dma_start3A_273 : memref<10240x64xi32, #tpu.memory_space<hbm>>) target(%arg20 : memref<80x64xi32, #tpu.memory_space<vmem>>) offsets(%arg14 : memref<80xi32, #tpu.memory_space<vmem>>) semaphore(%arg30 : memref<!tpu.dma_semaphore, #tpu.memory_space<semaphore_mem>>)
      } else {
      }
      %add3A_187 = arith.constant 2 : i32
      %add3A_188 = arith.addi %add3A_154, %add3A_187 : i32
      %lt3A_189 = arith.cmpi slt, %add3A_188, %select_n3A : i32
      %convert_element_type3A_190 = arith.extui %lt3A_189 : i1 to i32
      %cond3A_191 = arith.constant 0 : i32
      %cond3A_192 = arith.cmpi ne, %convert_element_type3A_190, %cond3A_191 : i32
      scf.if %cond3A_192 {
        %add3A_256 = arith.constant 2 : i32
        %add3A_257 = arith.addi %add3A_154, %add3A_256 : i32
        %mul3A_258 = arith.constant 80 : i32
        %mul3A_259 = arith.muli %add3A_257, %mul3A_258 : i32
        %add3A_260 = arith.addi %select_n3A_77, %mul3A_259 : i32
        %dma_start3A_261 = tpu.memref_slice %arg4[%add3A_260] : memref<327680xi32, #tpu.memory_space<hbm>> -> memref<80xi32, #tpu.memory_space<hbm>>
        %dma_start3A_262 = tpu.memref_slice %arg4[%add3A_260] : memref<327680xi32, #tpu.memory_space<hbm>> -> memref<80xi32, #tpu.memory_space<hbm>>
        tpu.enqueue_dma source(%dma_start3A_262 : memref<80xi32, #tpu.memory_space<hbm>>) target(%arg11 : memref<80xi32, #tpu.memory_space<vmem>>) target_semaphore(%arg27 : memref<!tpu.dma_semaphore, #tpu.memory_space<semaphore_mem>>)
        %mul3A_263 = arith.constant 80 : i32
        %mul3A_264 = arith.muli %add3A_257, %mul3A_263 : i32
        %add3A_265 = arith.addi %select_n3A_77, %mul3A_264 : i32
        %dma_start3A_266 = tpu.memref_slice %arg5[%add3A_265] : memref<327680xi32, #tpu.memory_space<hbm>> -> memref<80xi32, #tpu.memory_space<hbm>>
        %dma_start3A_267 = tpu.memref_slice %arg5[%add3A_265] : memref<327680xi32, #tpu.memory_space<hbm>> -> memref<80xi32, #tpu.memory_space<hbm>>
        tpu.enqueue_dma source(%dma_start3A_267 : memref<80xi32, #tpu.memory_space<hbm>>) target(%arg13 : memref<80xi32, #tpu.memory_space<vmem>>) target_semaphore(%arg27 : memref<!tpu.dma_semaphore, #tpu.memory_space<semaphore_mem>>)
      } else {
      }
      %parallel_loop3A = arith.constant 0 : i32
      %parallel_loop3A_193 = arith.constant 80 : i32
      %parallel_loop3A_194 = arith.constant 1 : i32
      scf.for %parallel_loop3A_256 = %parallel_loop3A to %parallel_loop3A_193 step %parallel_loop3A_194  : i32 {
        %parallel_loop3A_257 = arith.constant 0.000000e+00 : f32
        %parallel_loop3A_258 = vector.broadcast %parallel_loop3A_257 : f32 to vector<16xf32>
        %parallel_loop3A_259 = arith.index_cast %parallel_loop3A_256 : i32 to index
        %parallel_loop3A_260 = arith.constant 0 : index
        %parallel_loop3A_261 = tpu.vector_load %arg17[%parallel_loop3A_259, %parallel_loop3A_260] {strides = array<i32>} : memref<80x64xi32, #tpu.memory_space<vmem>>, vector<16xi32>,
        %parallel_loop3A_262 = vector.bitcast %parallel_loop3A_261 : vector<16xi32> to vector<32xbf16>
        %parallel_loop3A_263 = tpu.unpack_subelements %parallel_loop3A_262, 0 {pack_format = #tpu.pack_format<interleaved>} : vector<32xbf16> -> vector<16xf32>
        %parallel_loop3A_264 = tpu.unpack_subelements %parallel_loop3A_262, 1 {pack_format = #tpu.pack_format<interleaved>} : vector<32xbf16> -> vector<16xf32>
        %parallel_loop3A_265 = arith.index_cast %parallel_loop3A_256 : i32 to index
        %parallel_loop3A_266 = arith.constant 0 : index
        %parallel_loop3A_267 = tpu.vector_load %arg19[%parallel_loop3A_265, %parallel_loop3A_266] {strides = array<i32>} : memref<80x64xi32, #tpu.memory_space<vmem>>, vector<16xi32>,
        %parallel_loop3A_268 = vector.bitcast %parallel_loop3A_267 : vector<16xi32> to vector<32xbf16>
        %parallel_loop3A_269 = tpu.unpack_subelements %parallel_loop3A_268, 0 {pack_format = #tpu.pack_format<interleaved>} : vector<32xbf16> -> vector<16xf32>
        %parallel_loop3A_270 = tpu.unpack_subelements %parallel_loop3A_268, 1 {pack_format = #tpu.pack_format<interleaved>} : vector<32xbf16> -> vector<16xf32>
        %parallel_loop3A_271 = arith.addf %parallel_loop3A_263, %parallel_loop3A_269 : vector<16xf32>
        %parallel_loop3A_272 = arith.constant 2.000000e-01 : f32
        %parallel_loop3A_273 = vector.broadcast %parallel_loop3A_272 : f32 to vector<16xf32>
        %parallel_loop3A_274 = arith.mulf %parallel_loop3A_273, %parallel_loop3A_271 : vector<16xf32>
        %parallel_loop3A_275 = arith.maximumf %parallel_loop3A_271, %parallel_loop3A_274 : vector<16xf32>
        %parallel_loop3A_276 = arith.mulf %parallel_loop3A_275, %get3A_49 : vector<16xf32>
        %parallel_loop3A_277 = arith.addf %parallel_loop3A_258, %parallel_loop3A_276 : vector<16xf32>
        %parallel_loop3A_278 = arith.addf %parallel_loop3A_264, %parallel_loop3A_270 : vector<16xf32>
        %parallel_loop3A_279 = arith.constant 2.000000e-01 : f32
        %parallel_loop3A_280 = vector.broadcast %parallel_loop3A_279 : f32 to vector<16xf32>
        %parallel_loop3A_281 = arith.mulf %parallel_loop3A_280, %parallel_loop3A_278 : vector<16xf32>
        %parallel_loop3A_282 = arith.maximumf %parallel_loop3A_278, %parallel_loop3A_281 : vector<16xf32>
        %parallel_loop3A_283 = arith.mulf %parallel_loop3A_282, %get3A_51 : vector<16xf32>
        %parallel_loop3A_284 = arith.addf %parallel_loop3A_277, %parallel_loop3A_283 : vector<16xf32>
        %parallel_loop3A_285 = arith.index_cast %parallel_loop3A_256 : i32 to index
        %parallel_loop3A_286 = arith.constant 16 : index
        %parallel_loop3A_287 = tpu.vector_load %arg17[%parallel_loop3A_285, %parallel_loop3A_286] {strides = array<i32>} : memref<80x64xi32, #tpu.memory_space<vmem>>, vector<16xi32>,
        %parallel_loop3A_288 = vector.bitcast %parallel_loop3A_287 : vector<16xi32> to vector<32xbf16>
        %parallel_loop3A_289 = tpu.unpack_subelements %parallel_loop3A_288, 0 {pack_format = #tpu.pack_format<interleaved>} : vector<32xbf16> -> vector<16xf32>
        %parallel_loop3A_290 = tpu.unpack_subelements %parallel_loop3A_288, 1 {pack_format = #tpu.pack_format<interleaved>} : vector<32xbf16> -> vector<16xf32>
        %parallel_loop3A_291 = arith.index_cast %parallel_loop3A_256 : i32 to index
        %parallel_loop3A_292 = arith.constant 16 : index
        %parallel_loop3A_293 = tpu.vector_load %arg19[%parallel_loop3A_291, %parallel_loop3A_292] {strides = array<i32>} : memref<80x64xi32, #tpu.memory_space<vmem>>, vector<16xi32>,
        %parallel_loop3A_294 = vector.bitcast %parallel_loop3A_293 : vector<16xi32> to vector<32xbf16>
        %parallel_loop3A_295 = tpu.unpack_subelements %parallel_loop3A_294, 0 {pack_format = #tpu.pack_format<interleaved>} : vector<32xbf16> -> vector<16xf32>
        %parallel_loop3A_296 = tpu.unpack_subelements %parallel_loop3A_294, 1 {pack_format = #tpu.pack_format<interleaved>} : vector<32xbf16> -> vector<16xf32>
        %parallel_loop3A_297 = arith.addf %parallel_loop3A_289, %parallel_loop3A_295 : vector<16xf32>
        %parallel_loop3A_298 = arith.constant 2.000000e-01 : f32
        %parallel_loop3A_299 = vector.broadcast %parallel_loop3A_298 : f32 to vector<16xf32>
        %parallel_loop3A_300 = arith.mulf %parallel_loop3A_299, %parallel_loop3A_297 : vector<16xf32>
        %parallel_loop3A_301 = arith.maximumf %parallel_loop3A_297, %parallel_loop3A_300 : vector<16xf32>
        %parallel_loop3A_302 = arith.mulf %parallel_loop3A_301, %get3A_53 : vector<16xf32>
        %parallel_loop3A_303 = arith.addf %parallel_loop3A_284, %parallel_loop3A_302 : vector<16xf32>
        %parallel_loop3A_304 = arith.addf %parallel_loop3A_290, %parallel_loop3A_296 : vector<16xf32>
        %parallel_loop3A_305 = arith.constant 2.000000e-01 : f32
        %parallel_loop3A_306 = vector.broadcast %parallel_loop3A_305 : f32 to vector<16xf32>
        %parallel_loop3A_307 = arith.mulf %parallel_loop3A_306, %parallel_loop3A_304 : vector<16xf32>
        %parallel_loop3A_308 = arith.maximumf %parallel_loop3A_304, %parallel_loop3A_307 : vector<16xf32>
        %parallel_loop3A_309 = arith.mulf %parallel_loop3A_308, %get3A_55 : vector<16xf32>
        %parallel_loop3A_310 = arith.addf %parallel_loop3A_303, %parallel_loop3A_309 : vector<16xf32>
        %parallel_loop3A_311 = arith.index_cast %parallel_loop3A_256 : i32 to index
        %parallel_loop3A_312 = arith.constant 32 : index
        %parallel_loop3A_313 = tpu.vector_load %arg17[%parallel_loop3A_311, %parallel_loop3A_312] {strides = array<i32>} : memref<80x64xi32, #tpu.memory_space<vmem>>, vector<16xi32>,
        %parallel_loop3A_314 = vector.bitcast %parallel_loop3A_313 : vector<16xi32> to vector<32xbf16>
        %parallel_loop3A_315 = tpu.unpack_subelements %parallel_loop3A_314, 0 {pack_format = #tpu.pack_format<interleaved>} : vector<32xbf16> -> vector<16xf32>
        %parallel_loop3A_316 = tpu.unpack_subelements %parallel_loop3A_314, 1 {pack_format = #tpu.pack_format<interleaved>} : vector<32xbf16> -> vector<16xf32>
        %parallel_loop3A_317 = arith.index_cast %parallel_loop3A_256 : i32 to index
        %parallel_loop3A_318 = arith.constant 32 : index
        %parallel_loop3A_319 = tpu.vector_load %arg19[%parallel_loop3A_317, %parallel_loop3A_318] {strides = array<i32>} : memref<80x64xi32, #tpu.memory_space<vmem>>, vector<16xi32>,
        %parallel_loop3A_320 = vector.bitcast %parallel_loop3A_319 : vector<16xi32> to vector<32xbf16>
        %parallel_loop3A_321 = tpu.unpack_subelements %parallel_loop3A_320, 0 {pack_format = #tpu.pack_format<interleaved>} : vector<32xbf16> -> vector<16xf32>
        %parallel_loop3A_322 = tpu.unpack_subelements %parallel_loop3A_320, 1 {pack_format = #tpu.pack_format<interleaved>} : vector<32xbf16> -> vector<16xf32>
        %parallel_loop3A_323 = arith.addf %parallel_loop3A_315, %parallel_loop3A_321 : vector<16xf32>
        %parallel_loop3A_324 = arith.constant 2.000000e-01 : f32
        %parallel_loop3A_325 = vector.broadcast %parallel_loop3A_324 : f32 to vector<16xf32>
        %parallel_loop3A_326 = arith.mulf %parallel_loop3A_325, %parallel_loop3A_323 : vector<16xf32>
        %parallel_loop3A_327 = arith.maximumf %parallel_loop3A_323, %parallel_loop3A_326 : vector<16xf32>
        %parallel_loop3A_328 = arith.mulf %parallel_loop3A_327, %get3A_57 : vector<16xf32>
        %parallel_loop3A_329 = arith.addf %parallel_loop3A_310, %parallel_loop3A_328 : vector<16xf32>
        %parallel_loop3A_330 = arith.addf %parallel_loop3A_316, %parallel_loop3A_322 : vector<16xf32>
        %parallel_loop3A_331 = arith.constant 2.000000e-01 : f32
        %parallel_loop3A_332 = vector.broadcast %parallel_loop3A_331 : f32 to vector<16xf32>
        %parallel_loop3A_333 = arith.mulf %parallel_loop3A_332, %parallel_loop3A_330 : vector<16xf32>
        %parallel_loop3A_334 = arith.maximumf %parallel_loop3A_330, %parallel_loop3A_333 : vector<16xf32>
        %parallel_loop3A_335 = arith.mulf %parallel_loop3A_334, %get3A_59 : vector<16xf32>
        %parallel_loop3A_336 = arith.addf %parallel_loop3A_329, %parallel_loop3A_335 : vector<16xf32>
        %parallel_loop3A_337 = arith.index_cast %parallel_loop3A_256 : i32 to index
        %parallel_loop3A_338 = arith.constant 48 : index
        %parallel_loop3A_339 = tpu.vector_load %arg17[%parallel_loop3A_337, %parallel_loop3A_338] {strides = array<i32>} : memref<80x64xi32, #tpu.memory_space<vmem>>, vector<16xi32>,
        %parallel_loop3A_340 = vector.bitcast %parallel_loop3A_339 : vector<16xi32> to vector<32xbf16>
        %parallel_loop3A_341 = tpu.unpack_subelements %parallel_loop3A_340, 0 {pack_format = #tpu.pack_format<interleaved>} : vector<32xbf16> -> vector<16xf32>
        %parallel_loop3A_342 = tpu.unpack_subelements %parallel_loop3A_340, 1 {pack_format = #tpu.pack_format<interleaved>} : vector<32xbf16> -> vector<16xf32>
        %parallel_loop3A_343 = arith.index_cast %parallel_loop3A_256 : i32 to index
        %parallel_loop3A_344 = arith.constant 48 : index
        %parallel_loop3A_345 = tpu.vector_load %arg19[%parallel_loop3A_343, %parallel_loop3A_344] {strides = array<i32>} : memref<80x64xi32, #tpu.memory_space<vmem>>, vector<16xi32>,
        %parallel_loop3A_346 = vector.bitcast %parallel_loop3A_345 : vector<16xi32> to vector<32xbf16>
        %parallel_loop3A_347 = tpu.unpack_subelements %parallel_loop3A_346, 0 {pack_format = #tpu.pack_format<interleaved>} : vector<32xbf16> -> vector<16xf32>
        %parallel_loop3A_348 = tpu.unpack_subelements %parallel_loop3A_346, 1 {pack_format = #tpu.pack_format<interleaved>} : vector<32xbf16> -> vector<16xf32>
        %parallel_loop3A_349 = arith.addf %parallel_loop3A_341, %parallel_loop3A_347 : vector<16xf32>
        %parallel_loop3A_350 = arith.constant 2.000000e-01 : f32
        %parallel_loop3A_351 = vector.broadcast %parallel_loop3A_350 : f32 to vector<16xf32>
        %parallel_loop3A_352 = arith.mulf %parallel_loop3A_351, %parallel_loop3A_349 : vector<16xf32>
        %parallel_loop3A_353 = arith.maximumf %parallel_loop3A_349, %parallel_loop3A_352 : vector<16xf32>
        %parallel_loop3A_354 = arith.mulf %parallel_loop3A_353, %get3A_61 : vector<16xf32>
        %parallel_loop3A_355 = arith.addf %parallel_loop3A_336, %parallel_loop3A_354 : vector<16xf32>
        %parallel_loop3A_356 = arith.addf %parallel_loop3A_342, %parallel_loop3A_348 : vector<16xf32>
        %parallel_loop3A_357 = arith.constant 2.000000e-01 : f32
        %parallel_loop3A_358 = vector.broadcast %parallel_loop3A_357 : f32 to vector<16xf32>
        %parallel_loop3A_359 = arith.mulf %parallel_loop3A_358, %parallel_loop3A_356 : vector<16xf32>
        %parallel_loop3A_360 = arith.maximumf %parallel_loop3A_356, %parallel_loop3A_359 : vector<16xf32>
        %parallel_loop3A_361 = arith.mulf %parallel_loop3A_360, %get3A_63 : vector<16xf32>
        %parallel_loop3A_362 = arith.addf %parallel_loop3A_355, %parallel_loop3A_361 : vector<16xf32>
        %parallel_loop3A_363 = arith.constant true
        %parallel_loop3A_364 = vector.broadcast %parallel_loop3A_363 : i1 to vector<16xi1>
        %parallel_loop3A_365 = tpu.scan <sum>, %parallel_loop3A_362 masked %parallel_loop3A_364 : vector<16xf32>, vector<16xi1> -> vector<16xf32>
        %parallel_loop3A_366 = vector.extract %parallel_loop3A_365[15] : f32 from vector<16xf32>
        %parallel_loop3A_367 = vector.broadcast %parallel_loop3A_366 : f32 to vector<16xf32>
        %parallel_loop3A_368 = math.exp %parallel_loop3A_367 : vector<16xf32>
        %parallel_loop3A_369 = vector.broadcast %parallel_loop3A_256 : i32 to vector<16xi32>
        tpu.vector_store_idx %arg23[%parallel_loop3A_369], %parallel_loop3A_368 masked %eq3A_65 : memref<80xf32, #tpu.memory_space<vmem>>[vector<16xi32>], vector<16xf32>, vector<16xi1>
        %parallel_loop3A_370 = arith.mulf %parallel_loop3A_263, %parallel_loop3A_368 : vector<16xf32>
        %parallel_loop3A_371 = arith.index_cast %parallel_loop3A_256 : i32 to index
        %parallel_loop3A_372 = arith.constant 0 : index
        %parallel_loop3A_373 = tpu.vector_load %arg21[%parallel_loop3A_371, %parallel_loop3A_372] {strides = array<i32>} : memref<80x128xf32, #tpu.memory_space<vmem>>, vector<16xf32>,
        tpu.vector_store %arg21[%parallel_loop3A_371, %parallel_loop3A_372], %parallel_loop3A_370 {strides = array<i32>} : memref<80x128xf32, #tpu.memory_space<vmem>>, vector<16xf32>,
        %parallel_loop3A_374 = arith.mulf %parallel_loop3A_264, %parallel_loop3A_368 : vector<16xf32>
        %parallel_loop3A_375 = arith.index_cast %parallel_loop3A_256 : i32 to index
        %parallel_loop3A_376 = arith.constant 16 : index
        %parallel_loop3A_377 = tpu.vector_load %arg21[%parallel_loop3A_375, %parallel_loop3A_376] {strides = array<i32>} : memref<80x128xf32, #tpu.memory_space<vmem>>, vector<16xf32>,
        tpu.vector_store %arg21[%parallel_loop3A_375, %parallel_loop3A_376], %parallel_loop3A_374 {strides = array<i32>} : memref<80x128xf32, #tpu.memory_space<vmem>>, vector<16xf32>,
        %parallel_loop3A_378 = arith.mulf %parallel_loop3A_289, %parallel_loop3A_368 : vector<16xf32>
        %parallel_loop3A_379 = arith.index_cast %parallel_loop3A_256 : i32 to index
        %parallel_loop3A_380 = arith.constant 32 : index
        %parallel_loop3A_381 = tpu.vector_load %arg21[%parallel_loop3A_379, %parallel_loop3A_380] {strides = array<i32>} : memref<80x128xf32, #tpu.memory_space<vmem>>, vector<16xf32>,
        tpu.vector_store %arg21[%parallel_loop3A_379, %parallel_loop3A_380], %parallel_loop3A_378 {strides = array<i32>} : memref<80x128xf32, #tpu.memory_space<vmem>>, vector<16xf32>,
        %parallel_loop3A_382 = arith.mulf %parallel_loop3A_290, %parallel_loop3A_368 : vector<16xf32>
        %parallel_loop3A_383 = arith.index_cast %parallel_loop3A_256 : i32 to index
        %parallel_loop3A_384 = arith.constant 48 : index
        %parallel_loop3A_385 = tpu.vector_load %arg21[%parallel_loop3A_383, %parallel_loop3A_384] {strides = array<i32>} : memref<80x128xf32, #tpu.memory_space<vmem>>, vector<16xf32>,
        tpu.vector_store %arg21[%parallel_loop3A_383, %parallel_loop3A_384], %parallel_loop3A_382 {strides = array<i32>} : memref<80x128xf32, #tpu.memory_space<vmem>>, vector<16xf32>,
        %parallel_loop3A_386 = arith.mulf %parallel_loop3A_315, %parallel_loop3A_368 : vector<16xf32>
        %parallel_loop3A_387 = arith.index_cast %parallel_loop3A_256 : i32 to index
        %parallel_loop3A_388 = arith.constant 64 : index
        %parallel_loop3A_389 = tpu.vector_load %arg21[%parallel_loop3A_387, %parallel_loop3A_388] {strides = array<i32>} : memref<80x128xf32, #tpu.memory_space<vmem>>, vector<16xf32>,
        tpu.vector_store %arg21[%parallel_loop3A_387, %parallel_loop3A_388], %parallel_loop3A_386 {strides = array<i32>} : memref<80x128xf32, #tpu.memory_space<vmem>>, vector<16xf32>,
        %parallel_loop3A_390 = arith.mulf %parallel_loop3A_316, %parallel_loop3A_368 : vector<16xf32>
        %parallel_loop3A_391 = arith.index_cast %parallel_loop3A_256 : i32 to index
        %parallel_loop3A_392 = arith.constant 80 : index
        %parallel_loop3A_393 = tpu.vector_load %arg21[%parallel_loop3A_391, %parallel_loop3A_392] {strides = array<i32>} : memref<80x128xf32, #tpu.memory_space<vmem>>, vector<16xf32>,
        tpu.vector_store %arg21[%parallel_loop3A_391, %parallel_loop3A_392], %parallel_loop3A_390 {strides = array<i32>} : memref<80x128xf32, #tpu.memory_space<vmem>>, vector<16xf32>,
        %parallel_loop3A_394 = arith.mulf %parallel_loop3A_341, %parallel_loop3A_368 : vector<16xf32>
        %parallel_loop3A_395 = arith.index_cast %parallel_loop3A_256 : i32 to index
        %parallel_loop3A_396 = arith.constant 96 : index
        %parallel_loop3A_397 = tpu.vector_load %arg21[%parallel_loop3A_395, %parallel_loop3A_396] {strides = array<i32>} : memref<80x128xf32, #tpu.memory_space<vmem>>, vector<16xf32>,
        tpu.vector_store %arg21[%parallel_loop3A_395, %parallel_loop3A_396], %parallel_loop3A_394 {strides = array<i32>} : memref<80x128xf32, #tpu.memory_space<vmem>>, vector<16xf32>,
        %parallel_loop3A_398 = arith.mulf %parallel_loop3A_342, %parallel_loop3A_368 : vector<16xf32>
        %parallel_loop3A_399 = arith.index_cast %parallel_loop3A_256 : i32 to index
        %parallel_loop3A_400 = arith.constant 112 : index
        %parallel_loop3A_401 = tpu.vector_load %arg21[%parallel_loop3A_399, %parallel_loop3A_400] {strides = array<i32>} : memref<80x128xf32, #tpu.memory_space<vmem>>, vector<16xf32>,
        tpu.vector_store %arg21[%parallel_loop3A_399, %parallel_loop3A_400], %parallel_loop3A_398 {strides = array<i32>} : memref<80x128xf32, #tpu.memory_space<vmem>>, vector<16xf32>,
      } {sc.loop_unroll_factor = 2 : i64, sc.parallel_access}
      %dma_start3A_195 = arith.constant 0 : i32
      %dma_start3A_196 = arith.constant 0 : i32
      %dma_start3A_197 = tpu.memref_slice %arg9[%dma_start3A_195, %dma_start3A_196] : memref<10240x128xf32, #tpu.memory_space<vmem_shared>> -> memref<10240x128xf32, #tpu.memory_space<vmem_shared>>
      tpu.enqueue_indirect_dma source(%arg21 : memref<80x128xf32, #tpu.memory_space<vmem>>) target(%dma_start3A_197 : memref<10240x128xf32, #tpu.memory_space<vmem_shared>>) offsets(%arg15 : memref<80xi32, #tpu.memory_space<vmem>>) semaphore(%arg31 : memref<!tpu.dma_semaphore, #tpu.memory_space<semaphore_mem>>) {add = true}
      %dma_start3A_198 = arith.constant 0 : i32
      %dma_start3A_199 = tpu.memref_slice %arg10[%dma_start3A_198] : memref<10240xf32, #tpu.memory_space<vmem_shared>> -> memref<10240xf32, #tpu.memory_space<vmem_shared>>
      tpu.enqueue_indirect_dma source(%arg23 : memref<80xf32, #tpu.memory_space<vmem>>) target(%dma_start3A_199 : memref<10240xf32, #tpu.memory_space<vmem_shared>>) offsets(%arg15 : memref<80xi32, #tpu.memory_space<vmem>>) semaphore(%arg33 : memref<!tpu.dma_semaphore, #tpu.memory_space<semaphore_mem>>) {add = true}
      %mul3A_200 = arith.constant 2 : i32
      %mul3A_201 = arith.muli %while3A_149, %mul3A_200 : i32
      %add3A_202 = arith.constant 1 : i32
      %add3A_203 = arith.addi %mul3A_201, %add3A_202 : i32
      %dma_wait3A_204 = arith.constant 0 : i32
      %dma_wait3A_205 = arith.constant 0 : i32
      %dma_wait3A_206 = tpu.memref_slice %arg2[%dma_wait3A_204, %dma_wait3A_205] : memref<10240x64xi32, #tpu.memory_space<hbm>> -> memref<10240x64xi32, #tpu.memory_space<hbm>>
      tpu.wait_indirect_dma semaphore(%arg30 : memref<!tpu.dma_semaphore, #tpu.memory_space<semaphore_mem>>) src(%dma_wait3A_206 : memref<10240x64xi32, #tpu.memory_space<hbm>>) dst(%arg18 : memref<80x64xi32, #tpu.memory_space<vmem>>)
      %dma_wait3A_207 = arith.constant 0 : i32
      %dma_wait3A_208 = arith.constant 0 : i32
      %dma_wait3A_209 = tpu.memref_slice %arg3[%dma_wait3A_207, %dma_wait3A_208] : memref<10240x64xi32, #tpu.memory_space<hbm>> -> memref<10240x64xi32, #tpu.memory_space<hbm>>
      tpu.wait_indirect_dma semaphore(%arg30 : memref<!tpu.dma_semaphore, #tpu.memory_space<semaphore_mem>>) src(%dma_wait3A_209 : memref<10240x64xi32, #tpu.memory_space<hbm>>) dst(%arg20 : memref<80x64xi32, #tpu.memory_space<vmem>>)
      %get3A_210 = arith.constant 0 : index
      %get3A_211 = tpu.vector_load %arg14[%get3A_210] {strides = array<i32>} : memref<80xi32, #tpu.memory_space<vmem>>, vector<16xi32>,
      %swap3A_212 = arith.constant 0 : index
      %swap3A_213 = tpu.vector_load %arg16[%swap3A_212] {strides = array<i32>} : memref<80xi32, #tpu.memory_space<vmem>>, vector<16xi32>,
      tpu.vector_store %arg16[%swap3A_212], %get3A_211 {strides = array<i32>} : memref<80xi32, #tpu.memory_space<vmem>>, vector<16xi32>,
      %get3A_214 = arith.constant 16 : index
      %get3A_215 = tpu.vector_load %arg14[%get3A_214] {strides = array<i32>} : memref<80xi32, #tpu.memory_space<vmem>>, vector<16xi32>,
      %swap3A_216 = arith.constant 16 : index
      %swap3A_217 = tpu.vector_load %arg16[%swap3A_216] {strides = array<i32>} : memref<80xi32, #tpu.memory_space<vmem>>, vector<16xi32>,
      tpu.vector_store %arg16[%swap3A_216], %get3A_215 {strides = array<i32>} : memref<80xi32, #tpu.memory_space<vmem>>, vector<16xi32>,
      %get3A_218 = arith.constant 32 : index
      %get3A_219 = tpu.vector_load %arg14[%get3A_218] {strides = array<i32>} : memref<80xi32, #tpu.memory_space<vmem>>, vector<16xi32>,
      %swap3A_220 = arith.constant 32 : index
      %swap3A_221 = tpu.vector_load %arg16[%swap3A_220] {strides = array<i32>} : memref<80xi32, #tpu.memory_space<vmem>>, vector<16xi32>,
      tpu.vector_store %arg16[%swap3A_220], %get3A_219 {strides = array<i32>} : memref<80xi32, #tpu.memory_space<vmem>>, vector<16xi32>,
      %get3A_222 = arith.constant 48 : index
      %get3A_223 = tpu.vector_load %arg14[%get3A_222] {strides = array<i32>} : memref<80xi32, #tpu.memory_space<vmem>>, vector<16xi32>,
      %swap3A_224 = arith.constant 48 : index
      %swap3A_225 = tpu.vector_load %arg16[%swap3A_224] {strides = array<i32>} : memref<80xi32, #tpu.memory_space<vmem>>, vector<16xi32>,
      tpu.vector_store %arg16[%swap3A_224], %get3A_223 {strides = array<i32>} : memref<80xi32, #tpu.memory_space<vmem>>, vector<16xi32>,
      %get3A_226 = arith.constant 64 : index
      %get3A_227 = tpu.vector_load %arg14[%get3A_226] {strides = array<i32>} : memref<80xi32, #tpu.memory_space<vmem>>, vector<16xi32>,
      %swap3A_228 = arith.constant 64 : index
      %swap3A_229 = tpu.vector_load %arg16[%swap3A_228] {strides = array<i32>} : memref<80xi32, #tpu.memory_space<vmem>>, vector<16xi32>,
      tpu.vector_store %arg16[%swap3A_228], %get3A_227 {strides = array<i32>} : memref<80xi32, #tpu.memory_space<vmem>>, vector<16xi32>,
      %ge3A_230 = arith.constant 1 : i32
      %ge3A_231 = arith.cmpi sge, %add3A_203, %ge3A_230 : i32
      %convert_element_type3A_232 = arith.extui %ge3A_231 : i1 to i32
      %cond3A_233 = arith.constant 0 : i32
      %cond3A_234 = arith.cmpi ne, %convert_element_type3A_232, %cond3A_233 : i32
      scf.if %cond3A_234 {
        %dma_wait3A_256 = arith.constant 0 : i32
        %dma_wait3A_257 = arith.constant 0 : i32
        %dma_wait3A_258 = tpu.memref_slice %arg9[%dma_wait3A_256, %dma_wait3A_257] : memref<10240x128xf32, #tpu.memory_space<vmem_shared>> -> memref<10240x128xf32, #tpu.memory_space<vmem_shared>>
        tpu.wait_indirect_dma semaphore(%arg31 : memref<!tpu.dma_semaphore, #tpu.memory_space<semaphore_mem>>) src(%arg21 : memref<80x128xf32, #tpu.memory_space<vmem>>) dst(%dma_wait3A_258 : memref<10240x128xf32, #tpu.memory_space<vmem_shared>>)
        %dma_wait3A_259 = arith.constant 0 : i32
        %dma_wait3A_260 = tpu.memref_slice %arg10[%dma_wait3A_259] : memref<10240xf32, #tpu.memory_space<vmem_shared>> -> memref<10240xf32, #tpu.memory_space<vmem_shared>>
        tpu.wait_indirect_dma semaphore(%arg33 : memref<!tpu.dma_semaphore, #tpu.memory_space<semaphore_mem>>) src(%arg23 : memref<80xf32, #tpu.memory_space<vmem>>) dst(%dma_wait3A_260 : memref<10240xf32, #tpu.memory_space<vmem_shared>>)
      } else {
      }
      %add3A_235 = arith.constant 1 : i32
      %add3A_236 = arith.addi %add3A_203, %add3A_235 : i32
      %lt3A_237 = arith.cmpi slt, %add3A_236, %select_n3A : i32
      %convert_element_type3A_238 = arith.extui %lt3A_237 : i1 to i32
      %cond3A_239 = arith.constant 0 : i32
      %cond3A_240 = arith.cmpi ne, %convert_element_type3A_238, %cond3A_239 : i32
      scf.if %cond3A_240 {
        %add3A_256 = arith.constant 1 : i32
        %add3A_257 = arith.addi %add3A_203, %add3A_256 : i32
        %mul3A_258 = arith.constant 80 : i32
        %mul3A_259 = arith.muli %add3A_257, %mul3A_258 : i32
        %add3A_260 = arith.addi %select_n3A_77, %mul3A_259 : i32
        %dma_wait3A_261 = tpu.memref_slice %arg4[%add3A_260] : memref<327680xi32, #tpu.memory_space<hbm>> -> memref<80xi32, #tpu.memory_space<hbm>>
        %dma_wait3A_262 = tpu.memref_slice %arg4[%add3A_260] : memref<327680xi32, #tpu.memory_space<hbm>> -> memref<80xi32, #tpu.memory_space<hbm>>
        tpu.wait_dma2 semaphore(%arg27 : memref<!tpu.dma_semaphore, #tpu.memory_space<semaphore_mem>>) src(%dma_wait3A_262 : memref<80xi32, #tpu.memory_space<hbm>>) dst(%arg11 : memref<80xi32, #tpu.memory_space<vmem>>)
        %mul3A_263 = arith.constant 80 : i32
        %mul3A_264 = arith.muli %add3A_257, %mul3A_263 : i32
        %add3A_265 = arith.addi %select_n3A_77, %mul3A_264 : i32
        %dma_wait3A_266 = tpu.memref_slice %arg5[%add3A_265] : memref<327680xi32, #tpu.memory_space<hbm>> -> memref<80xi32, #tpu.memory_space<hbm>>
        %dma_wait3A_267 = tpu.memref_slice %arg5[%add3A_265] : memref<327680xi32, #tpu.memory_space<hbm>> -> memref<80xi32, #tpu.memory_space<hbm>>
        tpu.wait_dma2 semaphore(%arg27 : memref<!tpu.dma_semaphore, #tpu.memory_space<semaphore_mem>>) src(%dma_wait3A_267 : memref<80xi32, #tpu.memory_space<hbm>>) dst(%arg13 : memref<80xi32, #tpu.memory_space<vmem>>)
        %dma_start3A_268 = arith.constant 0 : i32
        %dma_start3A_269 = arith.constant 0 : i32
        %dma_start3A_270 = tpu.memref_slice %arg2[%dma_start3A_268, %dma_start3A_269] : memref<10240x64xi32, #tpu.memory_space<hbm>> -> memref<10240x64xi32, #tpu.memory_space<hbm>>
        tpu.enqueue_indirect_dma source(%dma_start3A_270 : memref<10240x64xi32, #tpu.memory_space<hbm>>) target(%arg17 : memref<80x64xi32, #tpu.memory_space<vmem>>) offsets(%arg11 : memref<80xi32, #tpu.memory_space<vmem>>) semaphore(%arg29 : memref<!tpu.dma_semaphore, #tpu.memory_space<semaphore_mem>>)
        %dma_start3A_271 = arith.constant 0 : i32
        %dma_start3A_272 = arith.constant 0 : i32
        %dma_start3A_273 = tpu.memref_slice %arg3[%dma_start3A_271, %dma_start3A_272] : memref<10240x64xi32, #tpu.memory_space<hbm>> -> memref<10240x64xi32, #tpu.memory_space<hbm>>
        tpu.enqueue_indirect_dma source(%dma_start3A_273 : memref<10240x64xi32, #tpu.memory_space<hbm>>) target(%arg19 : memref<80x64xi32, #tpu.memory_space<vmem>>) offsets(%arg13 : memref<80xi32, #tpu.memory_space<vmem>>) semaphore(%arg29 : memref<!tpu.dma_semaphore, #tpu.memory_space<semaphore_mem>>)
      } else {
      }
      %add3A_241 = arith.constant 2 : i32
      %add3A_242 = arith.addi %add3A_203, %add3A_241 : i32
      %lt3A_243 = arith.cmpi slt, %add3A_242, %select_n3A : i32
      %convert_element_type3A_244 = arith.extui %lt3A_243 : i1 to i32
      %cond3A_245 = arith.constant 0 : i32
      %cond3A_246 = arith.cmpi ne, %convert_element_type3A_244, %cond3A_245 : i32
      scf.if %cond3A_246 {
        %add3A_256 = arith.constant 2 : i32
        %add3A_257 = arith.addi %add3A_203, %add3A_256 : i32
        %mul3A_258 = arith.constant 80 : i32
        %mul3A_259 = arith.muli %add3A_257, %mul3A_258 : i32
        %add3A_260 = arith.addi %select_n3A_77, %mul3A_259 : i32
        %dma_start3A_261 = tpu.memref_slice %arg4[%add3A_260] : memref<327680xi32, #tpu.memory_space<hbm>> -> memref<80xi32, #tpu.memory_space<hbm>>
        %dma_start3A_262 = tpu.memref_slice %arg4[%add3A_260] : memref<327680xi32, #tpu.memory_space<hbm>> -> memref<80xi32, #tpu.memory_space<hbm>>
        tpu.enqueue_dma source(%dma_start3A_262 : memref<80xi32, #tpu.memory_space<hbm>>) target(%arg12 : memref<80xi32, #tpu.memory_space<vmem>>) target_semaphore(%arg28 : memref<!tpu.dma_semaphore, #tpu.memory_space<semaphore_mem>>)
        %mul3A_263 = arith.constant 80 : i32
        %mul3A_264 = arith.muli %add3A_257, %mul3A_263 : i32
        %add3A_265 = arith.addi %select_n3A_77, %mul3A_264 : i32
        %dma_start3A_266 = tpu.memref_slice %arg5[%add3A_265] : memref<327680xi32, #tpu.memory_space<hbm>> -> memref<80xi32, #tpu.memory_space<hbm>>
        %dma_start3A_267 = tpu.memref_slice %arg5[%add3A_265] : memref<327680xi32, #tpu.memory_space<hbm>> -> memref<80xi32, #tpu.memory_space<hbm>>
        tpu.enqueue_dma source(%dma_start3A_267 : memref<80xi32, #tpu.memory_space<hbm>>) target(%arg14 : memref<80xi32, #tpu.memory_space<vmem>>) target_semaphore(%arg28 : memref<!tpu.dma_semaphore, #tpu.memory_space<semaphore_mem>>)
      } else {
      }
      %parallel_loop3A_247 = arith.constant 0 : i32
      %parallel_loop3A_248 = arith.constant 80 : i32
      %parallel_loop3A_249 = arith.constant 1 : i32
      scf.for %parallel_loop3A_256 = %parallel_loop3A_247 to %parallel_loop3A_248 step %parallel_loop3A_249  : i32 {
        %parallel_loop3A_257 = arith.constant 0.000000e+00 : f32
        %parallel_loop3A_258 = vector.broadcast %parallel_loop3A_257 : f32 to vector<16xf32>
        %parallel_loop3A_259 = arith.index_cast %parallel_loop3A_256 : i32 to index
        %parallel_loop3A_260 = arith.constant 0 : index
        %parallel_loop3A_261 = tpu.vector_load %arg18[%parallel_loop3A_259, %parallel_loop3A_260] {strides = array<i32>} : memref<80x64xi32, #tpu.memory_space<vmem>>, vector<16xi32>,
        %parallel_loop3A_262 = vector.bitcast %parallel_loop3A_261 : vector<16xi32> to vector<32xbf16>
        %parallel_loop3A_263 = tpu.unpack_subelements %parallel_loop3A_262, 0 {pack_format = #tpu.pack_format<interleaved>} : vector<32xbf16> -> vector<16xf32>
        %parallel_loop3A_264 = tpu.unpack_subelements %parallel_loop3A_262, 1 {pack_format = #tpu.pack_format<interleaved>} : vector<32xbf16> -> vector<16xf32>
        %parallel_loop3A_265 = arith.index_cast %parallel_loop3A_256 : i32 to index
        %parallel_loop3A_266 = arith.constant 0 : index
        %parallel_loop3A_267 = tpu.vector_load %arg20[%parallel_loop3A_265, %parallel_loop3A_266] {strides = array<i32>} : memref<80x64xi32, #tpu.memory_space<vmem>>, vector<16xi32>,
        %parallel_loop3A_268 = vector.bitcast %parallel_loop3A_267 : vector<16xi32> to vector<32xbf16>
        %parallel_loop3A_269 = tpu.unpack_subelements %parallel_loop3A_268, 0 {pack_format = #tpu.pack_format<interleaved>} : vector<32xbf16> -> vector<16xf32>
        %parallel_loop3A_270 = tpu.unpack_subelements %parallel_loop3A_268, 1 {pack_format = #tpu.pack_format<interleaved>} : vector<32xbf16> -> vector<16xf32>
        %parallel_loop3A_271 = arith.addf %parallel_loop3A_263, %parallel_loop3A_269 : vector<16xf32>
        %parallel_loop3A_272 = arith.constant 2.000000e-01 : f32
        %parallel_loop3A_273 = vector.broadcast %parallel_loop3A_272 : f32 to vector<16xf32>
        %parallel_loop3A_274 = arith.mulf %parallel_loop3A_273, %parallel_loop3A_271 : vector<16xf32>
        %parallel_loop3A_275 = arith.maximumf %parallel_loop3A_271, %parallel_loop3A_274 : vector<16xf32>
        %parallel_loop3A_276 = arith.mulf %parallel_loop3A_275, %get3A_49 : vector<16xf32>
        %parallel_loop3A_277 = arith.addf %parallel_loop3A_258, %parallel_loop3A_276 : vector<16xf32>
        %parallel_loop3A_278 = arith.addf %parallel_loop3A_264, %parallel_loop3A_270 : vector<16xf32>
        %parallel_loop3A_279 = arith.constant 2.000000e-01 : f32
        %parallel_loop3A_280 = vector.broadcast %parallel_loop3A_279 : f32 to vector<16xf32>
        %parallel_loop3A_281 = arith.mulf %parallel_loop3A_280, %parallel_loop3A_278 : vector<16xf32>
        %parallel_loop3A_282 = arith.maximumf %parallel_loop3A_278, %parallel_loop3A_281 : vector<16xf32>
        %parallel_loop3A_283 = arith.mulf %parallel_loop3A_282, %get3A_51 : vector<16xf32>
        %parallel_loop3A_284 = arith.addf %parallel_loop3A_277, %parallel_loop3A_283 : vector<16xf32>
        %parallel_loop3A_285 = arith.index_cast %parallel_loop3A_256 : i32 to index
        %parallel_loop3A_286 = arith.constant 16 : index
        %parallel_loop3A_287 = tpu.vector_load %arg18[%parallel_loop3A_285, %parallel_loop3A_286] {strides = array<i32>} : memref<80x64xi32, #tpu.memory_space<vmem>>, vector<16xi32>,
        %parallel_loop3A_288 = vector.bitcast %parallel_loop3A_287 : vector<16xi32> to vector<32xbf16>
        %parallel_loop3A_289 = tpu.unpack_subelements %parallel_loop3A_288, 0 {pack_format = #tpu.pack_format<interleaved>} : vector<32xbf16> -> vector<16xf32>
        %parallel_loop3A_290 = tpu.unpack_subelements %parallel_loop3A_288, 1 {pack_format = #tpu.pack_format<interleaved>} : vector<32xbf16> -> vector<16xf32>
        %parallel_loop3A_291 = arith.index_cast %parallel_loop3A_256 : i32 to index
        %parallel_loop3A_292 = arith.constant 16 : index
        %parallel_loop3A_293 = tpu.vector_load %arg20[%parallel_loop3A_291, %parallel_loop3A_292] {strides = array<i32>} : memref<80x64xi32, #tpu.memory_space<vmem>>, vector<16xi32>,
        %parallel_loop3A_294 = vector.bitcast %parallel_loop3A_293 : vector<16xi32> to vector<32xbf16>
        %parallel_loop3A_295 = tpu.unpack_subelements %parallel_loop3A_294, 0 {pack_format = #tpu.pack_format<interleaved>} : vector<32xbf16> -> vector<16xf32>
        %parallel_loop3A_296 = tpu.unpack_subelements %parallel_loop3A_294, 1 {pack_format = #tpu.pack_format<interleaved>} : vector<32xbf16> -> vector<16xf32>
        %parallel_loop3A_297 = arith.addf %parallel_loop3A_289, %parallel_loop3A_295 : vector<16xf32>
        %parallel_loop3A_298 = arith.constant 2.000000e-01 : f32
        %parallel_loop3A_299 = vector.broadcast %parallel_loop3A_298 : f32 to vector<16xf32>
        %parallel_loop3A_300 = arith.mulf %parallel_loop3A_299, %parallel_loop3A_297 : vector<16xf32>
        %parallel_loop3A_301 = arith.maximumf %parallel_loop3A_297, %parallel_loop3A_300 : vector<16xf32>
        %parallel_loop3A_302 = arith.mulf %parallel_loop3A_301, %get3A_53 : vector<16xf32>
        %parallel_loop3A_303 = arith.addf %parallel_loop3A_284, %parallel_loop3A_302 : vector<16xf32>
        %parallel_loop3A_304 = arith.addf %parallel_loop3A_290, %parallel_loop3A_296 : vector<16xf32>
        %parallel_loop3A_305 = arith.constant 2.000000e-01 : f32
        %parallel_loop3A_306 = vector.broadcast %parallel_loop3A_305 : f32 to vector<16xf32>
        %parallel_loop3A_307 = arith.mulf %parallel_loop3A_306, %parallel_loop3A_304 : vector<16xf32>
        %parallel_loop3A_308 = arith.maximumf %parallel_loop3A_304, %parallel_loop3A_307 : vector<16xf32>
        %parallel_loop3A_309 = arith.mulf %parallel_loop3A_308, %get3A_55 : vector<16xf32>
        %parallel_loop3A_310 = arith.addf %parallel_loop3A_303, %parallel_loop3A_309 : vector<16xf32>
        %parallel_loop3A_311 = arith.index_cast %parallel_loop3A_256 : i32 to index
        %parallel_loop3A_312 = arith.constant 32 : index
        %parallel_loop3A_313 = tpu.vector_load %arg18[%parallel_loop3A_311, %parallel_loop3A_312] {strides = array<i32>} : memref<80x64xi32, #tpu.memory_space<vmem>>, vector<16xi32>,
        %parallel_loop3A_314 = vector.bitcast %parallel_loop3A_313 : vector<16xi32> to vector<32xbf16>
        %parallel_loop3A_315 = tpu.unpack_subelements %parallel_loop3A_314, 0 {pack_format = #tpu.pack_format<interleaved>} : vector<32xbf16> -> vector<16xf32>
        %parallel_loop3A_316 = tpu.unpack_subelements %parallel_loop3A_314, 1 {pack_format = #tpu.pack_format<interleaved>} : vector<32xbf16> -> vector<16xf32>
        %parallel_loop3A_317 = arith.index_cast %parallel_loop3A_256 : i32 to index
        %parallel_loop3A_318 = arith.constant 32 : index
        %parallel_loop3A_319 = tpu.vector_load %arg20[%parallel_loop3A_317, %parallel_loop3A_318] {strides = array<i32>} : memref<80x64xi32, #tpu.memory_space<vmem>>, vector<16xi32>,
        %parallel_loop3A_320 = vector.bitcast %parallel_loop3A_319 : vector<16xi32> to vector<32xbf16>
        %parallel_loop3A_321 = tpu.unpack_subelements %parallel_loop3A_320, 0 {pack_format = #tpu.pack_format<interleaved>} : vector<32xbf16> -> vector<16xf32>
        %parallel_loop3A_322 = tpu.unpack_subelements %parallel_loop3A_320, 1 {pack_format = #tpu.pack_format<interleaved>} : vector<32xbf16> -> vector<16xf32>
        %parallel_loop3A_323 = arith.addf %parallel_loop3A_315, %parallel_loop3A_321 : vector<16xf32>
        %parallel_loop3A_324 = arith.constant 2.000000e-01 : f32
        %parallel_loop3A_325 = vector.broadcast %parallel_loop3A_324 : f32 to vector<16xf32>
        %parallel_loop3A_326 = arith.mulf %parallel_loop3A_325, %parallel_loop3A_323 : vector<16xf32>
        %parallel_loop3A_327 = arith.maximumf %parallel_loop3A_323, %parallel_loop3A_326 : vector<16xf32>
        %parallel_loop3A_328 = arith.mulf %parallel_loop3A_327, %get3A_57 : vector<16xf32>
        %parallel_loop3A_329 = arith.addf %parallel_loop3A_310, %parallel_loop3A_328 : vector<16xf32>
        %parallel_loop3A_330 = arith.addf %parallel_loop3A_316, %parallel_loop3A_322 : vector<16xf32>
        %parallel_loop3A_331 = arith.constant 2.000000e-01 : f32
        %parallel_loop3A_332 = vector.broadcast %parallel_loop3A_331 : f32 to vector<16xf32>
        %parallel_loop3A_333 = arith.mulf %parallel_loop3A_332, %parallel_loop3A_330 : vector<16xf32>
        %parallel_loop3A_334 = arith.maximumf %parallel_loop3A_330, %parallel_loop3A_333 : vector<16xf32>
        %parallel_loop3A_335 = arith.mulf %parallel_loop3A_334, %get3A_59 : vector<16xf32>
        %parallel_loop3A_336 = arith.addf %parallel_loop3A_329, %parallel_loop3A_335 : vector<16xf32>
        %parallel_loop3A_337 = arith.index_cast %parallel_loop3A_256 : i32 to index
        %parallel_loop3A_338 = arith.constant 48 : index
        %parallel_loop3A_339 = tpu.vector_load %arg18[%parallel_loop3A_337, %parallel_loop3A_338] {strides = array<i32>} : memref<80x64xi32, #tpu.memory_space<vmem>>, vector<16xi32>,
        %parallel_loop3A_340 = vector.bitcast %parallel_loop3A_339 : vector<16xi32> to vector<32xbf16>
        %parallel_loop3A_341 = tpu.unpack_subelements %parallel_loop3A_340, 0 {pack_format = #tpu.pack_format<interleaved>} : vector<32xbf16> -> vector<16xf32>
        %parallel_loop3A_342 = tpu.unpack_subelements %parallel_loop3A_340, 1 {pack_format = #tpu.pack_format<interleaved>} : vector<32xbf16> -> vector<16xf32>
        %parallel_loop3A_343 = arith.index_cast %parallel_loop3A_256 : i32 to index
        %parallel_loop3A_344 = arith.constant 48 : index
        %parallel_loop3A_345 = tpu.vector_load %arg20[%parallel_loop3A_343, %parallel_loop3A_344] {strides = array<i32>} : memref<80x64xi32, #tpu.memory_space<vmem>>, vector<16xi32>,
        %parallel_loop3A_346 = vector.bitcast %parallel_loop3A_345 : vector<16xi32> to vector<32xbf16>
        %parallel_loop3A_347 = tpu.unpack_subelements %parallel_loop3A_346, 0 {pack_format = #tpu.pack_format<interleaved>} : vector<32xbf16> -> vector<16xf32>
        %parallel_loop3A_348 = tpu.unpack_subelements %parallel_loop3A_346, 1 {pack_format = #tpu.pack_format<interleaved>} : vector<32xbf16> -> vector<16xf32>
        %parallel_loop3A_349 = arith.addf %parallel_loop3A_341, %parallel_loop3A_347 : vector<16xf32>
        %parallel_loop3A_350 = arith.constant 2.000000e-01 : f32
        %parallel_loop3A_351 = vector.broadcast %parallel_loop3A_350 : f32 to vector<16xf32>
        %parallel_loop3A_352 = arith.mulf %parallel_loop3A_351, %parallel_loop3A_349 : vector<16xf32>
        %parallel_loop3A_353 = arith.maximumf %parallel_loop3A_349, %parallel_loop3A_352 : vector<16xf32>
        %parallel_loop3A_354 = arith.mulf %parallel_loop3A_353, %get3A_61 : vector<16xf32>
        %parallel_loop3A_355 = arith.addf %parallel_loop3A_336, %parallel_loop3A_354 : vector<16xf32>
        %parallel_loop3A_356 = arith.addf %parallel_loop3A_342, %parallel_loop3A_348 : vector<16xf32>
        %parallel_loop3A_357 = arith.constant 2.000000e-01 : f32
        %parallel_loop3A_358 = vector.broadcast %parallel_loop3A_357 : f32 to vector<16xf32>
        %parallel_loop3A_359 = arith.mulf %parallel_loop3A_358, %parallel_loop3A_356 : vector<16xf32>
        %parallel_loop3A_360 = arith.maximumf %parallel_loop3A_356, %parallel_loop3A_359 : vector<16xf32>
        %parallel_loop3A_361 = arith.mulf %parallel_loop3A_360, %get3A_63 : vector<16xf32>
        %parallel_loop3A_362 = arith.addf %parallel_loop3A_355, %parallel_loop3A_361 : vector<16xf32>
        %parallel_loop3A_363 = arith.constant true
        %parallel_loop3A_364 = vector.broadcast %parallel_loop3A_363 : i1 to vector<16xi1>
        %parallel_loop3A_365 = tpu.scan <sum>, %parallel_loop3A_362 masked %parallel_loop3A_364 : vector<16xf32>, vector<16xi1> -> vector<16xf32>
        %parallel_loop3A_366 = vector.extract %parallel_loop3A_365[15] : f32 from vector<16xf32>
        %parallel_loop3A_367 = vector.broadcast %parallel_loop3A_366 : f32 to vector<16xf32>
        %parallel_loop3A_368 = math.exp %parallel_loop3A_367 : vector<16xf32>
        %parallel_loop3A_369 = vector.broadcast %parallel_loop3A_256 : i32 to vector<16xi32>
        tpu.vector_store_idx %arg24[%parallel_loop3A_369], %parallel_loop3A_368 masked %eq3A_65 : memref<80xf32, #tpu.memory_space<vmem>>[vector<16xi32>], vector<16xf32>, vector<16xi1>
        %parallel_loop3A_370 = arith.mulf %parallel_loop3A_263, %parallel_loop3A_368 : vector<16xf32>
        %parallel_loop3A_371 = arith.index_cast %parallel_loop3A_256 : i32 to index
        %parallel_loop3A_372 = arith.constant 0 : index
        %parallel_loop3A_373 = tpu.vector_load %arg22[%parallel_loop3A_371, %parallel_loop3A_372] {strides = array<i32>} : memref<80x128xf32, #tpu.memory_space<vmem>>, vector<16xf32>,
        tpu.vector_store %arg22[%parallel_loop3A_371, %parallel_loop3A_372], %parallel_loop3A_370 {strides = array<i32>} : memref<80x128xf32, #tpu.memory_space<vmem>>, vector<16xf32>,
        %parallel_loop3A_374 = arith.mulf %parallel_loop3A_264, %parallel_loop3A_368 : vector<16xf32>
        %parallel_loop3A_375 = arith.index_cast %parallel_loop3A_256 : i32 to index
        %parallel_loop3A_376 = arith.constant 16 : index
        %parallel_loop3A_377 = tpu.vector_load %arg22[%parallel_loop3A_375, %parallel_loop3A_376] {strides = array<i32>} : memref<80x128xf32, #tpu.memory_space<vmem>>, vector<16xf32>,
        tpu.vector_store %arg22[%parallel_loop3A_375, %parallel_loop3A_376], %parallel_loop3A_374 {strides = array<i32>} : memref<80x128xf32, #tpu.memory_space<vmem>>, vector<16xf32>,
        %parallel_loop3A_378 = arith.mulf %parallel_loop3A_289, %parallel_loop3A_368 : vector<16xf32>
        %parallel_loop3A_379 = arith.index_cast %parallel_loop3A_256 : i32 to index
        %parallel_loop3A_380 = arith.constant 32 : index
        %parallel_loop3A_381 = tpu.vector_load %arg22[%parallel_loop3A_379, %parallel_loop3A_380] {strides = array<i32>} : memref<80x128xf32, #tpu.memory_space<vmem>>, vector<16xf32>,
        tpu.vector_store %arg22[%parallel_loop3A_379, %parallel_loop3A_380], %parallel_loop3A_378 {strides = array<i32>} : memref<80x128xf32, #tpu.memory_space<vmem>>, vector<16xf32>,
        %parallel_loop3A_382 = arith.mulf %parallel_loop3A_290, %parallel_loop3A_368 : vector<16xf32>
        %parallel_loop3A_383 = arith.index_cast %parallel_loop3A_256 : i32 to index
        %parallel_loop3A_384 = arith.constant 48 : index
        %parallel_loop3A_385 = tpu.vector_load %arg22[%parallel_loop3A_383, %parallel_loop3A_384] {strides = array<i32>} : memref<80x128xf32, #tpu.memory_space<vmem>>, vector<16xf32>,
        tpu.vector_store %arg22[%parallel_loop3A_383, %parallel_loop3A_384], %parallel_loop3A_382 {strides = array<i32>} : memref<80x128xf32, #tpu.memory_space<vmem>>, vector<16xf32>,
        %parallel_loop3A_386 = arith.mulf %parallel_loop3A_315, %parallel_loop3A_368 : vector<16xf32>
        %parallel_loop3A_387 = arith.index_cast %parallel_loop3A_256 : i32 to index
        %parallel_loop3A_388 = arith.constant 64 : index
        %parallel_loop3A_389 = tpu.vector_load %arg22[%parallel_loop3A_387, %parallel_loop3A_388] {strides = array<i32>} : memref<80x128xf32, #tpu.memory_space<vmem>>, vector<16xf32>,
        tpu.vector_store %arg22[%parallel_loop3A_387, %parallel_loop3A_388], %parallel_loop3A_386 {strides = array<i32>} : memref<80x128xf32, #tpu.memory_space<vmem>>, vector<16xf32>,
        %parallel_loop3A_390 = arith.mulf %parallel_loop3A_316, %parallel_loop3A_368 : vector<16xf32>
        %parallel_loop3A_391 = arith.index_cast %parallel_loop3A_256 : i32 to index
        %parallel_loop3A_392 = arith.constant 80 : index
        %parallel_loop3A_393 = tpu.vector_load %arg22[%parallel_loop3A_391, %parallel_loop3A_392] {strides = array<i32>} : memref<80x128xf32, #tpu.memory_space<vmem>>, vector<16xf32>,
        tpu.vector_store %arg22[%parallel_loop3A_391, %parallel_loop3A_392], %parallel_loop3A_390 {strides = array<i32>} : memref<80x128xf32, #tpu.memory_space<vmem>>, vector<16xf32>,
        %parallel_loop3A_394 = arith.mulf %parallel_loop3A_341, %parallel_loop3A_368 : vector<16xf32>
        %parallel_loop3A_395 = arith.index_cast %parallel_loop3A_256 : i32 to index
        %parallel_loop3A_396 = arith.constant 96 : index
        %parallel_loop3A_397 = tpu.vector_load %arg22[%parallel_loop3A_395, %parallel_loop3A_396] {strides = array<i32>} : memref<80x128xf32, #tpu.memory_space<vmem>>, vector<16xf32>,
        tpu.vector_store %arg22[%parallel_loop3A_395, %parallel_loop3A_396], %parallel_loop3A_394 {strides = array<i32>} : memref<80x128xf32, #tpu.memory_space<vmem>>, vector<16xf32>,
        %parallel_loop3A_398 = arith.mulf %parallel_loop3A_342, %parallel_loop3A_368 : vector<16xf32>
        %parallel_loop3A_399 = arith.index_cast %parallel_loop3A_256 : i32 to index
        %parallel_loop3A_400 = arith.constant 112 : index
        %parallel_loop3A_401 = tpu.vector_load %arg22[%parallel_loop3A_399, %parallel_loop3A_400] {strides = array<i32>} : memref<80x128xf32, #tpu.memory_space<vmem>>, vector<16xf32>,
        tpu.vector_store %arg22[%parallel_loop3A_399, %parallel_loop3A_400], %parallel_loop3A_398 {strides = array<i32>} : memref<80x128xf32, #tpu.memory_space<vmem>>, vector<16xf32>,
      } {sc.loop_unroll_factor = 2 : i64, sc.parallel_access}
      %dma_start3A_250 = arith.constant 0 : i32
      %dma_start3A_251 = arith.constant 0 : i32
      %dma_start3A_252 = tpu.memref_slice %arg9[%dma_start3A_250, %dma_start3A_251] : memref<10240x128xf32, #tpu.memory_space<vmem_shared>> -> memref<10240x128xf32, #tpu.memory_space<vmem_shared>>
      tpu.enqueue_indirect_dma source(%arg22 : memref<80x128xf32, #tpu.memory_space<vmem>>) target(%dma_start3A_252 : memref<10240x128xf32, #tpu.memory_space<vmem_shared>>) offsets(%arg16 : memref<80xi32, #tpu.memory_space<vmem>>) semaphore(%arg32 : memref<!tpu.dma_semaphore, #tpu.memory_space<semaphore_mem>>) {add = true}
      %dma_start3A_253 = arith.constant 0 : i32
      %dma_start3A_254 = tpu.memref_slice %arg10[%dma_start3A_253] : memref<10240xf32, #tpu.memory_space<vmem_shared>> -> memref<10240xf32, #tpu.memory_space<vmem_shared>>
      tpu.enqueue_indirect_dma source(%arg24 : memref<80xf32, #tpu.memory_space<vmem>>) target(%dma_start3A_254 : memref<10240xf32, #tpu.memory_space<vmem_shared>>) offsets(%arg16 : memref<80xi32, #tpu.memory_space<vmem>>) semaphore(%arg34 : memref<!tpu.dma_semaphore, #tpu.memory_space<semaphore_mem>>) {add = true}
      %while3A_255 = arith.constant 0 : i32
      scf.yield %while3A_255 : i32
    }
    %while3A_133 = arith.constant 1 : i32
    %while3A_134 = scf.for %while3A_149 = %while3A_130 to %while3A_126 step %while3A_133 iter_args(%while3A_150 = %while3A_132) -> (i32)  : i32 {
      %mul3A_151 = arith.constant 2 : i32
      %mul3A_152 = arith.muli %while3A_149, %mul3A_151 : i32
      %add3A_153 = arith.constant 0 : i32
      %add3A_154 = arith.addi %mul3A_152, %add3A_153 : i32
      %dma_wait3A_155 = arith.constant 0 : i32
      %dma_wait3A_156 = arith.constant 0 : i32
      %dma_wait3A_157 = tpu.memref_slice %arg2[%dma_wait3A_155, %dma_wait3A_156] : memref<10240x64xi32, #tpu.memory_space<hbm>> -> memref<10240x64xi32, #tpu.memory_space<hbm>>
      tpu.wait_indirect_dma semaphore(%arg29 : memref<!tpu.dma_semaphore, #tpu.memory_space<semaphore_mem>>) src(%dma_wait3A_157 : memref<10240x64xi32, #tpu.memory_space<hbm>>) dst(%arg17 : memref<80x64xi32, #tpu.memory_space<vmem>>)
      %dma_wait3A_158 = arith.constant 0 : i32
      %dma_wait3A_159 = arith.constant 0 : i32
      %dma_wait3A_160 = tpu.memref_slice %arg3[%dma_wait3A_158, %dma_wait3A_159] : memref<10240x64xi32, #tpu.memory_space<hbm>> -> memref<10240x64xi32, #tpu.memory_space<hbm>>
      tpu.wait_indirect_dma semaphore(%arg29 : memref<!tpu.dma_semaphore, #tpu.memory_space<semaphore_mem>>) src(%dma_wait3A_160 : memref<10240x64xi32, #tpu.memory_space<hbm>>) dst(%arg19 : memref<80x64xi32, #tpu.memory_space<vmem>>)
      %get3A_161 = arith.constant 0 : index
      %get3A_162 = tpu.vector_load %arg13[%get3A_161] {strides = array<i32>} : memref<80xi32, #tpu.memory_space<vmem>>, vector<16xi32>,
      %swap3A = arith.constant 0 : index
      %swap3A_163 = tpu.vector_load %arg15[%swap3A] {strides = array<i32>} : memref<80xi32, #tpu.memory_space<vmem>>, vector<16xi32>,
      tpu.vector_store %arg15[%swap3A], %get3A_162 {strides = array<i32>} : memref<80xi32, #tpu.memory_space<vmem>>, vector<16xi32>,
      %get3A_164 = arith.constant 16 : index
      %get3A_165 = tpu.vector_load %arg13[%get3A_164] {strides = array<i32>} : memref<80xi32, #tpu.memory_space<vmem>>, vector<16xi32>,
      %swap3A_166 = arith.constant 16 : index
      %swap3A_167 = tpu.vector_load %arg15[%swap3A_166] {strides = array<i32>} : memref<80xi32, #tpu.memory_space<vmem>>, vector<16xi32>,
      tpu.vector_store %arg15[%swap3A_166], %get3A_165 {strides = array<i32>} : memref<80xi32, #tpu.memory_space<vmem>>, vector<16xi32>,
      %get3A_168 = arith.constant 32 : index
      %get3A_169 = tpu.vector_load %arg13[%get3A_168] {strides = array<i32>} : memref<80xi32, #tpu.memory_space<vmem>>, vector<16xi32>,
      %swap3A_170 = arith.constant 32 : index
      %swap3A_171 = tpu.vector_load %arg15[%swap3A_170] {strides = array<i32>} : memref<80xi32, #tpu.memory_space<vmem>>, vector<16xi32>,
      tpu.vector_store %arg15[%swap3A_170], %get3A_169 {strides = array<i32>} : memref<80xi32, #tpu.memory_space<vmem>>, vector<16xi32>,
      %get3A_172 = arith.constant 48 : index
      %get3A_173 = tpu.vector_load %arg13[%get3A_172] {strides = array<i32>} : memref<80xi32, #tpu.memory_space<vmem>>, vector<16xi32>,
      %swap3A_174 = arith.constant 48 : index
      %swap3A_175 = tpu.vector_load %arg15[%swap3A_174] {strides = array<i32>} : memref<80xi32, #tpu.memory_space<vmem>>, vector<16xi32>,
      tpu.vector_store %arg15[%swap3A_174], %get3A_173 {strides = array<i32>} : memref<80xi32, #tpu.memory_space<vmem>>, vector<16xi32>,
      %get3A_176 = arith.constant 64 : index
      %get3A_177 = tpu.vector_load %arg13[%get3A_176] {strides = array<i32>} : memref<80xi32, #tpu.memory_space<vmem>>, vector<16xi32>,
      %swap3A_178 = arith.constant 64 : index
      %swap3A_179 = tpu.vector_load %arg15[%swap3A_178] {strides = array<i32>} : memref<80xi32, #tpu.memory_space<vmem>>, vector<16xi32>,
      tpu.vector_store %arg15[%swap3A_178], %get3A_177 {strides = array<i32>} : memref<80xi32, #tpu.memory_space<vmem>>, vector<16xi32>,
      %ge3A = arith.constant 1 : i32
      %ge3A_180 = arith.cmpi sge, %add3A_154, %ge3A : i32
      %convert_element_type3A = arith.extui %ge3A_180 : i1 to i32
      %cond3A = arith.constant 0 : i32
      %cond3A_181 = arith.cmpi ne, %convert_element_type3A, %cond3A : i32
      scf.if %cond3A_181 {
        %dma_wait3A_256 = arith.constant 0 : i32
        %dma_wait3A_257 = arith.constant 0 : i32
        %dma_wait3A_258 = tpu.memref_slice %arg9[%dma_wait3A_256, %dma_wait3A_257] : memref<10240x128xf32, #tpu.memory_space<vmem_shared>> -> memref<10240x128xf32, #tpu.memory_space<vmem_shared>>
        tpu.wait_indirect_dma semaphore(%arg32 : memref<!tpu.dma_semaphore, #tpu.memory_space<semaphore_mem>>) src(%arg22 : memref<80x128xf32, #tpu.memory_space<vmem>>) dst(%dma_wait3A_258 : memref<10240x128xf32, #tpu.memory_space<vmem_shared>>)
        %dma_wait3A_259 = arith.constant 0 : i32
        %dma_wait3A_260 = tpu.memref_slice %arg10[%dma_wait3A_259] : memref<10240xf32, #tpu.memory_space<vmem_shared>> -> memref<10240xf32, #tpu.memory_space<vmem_shared>>
        tpu.wait_indirect_dma semaphore(%arg34 : memref<!tpu.dma_semaphore, #tpu.memory_space<semaphore_mem>>) src(%arg24 : memref<80xf32, #tpu.memory_space<vmem>>) dst(%dma_wait3A_260 : memref<10240xf32, #tpu.memory_space<vmem_shared>>)
      } else {
      }
      %add3A_182 = arith.constant 1 : i32
      %add3A_183 = arith.addi %add3A_154, %add3A_182 : i32
      %lt3A = arith.cmpi slt, %add3A_183, %select_n3A : i32
      %convert_element_type3A_184 = arith.extui %lt3A : i1 to i32
      %cond3A_185 = arith.constant 0 : i32
      %cond3A_186 = arith.cmpi ne, %convert_element_type3A_184, %cond3A_185 : i32
      scf.if %cond3A_186 {
        %add3A_256 = arith.constant 1 : i32
        %add3A_257 = arith.addi %add3A_154, %add3A_256 : i32
        %mul3A_258 = arith.constant 80 : i32
        %mul3A_259 = arith.muli %add3A_257, %mul3A_258 : i32
        %add3A_260 = arith.addi %select_n3A_77, %mul3A_259 : i32
        %dma_wait3A_261 = tpu.memref_slice %arg4[%add3A_260] : memref<327680xi32, #tpu.memory_space<hbm>> -> memref<80xi32, #tpu.memory_space<hbm>>
        %dma_wait3A_262 = tpu.memref_slice %arg4[%add3A_260] : memref<327680xi32, #tpu.memory_space<hbm>> -> memref<80xi32, #tpu.memory_space<hbm>>
        tpu.wait_dma2 semaphore(%arg28 : memref<!tpu.dma_semaphore, #tpu.memory_space<semaphore_mem>>) src(%dma_wait3A_262 : memref<80xi32, #tpu.memory_space<hbm>>) dst(%arg12 : memref<80xi32, #tpu.memory_space<vmem>>)
        %mul3A_263 = arith.constant 80 : i32
        %mul3A_264 = arith.muli %add3A_257, %mul3A_263 : i32
        %add3A_265 = arith.addi %select_n3A_77, %mul3A_264 : i32
        %dma_wait3A_266 = tpu.memref_slice %arg5[%add3A_265] : memref<327680xi32, #tpu.memory_space<hbm>> -> memref<80xi32, #tpu.memory_space<hbm>>
        %dma_wait3A_267 = tpu.memref_slice %arg5[%add3A_265] : memref<327680xi32, #tpu.memory_space<hbm>> -> memref<80xi32, #tpu.memory_space<hbm>>
        tpu.wait_dma2 semaphore(%arg28 : memref<!tpu.dma_semaphore, #tpu.memory_space<semaphore_mem>>) src(%dma_wait3A_267 : memref<80xi32, #tpu.memory_space<hbm>>) dst(%arg14 : memref<80xi32, #tpu.memory_space<vmem>>)
        %dma_start3A_268 = arith.constant 0 : i32
        %dma_start3A_269 = arith.constant 0 : i32
        %dma_start3A_270 = tpu.memref_slice %arg2[%dma_start3A_268, %dma_start3A_269] : memref<10240x64xi32, #tpu.memory_space<hbm>> -> memref<10240x64xi32, #tpu.memory_space<hbm>>
        tpu.enqueue_indirect_dma source(%dma_start3A_270 : memref<10240x64xi32, #tpu.memory_space<hbm>>) target(%arg18 : memref<80x64xi32, #tpu.memory_space<vmem>>) offsets(%arg12 : memref<80xi32, #tpu.memory_space<vmem>>) semaphore(%arg30 : memref<!tpu.dma_semaphore, #tpu.memory_space<semaphore_mem>>)
        %dma_start3A_271 = arith.constant 0 : i32
        %dma_start3A_272 = arith.constant 0 : i32
        %dma_start3A_273 = tpu.memref_slice %arg3[%dma_start3A_271, %dma_start3A_272] : memref<10240x64xi32, #tpu.memory_space<hbm>> -> memref<10240x64xi32, #tpu.memory_space<hbm>>
        tpu.enqueue_indirect_dma source(%dma_start3A_273 : memref<10240x64xi32, #tpu.memory_space<hbm>>) target(%arg20 : memref<80x64xi32, #tpu.memory_space<vmem>>) offsets(%arg14 : memref<80xi32, #tpu.memory_space<vmem>>) semaphore(%arg30 : memref<!tpu.dma_semaphore, #tpu.memory_space<semaphore_mem>>)
      } else {
      }
      %add3A_187 = arith.constant 2 : i32
      %add3A_188 = arith.addi %add3A_154, %add3A_187 : i32
      %lt3A_189 = arith.cmpi slt, %add3A_188, %select_n3A : i32
      %convert_element_type3A_190 = arith.extui %lt3A_189 : i1 to i32
      %cond3A_191 = arith.constant 0 : i32
      %cond3A_192 = arith.cmpi ne, %convert_element_type3A_190, %cond3A_191 : i32
      scf.if %cond3A_192 {
        %add3A_256 = arith.constant 2 : i32
        %add3A_257 = arith.addi %add3A_154, %add3A_256 : i32
        %mul3A_258 = arith.constant 80 : i32
        %mul3A_259 = arith.muli %add3A_257, %mul3A_258 : i32
        %add3A_260 = arith.addi %select_n3A_77, %mul3A_259 : i32
        %dma_start3A_261 = tpu.memref_slice %arg4[%add3A_260] : memref<327680xi32, #tpu.memory_space<hbm>> -> memref<80xi32, #tpu.memory_space<hbm>>
        %dma_start3A_262 = tpu.memref_slice %arg4[%add3A_260] : memref<327680xi32, #tpu.memory_space<hbm>> -> memref<80xi32, #tpu.memory_space<hbm>>
        tpu.enqueue_dma source(%dma_start3A_262 : memref<80xi32, #tpu.memory_space<hbm>>) target(%arg11 : memref<80xi32, #tpu.memory_space<vmem>>) target_semaphore(%arg27 : memref<!tpu.dma_semaphore, #tpu.memory_space<semaphore_mem>>)
        %mul3A_263 = arith.constant 80 : i32
        %mul3A_264 = arith.muli %add3A_257, %mul3A_263 : i32
        %add3A_265 = arith.addi %select_n3A_77, %mul3A_264 : i32
        %dma_start3A_266 = tpu.memref_slice %arg5[%add3A_265] : memref<327680xi32, #tpu.memory_space<hbm>> -> memref<80xi32, #tpu.memory_space<hbm>>
        %dma_start3A_267 = tpu.memref_slice %arg5[%add3A_265] : memref<327680xi32, #tpu.memory_space<hbm>> -> memref<80xi32, #tpu.memory_space<hbm>>
        tpu.enqueue_dma source(%dma_start3A_267 : memref<80xi32, #tpu.memory_space<hbm>>) target(%arg13 : memref<80xi32, #tpu.memory_space<vmem>>) target_semaphore(%arg27 : memref<!tpu.dma_semaphore, #tpu.memory_space<semaphore_mem>>)
      } else {
      }
      %parallel_loop3A = arith.constant 0 : i32
      %parallel_loop3A_193 = arith.constant 80 : i32
      %parallel_loop3A_194 = arith.constant 1 : i32
      scf.for %parallel_loop3A_256 = %parallel_loop3A to %parallel_loop3A_193 step %parallel_loop3A_194  : i32 {
        %parallel_loop3A_257 = arith.constant 0.000000e+00 : f32
        %parallel_loop3A_258 = vector.broadcast %parallel_loop3A_257 : f32 to vector<16xf32>
        %parallel_loop3A_259 = arith.index_cast %parallel_loop3A_256 : i32 to index
        %parallel_loop3A_260 = arith.constant 0 : index
        %parallel_loop3A_261 = tpu.vector_load %arg17[%parallel_loop3A_259, %parallel_loop3A_260] {strides = array<i32>} : memref<80x64xi32, #tpu.memory_space<vmem>>, vector<16xi32>,
        %parallel_loop3A_262 = vector.bitcast %parallel_loop3A_261 : vector<16xi32> to vector<32xbf16>
        %parallel_loop3A_263 = tpu.unpack_subelements %parallel_loop3A_262, 0 {pack_format = #tpu.pack_format<interleaved>} : vector<32xbf16> -> vector<16xf32>
        %parallel_loop3A_264 = tpu.unpack_subelements %parallel_loop3A_262, 1 {pack_format = #tpu.pack_format<interleaved>} : vector<32xbf16> -> vector<16xf32>
        %parallel_loop3A_265 = arith.index_cast %parallel_loop3A_256 : i32 to index
        %parallel_loop3A_266 = arith.constant 0 : index
        %parallel_loop3A_267 = tpu.vector_load %arg19[%parallel_loop3A_265, %parallel_loop3A_266] {strides = array<i32>} : memref<80x64xi32, #tpu.memory_space<vmem>>, vector<16xi32>,
        %parallel_loop3A_268 = vector.bitcast %parallel_loop3A_267 : vector<16xi32> to vector<32xbf16>
        %parallel_loop3A_269 = tpu.unpack_subelements %parallel_loop3A_268, 0 {pack_format = #tpu.pack_format<interleaved>} : vector<32xbf16> -> vector<16xf32>
        %parallel_loop3A_270 = tpu.unpack_subelements %parallel_loop3A_268, 1 {pack_format = #tpu.pack_format<interleaved>} : vector<32xbf16> -> vector<16xf32>
        %parallel_loop3A_271 = arith.addf %parallel_loop3A_263, %parallel_loop3A_269 : vector<16xf32>
        %parallel_loop3A_272 = arith.constant 2.000000e-01 : f32
        %parallel_loop3A_273 = vector.broadcast %parallel_loop3A_272 : f32 to vector<16xf32>
        %parallel_loop3A_274 = arith.mulf %parallel_loop3A_273, %parallel_loop3A_271 : vector<16xf32>
        %parallel_loop3A_275 = arith.maximumf %parallel_loop3A_271, %parallel_loop3A_274 : vector<16xf32>
        %parallel_loop3A_276 = arith.mulf %parallel_loop3A_275, %get3A_49 : vector<16xf32>
        %parallel_loop3A_277 = arith.addf %parallel_loop3A_258, %parallel_loop3A_276 : vector<16xf32>
        %parallel_loop3A_278 = arith.addf %parallel_loop3A_264, %parallel_loop3A_270 : vector<16xf32>
        %parallel_loop3A_279 = arith.constant 2.000000e-01 : f32
        %parallel_loop3A_280 = vector.broadcast %parallel_loop3A_279 : f32 to vector<16xf32>
        %parallel_loop3A_281 = arith.mulf %parallel_loop3A_280, %parallel_loop3A_278 : vector<16xf32>
        %parallel_loop3A_282 = arith.maximumf %parallel_loop3A_278, %parallel_loop3A_281 : vector<16xf32>
        %parallel_loop3A_283 = arith.mulf %parallel_loop3A_282, %get3A_51 : vector<16xf32>
        %parallel_loop3A_284 = arith.addf %parallel_loop3A_277, %parallel_loop3A_283 : vector<16xf32>
        %parallel_loop3A_285 = arith.index_cast %parallel_loop3A_256 : i32 to index
        %parallel_loop3A_286 = arith.constant 16 : index
        %parallel_loop3A_287 = tpu.vector_load %arg17[%parallel_loop3A_285, %parallel_loop3A_286] {strides = array<i32>} : memref<80x64xi32, #tpu.memory_space<vmem>>, vector<16xi32>,
        %parallel_loop3A_288 = vector.bitcast %parallel_loop3A_287 : vector<16xi32> to vector<32xbf16>
        %parallel_loop3A_289 = tpu.unpack_subelements %parallel_loop3A_288, 0 {pack_format = #tpu.pack_format<interleaved>} : vector<32xbf16> -> vector<16xf32>
        %parallel_loop3A_290 = tpu.unpack_subelements %parallel_loop3A_288, 1 {pack_format = #tpu.pack_format<interleaved>} : vector<32xbf16> -> vector<16xf32>
        %parallel_loop3A_291 = arith.index_cast %parallel_loop3A_256 : i32 to index
        %parallel_loop3A_292 = arith.constant 16 : index
        %parallel_loop3A_293 = tpu.vector_load %arg19[%parallel_loop3A_291, %parallel_loop3A_292] {strides = array<i32>} : memref<80x64xi32, #tpu.memory_space<vmem>>, vector<16xi32>,
        %parallel_loop3A_294 = vector.bitcast %parallel_loop3A_293 : vector<16xi32> to vector<32xbf16>
        %parallel_loop3A_295 = tpu.unpack_subelements %parallel_loop3A_294, 0 {pack_format = #tpu.pack_format<interleaved>} : vector<32xbf16> -> vector<16xf32>
        %parallel_loop3A_296 = tpu.unpack_subelements %parallel_loop3A_294, 1 {pack_format = #tpu.pack_format<interleaved>} : vector<32xbf16> -> vector<16xf32>
        %parallel_loop3A_297 = arith.addf %parallel_loop3A_289, %parallel_loop3A_295 : vector<16xf32>
        %parallel_loop3A_298 = arith.constant 2.000000e-01 : f32
        %parallel_loop3A_299 = vector.broadcast %parallel_loop3A_298 : f32 to vector<16xf32>
        %parallel_loop3A_300 = arith.mulf %parallel_loop3A_299, %parallel_loop3A_297 : vector<16xf32>
        %parallel_loop3A_301 = arith.maximumf %parallel_loop3A_297, %parallel_loop3A_300 : vector<16xf32>
        %parallel_loop3A_302 = arith.mulf %parallel_loop3A_301, %get3A_53 : vector<16xf32>
        %parallel_loop3A_303 = arith.addf %parallel_loop3A_284, %parallel_loop3A_302 : vector<16xf32>
        %parallel_loop3A_304 = arith.addf %parallel_loop3A_290, %parallel_loop3A_296 : vector<16xf32>
        %parallel_loop3A_305 = arith.constant 2.000000e-01 : f32
        %parallel_loop3A_306 = vector.broadcast %parallel_loop3A_305 : f32 to vector<16xf32>
        %parallel_loop3A_307 = arith.mulf %parallel_loop3A_306, %parallel_loop3A_304 : vector<16xf32>
        %parallel_loop3A_308 = arith.maximumf %parallel_loop3A_304, %parallel_loop3A_307 : vector<16xf32>
        %parallel_loop3A_309 = arith.mulf %parallel_loop3A_308, %get3A_55 : vector<16xf32>
        %parallel_loop3A_310 = arith.addf %parallel_loop3A_303, %parallel_loop3A_309 : vector<16xf32>
        %parallel_loop3A_311 = arith.index_cast %parallel_loop3A_256 : i32 to index
        %parallel_loop3A_312 = arith.constant 32 : index
        %parallel_loop3A_313 = tpu.vector_load %arg17[%parallel_loop3A_311, %parallel_loop3A_312] {strides = array<i32>} : memref<80x64xi32, #tpu.memory_space<vmem>>, vector<16xi32>,
        %parallel_loop3A_314 = vector.bitcast %parallel_loop3A_313 : vector<16xi32> to vector<32xbf16>
        %parallel_loop3A_315 = tpu.unpack_subelements %parallel_loop3A_314, 0 {pack_format = #tpu.pack_format<interleaved>} : vector<32xbf16> -> vector<16xf32>
        %parallel_loop3A_316 = tpu.unpack_subelements %parallel_loop3A_314, 1 {pack_format = #tpu.pack_format<interleaved>} : vector<32xbf16> -> vector<16xf32>
        %parallel_loop3A_317 = arith.index_cast %parallel_loop3A_256 : i32 to index
        %parallel_loop3A_318 = arith.constant 32 : index
        %parallel_loop3A_319 = tpu.vector_load %arg19[%parallel_loop3A_317, %parallel_loop3A_318] {strides = array<i32>} : memref<80x64xi32, #tpu.memory_space<vmem>>, vector<16xi32>,
        %parallel_loop3A_320 = vector.bitcast %parallel_loop3A_319 : vector<16xi32> to vector<32xbf16>
        %parallel_loop3A_321 = tpu.unpack_subelements %parallel_loop3A_320, 0 {pack_format = #tpu.pack_format<interleaved>} : vector<32xbf16> -> vector<16xf32>
        %parallel_loop3A_322 = tpu.unpack_subelements %parallel_loop3A_320, 1 {pack_format = #tpu.pack_format<interleaved>} : vector<32xbf16> -> vector<16xf32>
        %parallel_loop3A_323 = arith.addf %parallel_loop3A_315, %parallel_loop3A_321 : vector<16xf32>
        %parallel_loop3A_324 = arith.constant 2.000000e-01 : f32
        %parallel_loop3A_325 = vector.broadcast %parallel_loop3A_324 : f32 to vector<16xf32>
        %parallel_loop3A_326 = arith.mulf %parallel_loop3A_325, %parallel_loop3A_323 : vector<16xf32>
        %parallel_loop3A_327 = arith.maximumf %parallel_loop3A_323, %parallel_loop3A_326 : vector<16xf32>
        %parallel_loop3A_328 = arith.mulf %parallel_loop3A_327, %get3A_57 : vector<16xf32>
        %parallel_loop3A_329 = arith.addf %parallel_loop3A_310, %parallel_loop3A_328 : vector<16xf32>
        %parallel_loop3A_330 = arith.addf %parallel_loop3A_316, %parallel_loop3A_322 : vector<16xf32>
        %parallel_loop3A_331 = arith.constant 2.000000e-01 : f32
        %parallel_loop3A_332 = vector.broadcast %parallel_loop3A_331 : f32 to vector<16xf32>
        %parallel_loop3A_333 = arith.mulf %parallel_loop3A_332, %parallel_loop3A_330 : vector<16xf32>
        %parallel_loop3A_334 = arith.maximumf %parallel_loop3A_330, %parallel_loop3A_333 : vector<16xf32>
        %parallel_loop3A_335 = arith.mulf %parallel_loop3A_334, %get3A_59 : vector<16xf32>
        %parallel_loop3A_336 = arith.addf %parallel_loop3A_329, %parallel_loop3A_335 : vector<16xf32>
        %parallel_loop3A_337 = arith.index_cast %parallel_loop3A_256 : i32 to index
        %parallel_loop3A_338 = arith.constant 48 : index
        %parallel_loop3A_339 = tpu.vector_load %arg17[%parallel_loop3A_337, %parallel_loop3A_338] {strides = array<i32>} : memref<80x64xi32, #tpu.memory_space<vmem>>, vector<16xi32>,
        %parallel_loop3A_340 = vector.bitcast %parallel_loop3A_339 : vector<16xi32> to vector<32xbf16>
        %parallel_loop3A_341 = tpu.unpack_subelements %parallel_loop3A_340, 0 {pack_format = #tpu.pack_format<interleaved>} : vector<32xbf16> -> vector<16xf32>
        %parallel_loop3A_342 = tpu.unpack_subelements %parallel_loop3A_340, 1 {pack_format = #tpu.pack_format<interleaved>} : vector<32xbf16> -> vector<16xf32>
        %parallel_loop3A_343 = arith.index_cast %parallel_loop3A_256 : i32 to index
        %parallel_loop3A_344 = arith.constant 48 : index
        %parallel_loop3A_345 = tpu.vector_load %arg19[%parallel_loop3A_343, %parallel_loop3A_344] {strides = array<i32>} : memref<80x64xi32, #tpu.memory_space<vmem>>, vector<16xi32>,
        %parallel_loop3A_346 = vector.bitcast %parallel_loop3A_345 : vector<16xi32> to vector<32xbf16>
        %parallel_loop3A_347 = tpu.unpack_subelements %parallel_loop3A_346, 0 {pack_format = #tpu.pack_format<interleaved>} : vector<32xbf16> -> vector<16xf32>
        %parallel_loop3A_348 = tpu.unpack_subelements %parallel_loop3A_346, 1 {pack_format = #tpu.pack_format<interleaved>} : vector<32xbf16> -> vector<16xf32>
        %parallel_loop3A_349 = arith.addf %parallel_loop3A_341, %parallel_loop3A_347 : vector<16xf32>
        %parallel_loop3A_350 = arith.constant 2.000000e-01 : f32
        %parallel_loop3A_351 = vector.broadcast %parallel_loop3A_350 : f32 to vector<16xf32>
        %parallel_loop3A_352 = arith.mulf %parallel_loop3A_351, %parallel_loop3A_349 : vector<16xf32>
        %parallel_loop3A_353 = arith.maximumf %parallel_loop3A_349, %parallel_loop3A_352 : vector<16xf32>
        %parallel_loop3A_354 = arith.mulf %parallel_loop3A_353, %get3A_61 : vector<16xf32>
        %parallel_loop3A_355 = arith.addf %parallel_loop3A_336, %parallel_loop3A_354 : vector<16xf32>
        %parallel_loop3A_356 = arith.addf %parallel_loop3A_342, %parallel_loop3A_348 : vector<16xf32>
        %parallel_loop3A_357 = arith.constant 2.000000e-01 : f32
        %parallel_loop3A_358 = vector.broadcast %parallel_loop3A_357 : f32 to vector<16xf32>
        %parallel_loop3A_359 = arith.mulf %parallel_loop3A_358, %parallel_loop3A_356 : vector<16xf32>
        %parallel_loop3A_360 = arith.maximumf %parallel_loop3A_356, %parallel_loop3A_359 : vector<16xf32>
        %parallel_loop3A_361 = arith.mulf %parallel_loop3A_360, %get3A_63 : vector<16xf32>
        %parallel_loop3A_362 = arith.addf %parallel_loop3A_355, %parallel_loop3A_361 : vector<16xf32>
        %parallel_loop3A_363 = arith.constant true
        %parallel_loop3A_364 = vector.broadcast %parallel_loop3A_363 : i1 to vector<16xi1>
        %parallel_loop3A_365 = tpu.scan <sum>, %parallel_loop3A_362 masked %parallel_loop3A_364 : vector<16xf32>, vector<16xi1> -> vector<16xf32>
        %parallel_loop3A_366 = vector.extract %parallel_loop3A_365[15] : f32 from vector<16xf32>
        %parallel_loop3A_367 = vector.broadcast %parallel_loop3A_366 : f32 to vector<16xf32>
        %parallel_loop3A_368 = math.exp %parallel_loop3A_367 : vector<16xf32>
        %parallel_loop3A_369 = vector.broadcast %parallel_loop3A_256 : i32 to vector<16xi32>
        tpu.vector_store_idx %arg23[%parallel_loop3A_369], %parallel_loop3A_368 masked %eq3A_65 : memref<80xf32, #tpu.memory_space<vmem>>[vector<16xi32>], vector<16xf32>, vector<16xi1>
        %parallel_loop3A_370 = arith.mulf %parallel_loop3A_263, %parallel_loop3A_368 : vector<16xf32>
        %parallel_loop3A_371 = arith.index_cast %parallel_loop3A_256 : i32 to index
        %parallel_loop3A_372 = arith.constant 0 : index
        %parallel_loop3A_373 = tpu.vector_load %arg21[%parallel_loop3A_371, %parallel_loop3A_372] {strides = array<i32>} : memref<80x128xf32, #tpu.memory_space<vmem>>, vector<16xf32>,
        tpu.vector_store %arg21[%parallel_loop3A_371, %parallel_loop3A_372], %parallel_loop3A_370 {strides = array<i32>} : memref<80x128xf32, #tpu.memory_space<vmem>>, vector<16xf32>,
        %parallel_loop3A_374 = arith.mulf %parallel_loop3A_264, %parallel_loop3A_368 : vector<16xf32>
        %parallel_loop3A_375 = arith.index_cast %parallel_loop3A_256 : i32 to index
        %parallel_loop3A_376 = arith.constant 16 : index
        %parallel_loop3A_377 = tpu.vector_load %arg21[%parallel_loop3A_375, %parallel_loop3A_376] {strides = array<i32>} : memref<80x128xf32, #tpu.memory_space<vmem>>, vector<16xf32>,
        tpu.vector_store %arg21[%parallel_loop3A_375, %parallel_loop3A_376], %parallel_loop3A_374 {strides = array<i32>} : memref<80x128xf32, #tpu.memory_space<vmem>>, vector<16xf32>,
        %parallel_loop3A_378 = arith.mulf %parallel_loop3A_289, %parallel_loop3A_368 : vector<16xf32>
        %parallel_loop3A_379 = arith.index_cast %parallel_loop3A_256 : i32 to index
        %parallel_loop3A_380 = arith.constant 32 : index
        %parallel_loop3A_381 = tpu.vector_load %arg21[%parallel_loop3A_379, %parallel_loop3A_380] {strides = array<i32>} : memref<80x128xf32, #tpu.memory_space<vmem>>, vector<16xf32>,
        tpu.vector_store %arg21[%parallel_loop3A_379, %parallel_loop3A_380], %parallel_loop3A_378 {strides = array<i32>} : memref<80x128xf32, #tpu.memory_space<vmem>>, vector<16xf32>,
        %parallel_loop3A_382 = arith.mulf %parallel_loop3A_290, %parallel_loop3A_368 : vector<16xf32>
        %parallel_loop3A_383 = arith.index_cast %parallel_loop3A_256 : i32 to index
        %parallel_loop3A_384 = arith.constant 48 : index
        %parallel_loop3A_385 = tpu.vector_load %arg21[%parallel_loop3A_383, %parallel_loop3A_384] {strides = array<i32>} : memref<80x128xf32, #tpu.memory_space<vmem>>, vector<16xf32>,
        tpu.vector_store %arg21[%parallel_loop3A_383, %parallel_loop3A_384], %parallel_loop3A_382 {strides = array<i32>} : memref<80x128xf32, #tpu.memory_space<vmem>>, vector<16xf32>,
        %parallel_loop3A_386 = arith.mulf %parallel_loop3A_315, %parallel_loop3A_368 : vector<16xf32>
        %parallel_loop3A_387 = arith.index_cast %parallel_loop3A_256 : i32 to index
        %parallel_loop3A_388 = arith.constant 64 : index
        %parallel_loop3A_389 = tpu.vector_load %arg21[%parallel_loop3A_387, %parallel_loop3A_388] {strides = array<i32>} : memref<80x128xf32, #tpu.memory_space<vmem>>, vector<16xf32>,
        tpu.vector_store %arg21[%parallel_loop3A_387, %parallel_loop3A_388], %parallel_loop3A_386 {strides = array<i32>} : memref<80x128xf32, #tpu.memory_space<vmem>>, vector<16xf32>,
        %parallel_loop3A_390 = arith.mulf %parallel_loop3A_316, %parallel_loop3A_368 : vector<16xf32>
        %parallel_loop3A_391 = arith.index_cast %parallel_loop3A_256 : i32 to index
        %parallel_loop3A_392 = arith.constant 80 : index
        %parallel_loop3A_393 = tpu.vector_load %arg21[%parallel_loop3A_391, %parallel_loop3A_392] {strides = array<i32>} : memref<80x128xf32, #tpu.memory_space<vmem>>, vector<16xf32>,
        tpu.vector_store %arg21[%parallel_loop3A_391, %parallel_loop3A_392], %parallel_loop3A_390 {strides = array<i32>} : memref<80x128xf32, #tpu.memory_space<vmem>>, vector<16xf32>,
        %parallel_loop3A_394 = arith.mulf %parallel_loop3A_341, %parallel_loop3A_368 : vector<16xf32>
        %parallel_loop3A_395 = arith.index_cast %parallel_loop3A_256 : i32 to index
        %parallel_loop3A_396 = arith.constant 96 : index
        %parallel_loop3A_397 = tpu.vector_load %arg21[%parallel_loop3A_395, %parallel_loop3A_396] {strides = array<i32>} : memref<80x128xf32, #tpu.memory_space<vmem>>, vector<16xf32>,
        tpu.vector_store %arg21[%parallel_loop3A_395, %parallel_loop3A_396], %parallel_loop3A_394 {strides = array<i32>} : memref<80x128xf32, #tpu.memory_space<vmem>>, vector<16xf32>,
        %parallel_loop3A_398 = arith.mulf %parallel_loop3A_342, %parallel_loop3A_368 : vector<16xf32>
        %parallel_loop3A_399 = arith.index_cast %parallel_loop3A_256 : i32 to index
        %parallel_loop3A_400 = arith.constant 112 : index
        %parallel_loop3A_401 = tpu.vector_load %arg21[%parallel_loop3A_399, %parallel_loop3A_400] {strides = array<i32>} : memref<80x128xf32, #tpu.memory_space<vmem>>, vector<16xf32>,
        tpu.vector_store %arg21[%parallel_loop3A_399, %parallel_loop3A_400], %parallel_loop3A_398 {strides = array<i32>} : memref<80x128xf32, #tpu.memory_space<vmem>>, vector<16xf32>,
      } {sc.loop_unroll_factor = 2 : i64, sc.parallel_access}
      %dma_start3A_195 = arith.constant 0 : i32
      %dma_start3A_196 = arith.constant 0 : i32
      %dma_start3A_197 = tpu.memref_slice %arg9[%dma_start3A_195, %dma_start3A_196] : memref<10240x128xf32, #tpu.memory_space<vmem_shared>> -> memref<10240x128xf32, #tpu.memory_space<vmem_shared>>
      tpu.enqueue_indirect_dma source(%arg21 : memref<80x128xf32, #tpu.memory_space<vmem>>) target(%dma_start3A_197 : memref<10240x128xf32, #tpu.memory_space<vmem_shared>>) offsets(%arg15 : memref<80xi32, #tpu.memory_space<vmem>>) semaphore(%arg31 : memref<!tpu.dma_semaphore, #tpu.memory_space<semaphore_mem>>) {add = true}
      %dma_start3A_198 = arith.constant 0 : i32
      %dma_start3A_199 = tpu.memref_slice %arg10[%dma_start3A_198] : memref<10240xf32, #tpu.memory_space<vmem_shared>> -> memref<10240xf32, #tpu.memory_space<vmem_shared>>
      tpu.enqueue_indirect_dma source(%arg23 : memref<80xf32, #tpu.memory_space<vmem>>) target(%dma_start3A_199 : memref<10240xf32, #tpu.memory_space<vmem_shared>>) offsets(%arg15 : memref<80xi32, #tpu.memory_space<vmem>>) semaphore(%arg33 : memref<!tpu.dma_semaphore, #tpu.memory_space<semaphore_mem>>) {add = true}
      %mul3A_200 = arith.constant 2 : i32
      %mul3A_201 = arith.muli %while3A_149, %mul3A_200 : i32
      %add3A_202 = arith.constant 1 : i32
      %add3A_203 = arith.addi %mul3A_201, %add3A_202 : i32
      %dma_wait3A_204 = arith.constant 0 : i32
      %dma_wait3A_205 = arith.constant 0 : i32
      %dma_wait3A_206 = tpu.memref_slice %arg2[%dma_wait3A_204, %dma_wait3A_205] : memref<10240x64xi32, #tpu.memory_space<hbm>> -> memref<10240x64xi32, #tpu.memory_space<hbm>>
      tpu.wait_indirect_dma semaphore(%arg30 : memref<!tpu.dma_semaphore, #tpu.memory_space<semaphore_mem>>) src(%dma_wait3A_206 : memref<10240x64xi32, #tpu.memory_space<hbm>>) dst(%arg18 : memref<80x64xi32, #tpu.memory_space<vmem>>)
      %dma_wait3A_207 = arith.constant 0 : i32
      %dma_wait3A_208 = arith.constant 0 : i32
      %dma_wait3A_209 = tpu.memref_slice %arg3[%dma_wait3A_207, %dma_wait3A_208] : memref<10240x64xi32, #tpu.memory_space<hbm>> -> memref<10240x64xi32, #tpu.memory_space<hbm>>
      tpu.wait_indirect_dma semaphore(%arg30 : memref<!tpu.dma_semaphore, #tpu.memory_space<semaphore_mem>>) src(%dma_wait3A_209 : memref<10240x64xi32, #tpu.memory_space<hbm>>) dst(%arg20 : memref<80x64xi32, #tpu.memory_space<vmem>>)
      %get3A_210 = arith.constant 0 : index
      %get3A_211 = tpu.vector_load %arg14[%get3A_210] {strides = array<i32>} : memref<80xi32, #tpu.memory_space<vmem>>, vector<16xi32>,
      %swap3A_212 = arith.constant 0 : index
      %swap3A_213 = tpu.vector_load %arg16[%swap3A_212] {strides = array<i32>} : memref<80xi32, #tpu.memory_space<vmem>>, vector<16xi32>,
      tpu.vector_store %arg16[%swap3A_212], %get3A_211 {strides = array<i32>} : memref<80xi32, #tpu.memory_space<vmem>>, vector<16xi32>,
      %get3A_214 = arith.constant 16 : index
      %get3A_215 = tpu.vector_load %arg14[%get3A_214] {strides = array<i32>} : memref<80xi32, #tpu.memory_space<vmem>>, vector<16xi32>,
      %swap3A_216 = arith.constant 16 : index
      %swap3A_217 = tpu.vector_load %arg16[%swap3A_216] {strides = array<i32>} : memref<80xi32, #tpu.memory_space<vmem>>, vector<16xi32>,
      tpu.vector_store %arg16[%swap3A_216], %get3A_215 {strides = array<i32>} : memref<80xi32, #tpu.memory_space<vmem>>, vector<16xi32>,
      %get3A_218 = arith.constant 32 : index
      %get3A_219 = tpu.vector_load %arg14[%get3A_218] {strides = array<i32>} : memref<80xi32, #tpu.memory_space<vmem>>, vector<16xi32>,
      %swap3A_220 = arith.constant 32 : index
      %swap3A_221 = tpu.vector_load %arg16[%swap3A_220] {strides = array<i32>} : memref<80xi32, #tpu.memory_space<vmem>>, vector<16xi32>,
      tpu.vector_store %arg16[%swap3A_220], %get3A_219 {strides = array<i32>} : memref<80xi32, #tpu.memory_space<vmem>>, vector<16xi32>,
      %get3A_222 = arith.constant 48 : index
      %get3A_223 = tpu.vector_load %arg14[%get3A_222] {strides = array<i32>} : memref<80xi32, #tpu.memory_space<vmem>>, vector<16xi32>,
      %swap3A_224 = arith.constant 48 : index
      %swap3A_225 = tpu.vector_load %arg16[%swap3A_224] {strides = array<i32>} : memref<80xi32, #tpu.memory_space<vmem>>, vector<16xi32>,
      tpu.vector_store %arg16[%swap3A_224], %get3A_223 {strides = array<i32>} : memref<80xi32, #tpu.memory_space<vmem>>, vector<16xi32>,
      %get3A_226 = arith.constant 64 : index
      %get3A_227 = tpu.vector_load %arg14[%get3A_226] {strides = array<i32>} : memref<80xi32, #tpu.memory_space<vmem>>, vector<16xi32>,
      %swap3A_228 = arith.constant 64 : index
      %swap3A_229 = tpu.vector_load %arg16[%swap3A_228] {strides = array<i32>} : memref<80xi32, #tpu.memory_space<vmem>>, vector<16xi32>,
      tpu.vector_store %arg16[%swap3A_228], %get3A_227 {strides = array<i32>} : memref<80xi32, #tpu.memory_space<vmem>>, vector<16xi32>,
      %ge3A_230 = arith.constant 1 : i32
      %ge3A_231 = arith.cmpi sge, %add3A_203, %ge3A_230 : i32
      %convert_element_type3A_232 = arith.extui %ge3A_231 : i1 to i32
      %cond3A_233 = arith.constant 0 : i32
      %cond3A_234 = arith.cmpi ne, %convert_element_type3A_232, %cond3A_233 : i32
      scf.if %cond3A_234 {
        %dma_wait3A_256 = arith.constant 0 : i32
        %dma_wait3A_257 = arith.constant 0 : i32
        %dma_wait3A_258 = tpu.memref_slice %arg9[%dma_wait3A_256, %dma_wait3A_257] : memref<10240x128xf32, #tpu.memory_space<vmem_shared>> -> memref<10240x128xf32, #tpu.memory_space<vmem_shared>>
        tpu.wait_indirect_dma semaphore(%arg31 : memref<!tpu.dma_semaphore, #tpu.memory_space<semaphore_mem>>) src(%arg21 : memref<80x128xf32, #tpu.memory_space<vmem>>) dst(%dma_wait3A_258 : memref<10240x128xf32, #tpu.memory_space<vmem_shared>>)
        %dma_wait3A_259 = arith.constant 0 : i32
        %dma_wait3A_260 = tpu.memref_slice %arg10[%dma_wait3A_259] : memref<10240xf32, #tpu.memory_space<vmem_shared>> -> memref<10240xf32, #tpu.memory_space<vmem_shared>>
        tpu.wait_indirect_dma semaphore(%arg33 : memref<!tpu.dma_semaphore, #tpu.memory_space<semaphore_mem>>) src(%arg23 : memref<80xf32, #tpu.memory_space<vmem>>) dst(%dma_wait3A_260 : memref<10240xf32, #tpu.memory_space<vmem_shared>>)
      } else {
      }
      %add3A_235 = arith.constant 1 : i32
      %add3A_236 = arith.addi %add3A_203, %add3A_235 : i32
      %lt3A_237 = arith.cmpi slt, %add3A_236, %select_n3A : i32
      %convert_element_type3A_238 = arith.extui %lt3A_237 : i1 to i32
      %cond3A_239 = arith.constant 0 : i32
      %cond3A_240 = arith.cmpi ne, %convert_element_type3A_238, %cond3A_239 : i32
      scf.if %cond3A_240 {
        %add3A_256 = arith.constant 1 : i32
        %add3A_257 = arith.addi %add3A_203, %add3A_256 : i32
        %mul3A_258 = arith.constant 80 : i32
        %mul3A_259 = arith.muli %add3A_257, %mul3A_258 : i32
        %add3A_260 = arith.addi %select_n3A_77, %mul3A_259 : i32
        %dma_wait3A_261 = tpu.memref_slice %arg4[%add3A_260] : memref<327680xi32, #tpu.memory_space<hbm>> -> memref<80xi32, #tpu.memory_space<hbm>>
        %dma_wait3A_262 = tpu.memref_slice %arg4[%add3A_260] : memref<327680xi32, #tpu.memory_space<hbm>> -> memref<80xi32, #tpu.memory_space<hbm>>
        tpu.wait_dma2 semaphore(%arg27 : memref<!tpu.dma_semaphore, #tpu.memory_space<semaphore_mem>>) src(%dma_wait3A_262 : memref<80xi32, #tpu.memory_space<hbm>>) dst(%arg11 : memref<80xi32, #tpu.memory_space<vmem>>)
        %mul3A_263 = arith.constant 80 : i32
        %mul3A_264 = arith.muli %add3A_257, %mul3A_263 : i32
        %add3A_265 = arith.addi %select_n3A_77, %mul3A_264 : i32
        %dma_wait3A_266 = tpu.memref_slice %arg5[%add3A_265] : memref<327680xi32, #tpu.memory_space<hbm>> -> memref<80xi32, #tpu.memory_space<hbm>>
        %dma_wait3A_267 = tpu.memref_slice %arg5[%add3A_265] : memref<327680xi32, #tpu.memory_space<hbm>> -> memref<80xi32, #tpu.memory_space<hbm>>
        tpu.wait_dma2 semaphore(%arg27 : memref<!tpu.dma_semaphore, #tpu.memory_space<semaphore_mem>>) src(%dma_wait3A_267 : memref<80xi32, #tpu.memory_space<hbm>>) dst(%arg13 : memref<80xi32, #tpu.memory_space<vmem>>)
        %dma_start3A_268 = arith.constant 0 : i32
        %dma_start3A_269 = arith.constant 0 : i32
        %dma_start3A_270 = tpu.memref_slice %arg2[%dma_start3A_268, %dma_start3A_269] : memref<10240x64xi32, #tpu.memory_space<hbm>> -> memref<10240x64xi32, #tpu.memory_space<hbm>>
        tpu.enqueue_indirect_dma source(%dma_start3A_270 : memref<10240x64xi32, #tpu.memory_space<hbm>>) target(%arg17 : memref<80x64xi32, #tpu.memory_space<vmem>>) offsets(%arg11 : memref<80xi32, #tpu.memory_space<vmem>>) semaphore(%arg29 : memref<!tpu.dma_semaphore, #tpu.memory_space<semaphore_mem>>)
        %dma_start3A_271 = arith.constant 0 : i32
        %dma_start3A_272 = arith.constant 0 : i32
        %dma_start3A_273 = tpu.memref_slice %arg3[%dma_start3A_271, %dma_start3A_272] : memref<10240x64xi32, #tpu.memory_space<hbm>> -> memref<10240x64xi32, #tpu.memory_space<hbm>>
        tpu.enqueue_indirect_dma source(%dma_start3A_273 : memref<10240x64xi32, #tpu.memory_space<hbm>>) target(%arg19 : memref<80x64xi32, #tpu.memory_space<vmem>>) offsets(%arg13 : memref<80xi32, #tpu.memory_space<vmem>>) semaphore(%arg29 : memref<!tpu.dma_semaphore, #tpu.memory_space<semaphore_mem>>)
      } else {
      }
      %add3A_241 = arith.constant 2 : i32
      %add3A_242 = arith.addi %add3A_203, %add3A_241 : i32
      %lt3A_243 = arith.cmpi slt, %add3A_242, %select_n3A : i32
      %convert_element_type3A_244 = arith.extui %lt3A_243 : i1 to i32
      %cond3A_245 = arith.constant 0 : i32
      %cond3A_246 = arith.cmpi ne, %convert_element_type3A_244, %cond3A_245 : i32
      scf.if %cond3A_246 {
        %add3A_256 = arith.constant 2 : i32
        %add3A_257 = arith.addi %add3A_203, %add3A_256 : i32
        %mul3A_258 = arith.constant 80 : i32
        %mul3A_259 = arith.muli %add3A_257, %mul3A_258 : i32
        %add3A_260 = arith.addi %select_n3A_77, %mul3A_259 : i32
        %dma_start3A_261 = tpu.memref_slice %arg4[%add3A_260] : memref<327680xi32, #tpu.memory_space<hbm>> -> memref<80xi32, #tpu.memory_space<hbm>>
        %dma_start3A_262 = tpu.memref_slice %arg4[%add3A_260] : memref<327680xi32, #tpu.memory_space<hbm>> -> memref<80xi32, #tpu.memory_space<hbm>>
        tpu.enqueue_dma source(%dma_start3A_262 : memref<80xi32, #tpu.memory_space<hbm>>) target(%arg12 : memref<80xi32, #tpu.memory_space<vmem>>) target_semaphore(%arg28 : memref<!tpu.dma_semaphore, #tpu.memory_space<semaphore_mem>>)
        %mul3A_263 = arith.constant 80 : i32
        %mul3A_264 = arith.muli %add3A_257, %mul3A_263 : i32
        %add3A_265 = arith.addi %select_n3A_77, %mul3A_264 : i32
        %dma_start3A_266 = tpu.memref_slice %arg5[%add3A_265] : memref<327680xi32, #tpu.memory_space<hbm>> -> memref<80xi32, #tpu.memory_space<hbm>>
        %dma_start3A_267 = tpu.memref_slice %arg5[%add3A_265] : memref<327680xi32, #tpu.memory_space<hbm>> -> memref<80xi32, #tpu.memory_space<hbm>>
        tpu.enqueue_dma source(%dma_start3A_267 : memref<80xi32, #tpu.memory_space<hbm>>) target(%arg14 : memref<80xi32, #tpu.memory_space<vmem>>) target_semaphore(%arg28 : memref<!tpu.dma_semaphore, #tpu.memory_space<semaphore_mem>>)
      } else {
      }
      %parallel_loop3A_247 = arith.constant 0 : i32
      %parallel_loop3A_248 = arith.constant 80 : i32
      %parallel_loop3A_249 = arith.constant 1 : i32
      scf.for %parallel_loop3A_256 = %parallel_loop3A_247 to %parallel_loop3A_248 step %parallel_loop3A_249  : i32 {
        %parallel_loop3A_257 = arith.constant 0.000000e+00 : f32
        %parallel_loop3A_258 = vector.broadcast %parallel_loop3A_257 : f32 to vector<16xf32>
        %parallel_loop3A_259 = arith.index_cast %parallel_loop3A_256 : i32 to index
        %parallel_loop3A_260 = arith.constant 0 : index
        %parallel_loop3A_261 = tpu.vector_load %arg18[%parallel_loop3A_259, %parallel_loop3A_260] {strides = array<i32>} : memref<80x64xi32, #tpu.memory_space<vmem>>, vector<16xi32>,
        %parallel_loop3A_262 = vector.bitcast %parallel_loop3A_261 : vector<16xi32> to vector<32xbf16>
        %parallel_loop3A_263 = tpu.unpack_subelements %parallel_loop3A_262, 0 {pack_format = #tpu.pack_format<interleaved>} : vector<32xbf16> -> vector<16xf32>
        %parallel_loop3A_264 = tpu.unpack_subelements %parallel_loop3A_262, 1 {pack_format = #tpu.pack_format<interleaved>} : vector<32xbf16> -> vector<16xf32>
        %parallel_loop3A_265 = arith.index_cast %parallel_loop3A_256 : i32 to index
        %parallel_loop3A_266 = arith.constant 0 : index
        %parallel_loop3A_267 = tpu.vector_load %arg20[%parallel_loop3A_265, %parallel_loop3A_266] {strides = array<i32>} : memref<80x64xi32, #tpu.memory_space<vmem>>, vector<16xi32>,
        %parallel_loop3A_268 = vector.bitcast %parallel_loop3A_267 : vector<16xi32> to vector<32xbf16>
        %parallel_loop3A_269 = tpu.unpack_subelements %parallel_loop3A_268, 0 {pack_format = #tpu.pack_format<interleaved>} : vector<32xbf16> -> vector<16xf32>
        %parallel_loop3A_270 = tpu.unpack_subelements %parallel_loop3A_268, 1 {pack_format = #tpu.pack_format<interleaved>} : vector<32xbf16> -> vector<16xf32>
        %parallel_loop3A_271 = arith.addf %parallel_loop3A_263, %parallel_loop3A_269 : vector<16xf32>
        %parallel_loop3A_272 = arith.constant 2.000000e-01 : f32
        %parallel_loop3A_273 = vector.broadcast %parallel_loop3A_272 : f32 to vector<16xf32>
        %parallel_loop3A_274 = arith.mulf %parallel_loop3A_273, %parallel_loop3A_271 : vector<16xf32>
        %parallel_loop3A_275 = arith.maximumf %parallel_loop3A_271, %parallel_loop3A_274 : vector<16xf32>
        %parallel_loop3A_276 = arith.mulf %parallel_loop3A_275, %get3A_49 : vector<16xf32>
        %parallel_loop3A_277 = arith.addf %parallel_loop3A_258, %parallel_loop3A_276 : vector<16xf32>
        %parallel_loop3A_278 = arith.addf %parallel_loop3A_264, %parallel_loop3A_270 : vector<16xf32>
        %parallel_loop3A_279 = arith.constant 2.000000e-01 : f32
        %parallel_loop3A_280 = vector.broadcast %parallel_loop3A_279 : f32 to vector<16xf32>
        %parallel_loop3A_281 = arith.mulf %parallel_loop3A_280, %parallel_loop3A_278 : vector<16xf32>
        %parallel_loop3A_282 = arith.maximumf %parallel_loop3A_278, %parallel_loop3A_281 : vector<16xf32>
        %parallel_loop3A_283 = arith.mulf %parallel_loop3A_282, %get3A_51 : vector<16xf32>
        %parallel_loop3A_284 = arith.addf %parallel_loop3A_277, %parallel_loop3A_283 : vector<16xf32>
        %parallel_loop3A_285 = arith.index_cast %parallel_loop3A_256 : i32 to index
        %parallel_loop3A_286 = arith.constant 16 : index
        %parallel_loop3A_287 = tpu.vector_load %arg18[%parallel_loop3A_285, %parallel_loop3A_286] {strides = array<i32>} : memref<80x64xi32, #tpu.memory_space<vmem>>, vector<16xi32>,
        %parallel_loop3A_288 = vector.bitcast %parallel_loop3A_287 : vector<16xi32> to vector<32xbf16>
        %parallel_loop3A_289 = tpu.unpack_subelements %parallel_loop3A_288, 0 {pack_format = #tpu.pack_format<interleaved>} : vector<32xbf16> -> vector<16xf32>
        %parallel_loop3A_290 = tpu.unpack_subelements %parallel_loop3A_288, 1 {pack_format = #tpu.pack_format<interleaved>} : vector<32xbf16> -> vector<16xf32>
        %parallel_loop3A_291 = arith.index_cast %parallel_loop3A_256 : i32 to index
        %parallel_loop3A_292 = arith.constant 16 : index
        %parallel_loop3A_293 = tpu.vector_load %arg20[%parallel_loop3A_291, %parallel_loop3A_292] {strides = array<i32>} : memref<80x64xi32, #tpu.memory_space<vmem>>, vector<16xi32>,
        %parallel_loop3A_294 = vector.bitcast %parallel_loop3A_293 : vector<16xi32> to vector<32xbf16>
        %parallel_loop3A_295 = tpu.unpack_subelements %parallel_loop3A_294, 0 {pack_format = #tpu.pack_format<interleaved>} : vector<32xbf16> -> vector<16xf32>
        %parallel_loop3A_296 = tpu.unpack_subelements %parallel_loop3A_294, 1 {pack_format = #tpu.pack_format<interleaved>} : vector<32xbf16> -> vector<16xf32>
        %parallel_loop3A_297 = arith.addf %parallel_loop3A_289, %parallel_loop3A_295 : vector<16xf32>
        %parallel_loop3A_298 = arith.constant 2.000000e-01 : f32
        %parallel_loop3A_299 = vector.broadcast %parallel_loop3A_298 : f32 to vector<16xf32>
        %parallel_loop3A_300 = arith.mulf %parallel_loop3A_299, %parallel_loop3A_297 : vector<16xf32>
        %parallel_loop3A_301 = arith.maximumf %parallel_loop3A_297, %parallel_loop3A_300 : vector<16xf32>
        %parallel_loop3A_302 = arith.mulf %parallel_loop3A_301, %get3A_53 : vector<16xf32>
        %parallel_loop3A_303 = arith.addf %parallel_loop3A_284, %parallel_loop3A_302 : vector<16xf32>
        %parallel_loop3A_304 = arith.addf %parallel_loop3A_290, %parallel_loop3A_296 : vector<16xf32>
        %parallel_loop3A_305 = arith.constant 2.000000e-01 : f32
        %parallel_loop3A_306 = vector.broadcast %parallel_loop3A_305 : f32 to vector<16xf32>
        %parallel_loop3A_307 = arith.mulf %parallel_loop3A_306, %parallel_loop3A_304 : vector<16xf32>
        %parallel_loop3A_308 = arith.maximumf %parallel_loop3A_304, %parallel_loop3A_307 : vector<16xf32>
        %parallel_loop3A_309 = arith.mulf %parallel_loop3A_308, %get3A_55 : vector<16xf32>
        %parallel_loop3A_310 = arith.addf %parallel_loop3A_303, %parallel_loop3A_309 : vector<16xf32>
        %parallel_loop3A_311 = arith.index_cast %parallel_loop3A_256 : i32 to index
        %parallel_loop3A_312 = arith.constant 32 : index
        %parallel_loop3A_313 = tpu.vector_load %arg18[%parallel_loop3A_311, %parallel_loop3A_312] {strides = array<i32>} : memref<80x64xi32, #tpu.memory_space<vmem>>, vector<16xi32>,
        %parallel_loop3A_314 = vector.bitcast %parallel_loop3A_313 : vector<16xi32> to vector<32xbf16>
        %parallel_loop3A_315 = tpu.unpack_subelements %parallel_loop3A_314, 0 {pack_format = #tpu.pack_format<interleaved>} : vector<32xbf16> -> vector<16xf32>
        %parallel_loop3A_316 = tpu.unpack_subelements %parallel_loop3A_314, 1 {pack_format = #tpu.pack_format<interleaved>} : vector<32xbf16> -> vector<16xf32>
        %parallel_loop3A_317 = arith.index_cast %parallel_loop3A_256 : i32 to index
        %parallel_loop3A_318 = arith.constant 32 : index
        %parallel_loop3A_319 = tpu.vector_load %arg20[%parallel_loop3A_317, %parallel_loop3A_318] {strides = array<i32>} : memref<80x64xi32, #tpu.memory_space<vmem>>, vector<16xi32>,
        %parallel_loop3A_320 = vector.bitcast %parallel_loop3A_319 : vector<16xi32> to vector<32xbf16>
        %parallel_loop3A_321 = tpu.unpack_subelements %parallel_loop3A_320, 0 {pack_format = #tpu.pack_format<interleaved>} : vector<32xbf16> -> vector<16xf32>
        %parallel_loop3A_322 = tpu.unpack_subelements %parallel_loop3A_320, 1 {pack_format = #tpu.pack_format<interleaved>} : vector<32xbf16> -> vector<16xf32>
        %parallel_loop3A_323 = arith.addf %parallel_loop3A_315, %parallel_loop3A_321 : vector<16xf32>
        %parallel_loop3A_324 = arith.constant 2.000000e-01 : f32
        %parallel_loop3A_325 = vector.broadcast %parallel_loop3A_324 : f32 to vector<16xf32>
        %parallel_loop3A_326 = arith.mulf %parallel_loop3A_325, %parallel_loop3A_323 : vector<16xf32>
        %parallel_loop3A_327 = arith.maximumf %parallel_loop3A_323, %parallel_loop3A_326 : vector<16xf32>
        %parallel_loop3A_328 = arith.mulf %parallel_loop3A_327, %get3A_57 : vector<16xf32>
        %parallel_loop3A_329 = arith.addf %parallel_loop3A_310, %parallel_loop3A_328 : vector<16xf32>
        %parallel_loop3A_330 = arith.addf %parallel_loop3A_316, %parallel_loop3A_322 : vector<16xf32>
        %parallel_loop3A_331 = arith.constant 2.000000e-01 : f32
        %parallel_loop3A_332 = vector.broadcast %parallel_loop3A_331 : f32 to vector<16xf32>
        %parallel_loop3A_333 = arith.mulf %parallel_loop3A_332, %parallel_loop3A_330 : vector<16xf32>
        %parallel_loop3A_334 = arith.maximumf %parallel_loop3A_330, %parallel_loop3A_333 : vector<16xf32>
        %parallel_loop3A_335 = arith.mulf %parallel_loop3A_334, %get3A_59 : vector<16xf32>
        %parallel_loop3A_336 = arith.addf %parallel_loop3A_329, %parallel_loop3A_335 : vector<16xf32>
        %parallel_loop3A_337 = arith.index_cast %parallel_loop3A_256 : i32 to index
        %parallel_loop3A_338 = arith.constant 48 : index
        %parallel_loop3A_339 = tpu.vector_load %arg18[%parallel_loop3A_337, %parallel_loop3A_338] {strides = array<i32>} : memref<80x64xi32, #tpu.memory_space<vmem>>, vector<16xi32>,
        %parallel_loop3A_340 = vector.bitcast %parallel_loop3A_339 : vector<16xi32> to vector<32xbf16>
        %parallel_loop3A_341 = tpu.unpack_subelements %parallel_loop3A_340, 0 {pack_format = #tpu.pack_format<interleaved>} : vector<32xbf16> -> vector<16xf32>
        %parallel_loop3A_342 = tpu.unpack_subelements %parallel_loop3A_340, 1 {pack_format = #tpu.pack_format<interleaved>} : vector<32xbf16> -> vector<16xf32>
        %parallel_loop3A_343 = arith.index_cast %parallel_loop3A_256 : i32 to index
        %parallel_loop3A_344 = arith.constant 48 : index
        %parallel_loop3A_345 = tpu.vector_load %arg20[%parallel_loop3A_343, %parallel_loop3A_344] {strides = array<i32>} : memref<80x64xi32, #tpu.memory_space<vmem>>, vector<16xi32>,
        %parallel_loop3A_346 = vector.bitcast %parallel_loop3A_345 : vector<16xi32> to vector<32xbf16>
        %parallel_loop3A_347 = tpu.unpack_subelements %parallel_loop3A_346, 0 {pack_format = #tpu.pack_format<interleaved>} : vector<32xbf16> -> vector<16xf32>
        %parallel_loop3A_348 = tpu.unpack_subelements %parallel_loop3A_346, 1 {pack_format = #tpu.pack_format<interleaved>} : vector<32xbf16> -> vector<16xf32>
        %parallel_loop3A_349 = arith.addf %parallel_loop3A_341, %parallel_loop3A_347 : vector<16xf32>
        %parallel_loop3A_350 = arith.constant 2.000000e-01 : f32
        %parallel_loop3A_351 = vector.broadcast %parallel_loop3A_350 : f32 to vector<16xf32>
        %parallel_loop3A_352 = arith.mulf %parallel_loop3A_351, %parallel_loop3A_349 : vector<16xf32>
        %parallel_loop3A_353 = arith.maximumf %parallel_loop3A_349, %parallel_loop3A_352 : vector<16xf32>
        %parallel_loop3A_354 = arith.mulf %parallel_loop3A_353, %get3A_61 : vector<16xf32>
        %parallel_loop3A_355 = arith.addf %parallel_loop3A_336, %parallel_loop3A_354 : vector<16xf32>
        %parallel_loop3A_356 = arith.addf %parallel_loop3A_342, %parallel_loop3A_348 : vector<16xf32>
        %parallel_loop3A_357 = arith.constant 2.000000e-01 : f32
        %parallel_loop3A_358 = vector.broadcast %parallel_loop3A_357 : f32 to vector<16xf32>
        %parallel_loop3A_359 = arith.mulf %parallel_loop3A_358, %parallel_loop3A_356 : vector<16xf32>
        %parallel_loop3A_360 = arith.maximumf %parallel_loop3A_356, %parallel_loop3A_359 : vector<16xf32>
        %parallel_loop3A_361 = arith.mulf %parallel_loop3A_360, %get3A_63 : vector<16xf32>
        %parallel_loop3A_362 = arith.addf %parallel_loop3A_355, %parallel_loop3A_361 : vector<16xf32>
        %parallel_loop3A_363 = arith.constant true
        %parallel_loop3A_364 = vector.broadcast %parallel_loop3A_363 : i1 to vector<16xi1>
        %parallel_loop3A_365 = tpu.scan <sum>, %parallel_loop3A_362 masked %parallel_loop3A_364 : vector<16xf32>, vector<16xi1> -> vector<16xf32>
        %parallel_loop3A_366 = vector.extract %parallel_loop3A_365[15] : f32 from vector<16xf32>
        %parallel_loop3A_367 = vector.broadcast %parallel_loop3A_366 : f32 to vector<16xf32>
        %parallel_loop3A_368 = math.exp %parallel_loop3A_367 : vector<16xf32>
        %parallel_loop3A_369 = vector.broadcast %parallel_loop3A_256 : i32 to vector<16xi32>
        tpu.vector_store_idx %arg24[%parallel_loop3A_369], %parallel_loop3A_368 masked %eq3A_65 : memref<80xf32, #tpu.memory_space<vmem>>[vector<16xi32>], vector<16xf32>, vector<16xi1>
        %parallel_loop3A_370 = arith.mulf %parallel_loop3A_263, %parallel_loop3A_368 : vector<16xf32>
        %parallel_loop3A_371 = arith.index_cast %parallel_loop3A_256 : i32 to index
        %parallel_loop3A_372 = arith.constant 0 : index
        %parallel_loop3A_373 = tpu.vector_load %arg22[%parallel_loop3A_371, %parallel_loop3A_372] {strides = array<i32>} : memref<80x128xf32, #tpu.memory_space<vmem>>, vector<16xf32>,
        tpu.vector_store %arg22[%parallel_loop3A_371, %parallel_loop3A_372], %parallel_loop3A_370 {strides = array<i32>} : memref<80x128xf32, #tpu.memory_space<vmem>>, vector<16xf32>,
        %parallel_loop3A_374 = arith.mulf %parallel_loop3A_264, %parallel_loop3A_368 : vector<16xf32>
        %parallel_loop3A_375 = arith.index_cast %parallel_loop3A_256 : i32 to index
        %parallel_loop3A_376 = arith.constant 16 : index
        %parallel_loop3A_377 = tpu.vector_load %arg22[%parallel_loop3A_375, %parallel_loop3A_376] {strides = array<i32>} : memref<80x128xf32, #tpu.memory_space<vmem>>, vector<16xf32>,
        tpu.vector_store %arg22[%parallel_loop3A_375, %parallel_loop3A_376], %parallel_loop3A_374 {strides = array<i32>} : memref<80x128xf32, #tpu.memory_space<vmem>>, vector<16xf32>,
        %parallel_loop3A_378 = arith.mulf %parallel_loop3A_289, %parallel_loop3A_368 : vector<16xf32>
        %parallel_loop3A_379 = arith.index_cast %parallel_loop3A_256 : i32 to index
        %parallel_loop3A_380 = arith.constant 32 : index
        %parallel_loop3A_381 = tpu.vector_load %arg22[%parallel_loop3A_379, %parallel_loop3A_380] {strides = array<i32>} : memref<80x128xf32, #tpu.memory_space<vmem>>, vector<16xf32>,
        tpu.vector_store %arg22[%parallel_loop3A_379, %parallel_loop3A_380], %parallel_loop3A_378 {strides = array<i32>} : memref<80x128xf32, #tpu.memory_space<vmem>>, vector<16xf32>,
        %parallel_loop3A_382 = arith.mulf %parallel_loop3A_290, %parallel_loop3A_368 : vector<16xf32>
        %parallel_loop3A_383 = arith.index_cast %parallel_loop3A_256 : i32 to index
        %parallel_loop3A_384 = arith.constant 48 : index
        %parallel_loop3A_385 = tpu.vector_load %arg22[%parallel_loop3A_383, %parallel_loop3A_384] {strides = array<i32>} : memref<80x128xf32, #tpu.memory_space<vmem>>, vector<16xf32>,
        tpu.vector_store %arg22[%parallel_loop3A_383, %parallel_loop3A_384], %parallel_loop3A_382 {strides = array<i32>} : memref<80x128xf32, #tpu.memory_space<vmem>>, vector<16xf32>,
        %parallel_loop3A_386 = arith.mulf %parallel_loop3A_315, %parallel_loop3A_368 : vector<16xf32>
        %parallel_loop3A_387 = arith.index_cast %parallel_loop3A_256 : i32 to index
        %parallel_loop3A_388 = arith.constant 64 : index
        %parallel_loop3A_389 = tpu.vector_load %arg22[%parallel_loop3A_387, %parallel_loop3A_388] {strides = array<i32>} : memref<80x128xf32, #tpu.memory_space<vmem>>, vector<16xf32>,
        tpu.vector_store %arg22[%parallel_loop3A_387, %parallel_loop3A_388], %parallel_loop3A_386 {strides = array<i32>} : memref<80x128xf32, #tpu.memory_space<vmem>>, vector<16xf32>,
        %parallel_loop3A_390 = arith.mulf %parallel_loop3A_316, %parallel_loop3A_368 : vector<16xf32>
        %parallel_loop3A_391 = arith.index_cast %parallel_loop3A_256 : i32 to index
        %parallel_loop3A_392 = arith.constant 80 : index
        %parallel_loop3A_393 = tpu.vector_load %arg22[%parallel_loop3A_391, %parallel_loop3A_392] {strides = array<i32>} : memref<80x128xf32, #tpu.memory_space<vmem>>, vector<16xf32>,
        tpu.vector_store %arg22[%parallel_loop3A_391, %parallel_loop3A_392], %parallel_loop3A_390 {strides = array<i32>} : memref<80x128xf32, #tpu.memory_space<vmem>>, vector<16xf32>,
        %parallel_loop3A_394 = arith.mulf %parallel_loop3A_341, %parallel_loop3A_368 : vector<16xf32>
        %parallel_loop3A_395 = arith.index_cast %parallel_loop3A_256 : i32 to index
        %parallel_loop3A_396 = arith.constant 96 : index
        %parallel_loop3A_397 = tpu.vector_load %arg22[%parallel_loop3A_395, %parallel_loop3A_396] {strides = array<i32>} : memref<80x128xf32, #tpu.memory_space<vmem>>, vector<16xf32>,
        tpu.vector_store %arg22[%parallel_loop3A_395, %parallel_loop3A_396], %parallel_loop3A_394 {strides = array<i32>} : memref<80x128xf32, #tpu.memory_space<vmem>>, vector<16xf32>,
        %parallel_loop3A_398 = arith.mulf %parallel_loop3A_342, %parallel_loop3A_368 : vector<16xf32>
        %parallel_loop3A_399 = arith.index_cast %parallel_loop3A_256 : i32 to index
        %parallel_loop3A_400 = arith.constant 112 : index
        %parallel_loop3A_401 = tpu.vector_load %arg22[%parallel_loop3A_399, %parallel_loop3A_400] {strides = array<i32>} : memref<80x128xf32, #tpu.memory_space<vmem>>, vector<16xf32>,
        tpu.vector_store %arg22[%parallel_loop3A_399, %parallel_loop3A_400], %parallel_loop3A_398 {strides = array<i32>} : memref<80x128xf32, #tpu.memory_space<vmem>>, vector<16xf32>,
      } {sc.loop_unroll_factor = 2 : i64, sc.parallel_access}
      %dma_start3A_250 = arith.constant 0 : i32
      %dma_start3A_251 = arith.constant 0 : i32
      %dma_start3A_252 = tpu.memref_slice %arg9[%dma_start3A_250, %dma_start3A_251] : memref<10240x128xf32, #tpu.memory_space<vmem_shared>> -> memref<10240x128xf32, #tpu.memory_space<vmem_shared>>
      tpu.enqueue_indirect_dma source(%arg22 : memref<80x128xf32, #tpu.memory_space<vmem>>) target(%dma_start3A_252 : memref<10240x128xf32, #tpu.memory_space<vmem_shared>>) offsets(%arg16 : memref<80xi32, #tpu.memory_space<vmem>>) semaphore(%arg32 : memref<!tpu.dma_semaphore, #tpu.memory_space<semaphore_mem>>) {add = true}
      %dma_start3A_253 = arith.constant 0 : i32
      %dma_start3A_254 = tpu.memref_slice %arg10[%dma_start3A_253] : memref<10240xf32, #tpu.memory_space<vmem_shared>> -> memref<10240xf32, #tpu.memory_space<vmem_shared>>
      tpu.enqueue_indirect_dma source(%arg24 : memref<80xf32, #tpu.memory_space<vmem>>) target(%dma_start3A_254 : memref<10240xf32, #tpu.memory_space<vmem_shared>>) offsets(%arg16 : memref<80xi32, #tpu.memory_space<vmem>>) semaphore(%arg34 : memref<!tpu.dma_semaphore, #tpu.memory_space<semaphore_mem>>) {add = true}
      %while3A_255 = arith.constant 0 : i32
      scf.yield %while3A_255 : i32
    }
    %dma_wait3A_135 = arith.constant 0 : i32
    %dma_wait3A_136 = arith.constant 0 : i32
    %dma_wait3A_137 = tpu.memref_slice %arg9[%dma_wait3A_135, %dma_wait3A_136] : memref<10240x128xf32, #tpu.memory_space<vmem_shared>> -> memref<10240x128xf32, #tpu.memory_space<vmem_shared>>
    tpu.wait_indirect_dma semaphore(%arg32 : memref<!tpu.dma_semaphore, #tpu.memory_space<semaphore_mem>>) src(%arg22 : memref<80x128xf32, #tpu.memory_space<vmem>>) dst(%dma_wait3A_137 : memref<10240x128xf32, #tpu.memory_space<vmem_shared>>)
    %dma_wait3A_138 = arith.constant 0 : i32
    %dma_wait3A_139 = tpu.memref_slice %arg10[%dma_wait3A_138] : memref<10240xf32, #tpu.memory_space<vmem_shared>> -> memref<10240xf32, #tpu.memory_space<vmem_shared>>
    tpu.wait_indirect_dma semaphore(%arg34 : memref<!tpu.dma_semaphore, #tpu.memory_space<semaphore_mem>>) src(%arg24 : memref<80xf32, #tpu.memory_space<vmem>>) dst(%dma_wait3A_139 : memref<10240xf32, #tpu.memory_space<vmem_shared>>)
    %barrier3A_140 = arith.constant 0 : index
    tpu.barrier barrier_id(%barrier3A_140)
    %mul3A_141 = arith.constant 640 : i32
    %mul3A_142 = arith.muli %arg1, %mul3A_141 : i32
    %mul3A_143 = arith.constant 640 : i32
    %mul3A_144 = arith.muli %arg1, %mul3A_143 : i32
    "tpu.region"() ({
      %run_scoped3A = tpu.sem_alloc : memref<!tpu.dma_semaphore, #tpu.memory_space<semaphore_mem>>
      %dma_start3A_149 = arith.constant 0 : i32
      %dma_start3A_150 = tpu.memref_slice %arg7[%arg0, %mul3A_144, %dma_start3A_149] : memref<2x10240x128xf32, #tpu.memory_space<hbm>> -> memref<1x640x128xf32, #tpu.memory_space<hbm>>
      %dma_start3A_151 = tpu.memref_squeeze %dma_start3A_150 : memref<1x640x128xf32, #tpu.memory_space<hbm>> -> memref<640x128xf32, #tpu.memory_space<hbm>>
      %dma_start3A_152 = arith.constant 0 : i32
      %dma_start3A_153 = tpu.memref_slice %arg9[%mul3A_142, %dma_start3A_152] : memref<10240x128xf32, #tpu.memory_space<vmem_shared>> -> memref<640x128xf32, #tpu.memory_space<vmem_shared>>
      tpu.enqueue_dma source(%dma_start3A_153 : memref<640x128xf32, #tpu.memory_space<vmem_shared>>) target(%dma_start3A_151 : memref<640x128xf32, #tpu.memory_space<hbm>>) target_semaphore(%run_scoped3A : memref<!tpu.dma_semaphore, #tpu.memory_space<semaphore_mem>>)
      %dma_wait3A_154 = arith.constant 0 : i32
      %dma_wait3A_155 = tpu.memref_slice %arg7[%arg0, %mul3A_144, %dma_wait3A_154] : memref<2x10240x128xf32, #tpu.memory_space<hbm>> -> memref<1x640x128xf32, #tpu.memory_space<hbm>>
      %dma_wait3A_156 = tpu.memref_squeeze %dma_wait3A_155 : memref<1x640x128xf32, #tpu.memory_space<hbm>> -> memref<640x128xf32, #tpu.memory_space<hbm>>
      %dma_wait3A_157 = arith.constant 0 : i32
      %dma_wait3A_158 = tpu.memref_slice %arg9[%mul3A_142, %dma_wait3A_157] : memref<10240x128xf32, #tpu.memory_space<vmem_shared>> -> memref<640x128xf32, #tpu.memory_space<vmem_shared>>
      tpu.wait_dma2 semaphore(%run_scoped3A : memref<!tpu.dma_semaphore, #tpu.memory_space<semaphore_mem>>) src(%dma_wait3A_158 : memref<640x128xf32, #tpu.memory_space<vmem_shared>>) dst(%dma_wait3A_156 : memref<640x128xf32, #tpu.memory_space<hbm>>)
      tpu.yield
    }) : () -> ()
    %mul3A_145 = arith.constant 640 : i32
    %mul3A_146 = arith.muli %arg1, %mul3A_145 : i32
    %mul3A_147 = arith.constant 640 : i32
    %mul3A_148 = arith.muli %arg1, %mul3A_147 : i32
    "tpu.region"() ({
      %run_scoped3A = tpu.sem_alloc : memref<!tpu.dma_semaphore, #tpu.memory_space<semaphore_mem>>
      %dma_start3A_149 = tpu.memref_slice %arg8[%arg0, %mul3A_148] : memref<2x10240xf32, #tpu.memory_space<hbm>> -> memref<1x640xf32, #tpu.memory_space<hbm>>
      %dma_start3A_150 = tpu.memref_squeeze %dma_start3A_149 : memref<1x640xf32, #tpu.memory_space<hbm>> -> memref<640xf32, #tpu.memory_space<hbm>>
      %dma_start3A_151 = tpu.memref_slice %arg10[%mul3A_146] : memref<10240xf32, #tpu.memory_space<vmem_shared>> -> memref<640xf32, #tpu.memory_space<vmem_shared>>
      tpu.enqueue_dma source(%dma_start3A_151 : memref<640xf32, #tpu.memory_space<vmem_shared>>) target(%dma_start3A_150 : memref<640xf32, #tpu.memory_space<hbm>>) target_semaphore(%run_scoped3A : memref<!tpu.dma_semaphore, #tpu.memory_space<semaphore_mem>>)
      %dma_wait3A_152 = tpu.memref_slice %arg8[%arg0, %mul3A_148] : memref<2x10240xf32, #tpu.memory_space<hbm>> -> memref<1x640xf32, #tpu.memory_space<hbm>>
      %dma_wait3A_153 = tpu.memref_squeeze %dma_wait3A_152 : memref<1x640xf32, #tpu.memory_space<hbm>> -> memref<640xf32, #tpu.memory_space<hbm>>
      %dma_wait3A_154 = tpu.memref_slice %arg10[%mul3A_146] : memref<10240xf32, #tpu.memory_space<vmem_shared>> -> memref<640xf32, #tpu.memory_space<vmem_shared>>
      tpu.wait_dma2 semaphore(%run_scoped3A : memref<!tpu.dma_semaphore, #tpu.memory_space<semaphore_mem>>) src(%dma_wait3A_154 : memref<640xf32, #tpu.memory_space<vmem_shared>>) dst(%dma_wait3A_153 : memref<640xf32, #tpu.memory_space<hbm>>)
      tpu.yield
    }) : () -> ()
    return
  }
}

module attributes {stable_mosaic.version = 14 : i64} {
  func.func @_xlxr_body(%arg0: i32, %arg1: memref<1280x128xf32, #tpu.memory_space<vmem>>, %arg2: memref<128x128xf32, #tpu.memory_space<vmem>>, %arg3: memref<128x128xf32, #tpu.memory_space<vmem>>, %arg4: memref<1280x128xf32, #tpu.memory_space<vmem>>, %arg5: memref<1280x128xf32, #tpu.memory_space<vmem>>) attributes {dimension_semantics = [#tpu.dimension_semantics<arbitrary>], iteration_bounds = array<i64: 8>, scalar_prefetch = 0 : i64, scratch_operands = 0 : i64, tpu.core_type = #tpu.core_type<tc>, window_params = [{transform_indices = @transform_0, window_bounds = array<i64: 1280, 128>}, {pipeline_mode = #tpu.pipeline_mode<synchronous>, transform_indices = @transform_1, window_bounds = array<i64: 128, 128>}, {pipeline_mode = #tpu.pipeline_mode<synchronous>, transform_indices = @transform_2, window_bounds = array<i64: 128, 128>}, {transform_indices = @transform_3, window_bounds = array<i64: 1280, 128>}, {transform_indices = @transform_4, window_bounds = array<i64: 1280, 128>}]} {
    %get3A = arith.constant 0 : index
    %get3A_0 = arith.constant 0 : index
    %get3A_1 = vector.load %arg1[%get3A, %get3A_0] : memref<1280x128xf32, #tpu.memory_space<vmem>>, vector<1280x128xf32>
    %get3A_2 = arith.constant 0 : index
    %get3A_3 = arith.constant 0 : index
    %get3A_4 = vector.load %arg2[%get3A_2, %get3A_3] : memref<128x128xf32, #tpu.memory_space<vmem>>, vector<128x128xf32>
    %dot_general3A = arith.constant dense<0.000000e+00> : vector<1280x128xf32>
    %dot_general3A_5 = tpu.matmul %get3A_1, %get3A_4, %dot_general3A {dimension_numbers = #tpu.dot_dimension_numbers<[1], [0], [0], [1], [0, 0, 1, 1], [], []>, transpose_lhs_hint = false} : vector<1280x128xf32>, vector<128x128xf32>, vector<1280x128xf32> -> vector<1280x128xf32>
    %swap3A = arith.constant 0 : index
    %swap3A_6 = arith.constant 0 : index
    %swap3A_7 = vector.load %arg4[%swap3A, %swap3A_6] : memref<1280x128xf32, #tpu.memory_space<vmem>>, vector<1280x128xf32>
    tpu.vector_store %arg4[%swap3A, %swap3A_6], %dot_general3A_5 {strides = array<i32>} : memref<1280x128xf32, #tpu.memory_space<vmem>>, vector<1280x128xf32>,
    %get3A_8 = arith.constant 0 : index
    %get3A_9 = arith.constant 0 : index
    %get3A_10 = vector.load %arg3[%get3A_8, %get3A_9] : memref<128x128xf32, #tpu.memory_space<vmem>>, vector<128x128xf32>
    %dot_general3A_11 = arith.constant dense<0.000000e+00> : vector<1280x128xf32>
    %dot_general3A_12 = tpu.matmul %get3A_1, %get3A_10, %dot_general3A_11 {dimension_numbers = #tpu.dot_dimension_numbers<[1], [0], [0], [1], [0, 0, 1, 1], [], []>, transpose_lhs_hint = false} : vector<1280x128xf32>, vector<128x128xf32>, vector<1280x128xf32> -> vector<1280x128xf32>
    %swap3A_13 = arith.constant 0 : index
    %swap3A_14 = arith.constant 0 : index
    %swap3A_15 = vector.load %arg5[%swap3A_13, %swap3A_14] : memref<1280x128xf32, #tpu.memory_space<vmem>>, vector<1280x128xf32>
    tpu.vector_store %arg5[%swap3A_13, %swap3A_14], %dot_general3A_12 {strides = array<i32>} : memref<1280x128xf32, #tpu.memory_space<vmem>>, vector<1280x128xf32>,
    return
  }
  func.func @transform_0(%arg0: i32) -> (i32, i32) {
    %c0_i32 = arith.constant 0 : i32
    %c0_i32_0 = arith.constant 0 : i32
    return %arg0, %c0_i32 : i32, i32
  }
  func.func @transform_1(%arg0: i32) -> (i32, i32) {
    %c0_i32 = arith.constant 0 : i32
    %c0_i32_0 = arith.constant 0 : i32
    %c0_i32_1 = arith.constant 0 : i32
    return %c0_i32, %c0_i32_0 : i32, i32
  }
  func.func @transform_2(%arg0: i32) -> (i32, i32) {
    %c0_i32 = arith.constant 0 : i32
    %c0_i32_0 = arith.constant 0 : i32
    %c0_i32_1 = arith.constant 0 : i32
    return %c0_i32, %c0_i32_0 : i32, i32
  }
  func.func @transform_3(%arg0: i32) -> (i32, i32) {
    %c0_i32 = arith.constant 0 : i32
    %c0_i32_0 = arith.constant 0 : i32
    return %arg0, %c0_i32 : i32, i32
  }
  func.func @transform_4(%arg0: i32) -> (i32, i32) {
    %c0_i32 = arith.constant 0 : i32
    %c0_i32_0 = arith.constant 0 : i32
    return %arg0, %c0_i32 : i32, i32
  }
}

module attributes {stable_mosaic.version = 14 : i64} {
  func.func @_merge_body(%arg0: i32, %arg1: memref<1280x128xf32, #tpu.memory_space<vmem>>, %arg2: memref<1280x128xf32, #tpu.memory_space<vmem>>, %arg3: memref<1280x128xf32, #tpu.memory_space<vmem>>, %arg4: memref<1280x128xf32, #tpu.memory_space<vmem>>, %arg5: memref<1280x1xf32, #tpu.memory_space<vmem>>, %arg6: memref<1280x1xf32, #tpu.memory_space<vmem>>, %arg7: memref<128x1xf32, #tpu.memory_space<vmem>>, %arg8: memref<1x128xf32, #tpu.memory_space<vmem>>, %arg9: memref<128x32xf32, #tpu.memory_space<vmem>>, %arg10: memref<1x32xf32, #tpu.memory_space<vmem>>, %arg11: memref<32x32xf32, #tpu.memory_space<vmem>>, %arg12: memref<1x32xf32, #tpu.memory_space<vmem>>, %arg13: memref<32x128xf32, #tpu.memory_space<vmem>>, %arg14: memref<1x128xf32, #tpu.memory_space<vmem>>, %arg15: memref<1280x128xf32, #tpu.memory_space<vmem>>) attributes {dimension_semantics = [#tpu.dimension_semantics<arbitrary>], iteration_bounds = array<i64: 8>, scalar_prefetch = 0 : i64, scratch_operands = 0 : i64, tpu.core_type = #tpu.core_type<tc>, window_params = [{transform_indices = @transform_0, window_bounds = array<i64: 1280, 128>}, {transform_indices = @transform_1, window_bounds = array<i64: 1280, 128>}, {transform_indices = @transform_2, window_bounds = array<i64: 1280, 128>}, {transform_indices = @transform_3, window_bounds = array<i64: 1280, 128>}, {transform_indices = @transform_4, window_bounds = array<i64: 1280, 1>}, {transform_indices = @transform_5, window_bounds = array<i64: 1280, 1>}, {pipeline_mode = #tpu.pipeline_mode<synchronous>, transform_indices = @transform_6, window_bounds = array<i64: 128, 1>}, {pipeline_mode = #tpu.pipeline_mode<synchronous>, transform_indices = @transform_7, window_bounds = array<i64: 1, 128>}, {pipeline_mode = #tpu.pipeline_mode<synchronous>, transform_indices = @transform_8, window_bounds = array<i64: 128, 32>}, {pipeline_mode = #tpu.pipeline_mode<synchronous>, transform_indices = @transform_9, window_bounds = array<i64: 1, 32>}, {pipeline_mode = #tpu.pipeline_mode<synchronous>, transform_indices = @transform_10, window_bounds = array<i64: 32, 32>}, {pipeline_mode = #tpu.pipeline_mode<synchronous>, transform_indices = @transform_11, window_bounds = array<i64: 1, 32>}, {pipeline_mode = #tpu.pipeline_mode<synchronous>, transform_indices = @transform_12, window_bounds = array<i64: 32, 128>}, {pipeline_mode = #tpu.pipeline_mode<synchronous>, transform_indices = @transform_13, window_bounds = array<i64: 1, 128>}, {transform_indices = @transform_14, window_bounds = array<i64: 1280, 128>}]} {
    %get3A = arith.constant 0 : index
    %get3A_0 = arith.constant 0 : index
    %get3A_1 = vector.load %arg1[%get3A, %get3A_0] : memref<1280x128xf32, #tpu.memory_space<vmem>>, vector<1280x128xf32>
    %get3A_2 = arith.constant 0 : index
    %get3A_3 = arith.constant 0 : index
    %get3A_4 = vector.load %arg2[%get3A_2, %get3A_3] : memref<1280x128xf32, #tpu.memory_space<vmem>>, vector<1280x128xf32>
    %add3A = arith.addf %get3A_1, %get3A_4 : vector<1280x128xf32>
    %mul3A = arith.constant 2.000000e-01 : f32
    %mul3A_5 = vector.broadcast %mul3A : f32 to vector<1280x128xf32>
    %mul3A_6 = arith.mulf %mul3A_5, %add3A : vector<1280x128xf32>
    %max3A = arith.maximumf %add3A, %mul3A_6 : vector<1280x128xf32>
    %get3A_7 = arith.constant 0 : index
    %get3A_8 = arith.constant 0 : index
    %get3A_9 = vector.load %arg7[%get3A_7, %get3A_8] : memref<128x1xf32, #tpu.memory_space<vmem>>, vector<128x1xf32>
    %dot_general3A = arith.constant dense<0.000000e+00> : vector<1280x1xf32>
    %dot_general3A_10 = tpu.matmul %max3A, %get3A_9, %dot_general3A {dimension_numbers = #tpu.dot_dimension_numbers<[1], [0], [0], [1], [0, 0, 1, 1], [], []>, transpose_lhs_hint = false} : vector<1280x128xf32>, vector<128x1xf32>, vector<1280x1xf32> -> vector<1280x1xf32>
    %exp3A = math.exp %dot_general3A_10 : vector<1280x1xf32>
    %get3A_11 = arith.constant 0 : index
    %get3A_12 = arith.constant 0 : index
    %get3A_13 = vector.load %arg3[%get3A_11, %get3A_12] : memref<1280x128xf32, #tpu.memory_space<vmem>>, vector<1280x128xf32>
    %get3A_14 = arith.constant 0 : index
    %get3A_15 = arith.constant 0 : index
    %get3A_16 = vector.load %arg4[%get3A_14, %get3A_15] : memref<1280x128xf32, #tpu.memory_space<vmem>>, vector<1280x128xf32>
    %add3A_17 = arith.addf %get3A_13, %get3A_16 : vector<1280x128xf32>
    %mul3A_18 = vector.broadcast %exp3A : vector<1280x1xf32> to vector<1280x128xf32>
    %mul3A_19 = arith.mulf %mul3A_18, %get3A_1 : vector<1280x128xf32>
    %add3A_20 = arith.addf %add3A_17, %mul3A_19 : vector<1280x128xf32>
    %get3A_21 = arith.constant 0 : index
    %get3A_22 = arith.constant 0 : index
    %get3A_23 = vector.load %arg5[%get3A_21, %get3A_22] : memref<1280x1xf32, #tpu.memory_space<vmem>>, vector<1280x1xf32>
    %get3A_24 = arith.constant 0 : index
    %get3A_25 = arith.constant 0 : index
    %get3A_26 = vector.load %arg6[%get3A_24, %get3A_25] : memref<1280x1xf32, #tpu.memory_space<vmem>>, vector<1280x1xf32>
    %add3A_27 = arith.addf %get3A_23, %get3A_26 : vector<1280x1xf32>
    %add3A_28 = arith.addf %add3A_27, %exp3A : vector<1280x1xf32>
    %div3A = vector.broadcast %add3A_28 : vector<1280x1xf32> to vector<1280x128xf32>
    %div3A_29 = arith.divf %add3A_20, %div3A : vector<1280x128xf32>
    %get3A_30 = arith.constant 0 : index
    %get3A_31 = arith.constant 0 : index
    %get3A_32 = vector.load %arg8[%get3A_30, %get3A_31] : memref<1x128xf32, #tpu.memory_space<vmem>>, vector<1x128xf32>
    %add3A_33 = vector.broadcast %get3A_32 : vector<1x128xf32> to vector<1280x128xf32>
    %add3A_34 = arith.addf %div3A_29, %add3A_33 : vector<1280x128xf32>
    %get3A_35 = arith.constant 0 : index
    %get3A_36 = arith.constant 0 : index
    %get3A_37 = vector.load %arg9[%get3A_35, %get3A_36] : memref<128x32xf32, #tpu.memory_space<vmem>>, vector<128x32xf32>
    %dot_general3A_38 = arith.constant dense<0.000000e+00> : vector<1280x32xf32>
    %dot_general3A_39 = tpu.matmul %add3A_34, %get3A_37, %dot_general3A_38 {dimension_numbers = #tpu.dot_dimension_numbers<[1], [0], [0], [1], [0, 0, 1, 1], [], []>, transpose_lhs_hint = false} : vector<1280x128xf32>, vector<128x32xf32>, vector<1280x32xf32> -> vector<1280x32xf32>
    %get3A_40 = arith.constant 0 : index
    %get3A_41 = arith.constant 0 : index
    %get3A_42 = vector.load %arg10[%get3A_40, %get3A_41] : memref<1x32xf32, #tpu.memory_space<vmem>>, vector<1x32xf32>
    %add3A_43 = vector.broadcast %get3A_42 : vector<1x32xf32> to vector<1280x32xf32>
    %add3A_44 = arith.addf %dot_general3A_39, %add3A_43 : vector<1280x32xf32>
    %max3A_45 = arith.constant 0.000000e+00 : f32
    %max3A_46 = vector.broadcast %max3A_45 : f32 to vector<1280x32xf32>
    %max3A_47 = arith.maximumf %add3A_44, %max3A_46 : vector<1280x32xf32>
    %get3A_48 = arith.constant 0 : index
    %get3A_49 = arith.constant 0 : index
    %get3A_50 = vector.load %arg11[%get3A_48, %get3A_49] : memref<32x32xf32, #tpu.memory_space<vmem>>, vector<32x32xf32>
    %dot_general3A_51 = arith.constant dense<0.000000e+00> : vector<1280x32xf32>
    %dot_general3A_52 = tpu.matmul %max3A_47, %get3A_50, %dot_general3A_51 {dimension_numbers = #tpu.dot_dimension_numbers<[1], [0], [0], [1], [0, 0, 1, 1], [], []>, transpose_lhs_hint = false} : vector<1280x32xf32>, vector<32x32xf32>, vector<1280x32xf32> -> vector<1280x32xf32>
    %get3A_53 = arith.constant 0 : index
    %get3A_54 = arith.constant 0 : index
    %get3A_55 = vector.load %arg12[%get3A_53, %get3A_54] : memref<1x32xf32, #tpu.memory_space<vmem>>, vector<1x32xf32>
    %add3A_56 = vector.broadcast %get3A_55 : vector<1x32xf32> to vector<1280x32xf32>
    %add3A_57 = arith.addf %dot_general3A_52, %add3A_56 : vector<1280x32xf32>
    %max3A_58 = arith.constant 0.000000e+00 : f32
    %max3A_59 = vector.broadcast %max3A_58 : f32 to vector<1280x32xf32>
    %max3A_60 = arith.maximumf %add3A_57, %max3A_59 : vector<1280x32xf32>
    %get3A_61 = arith.constant 0 : index
    %get3A_62 = arith.constant 0 : index
    %get3A_63 = vector.load %arg13[%get3A_61, %get3A_62] : memref<32x128xf32, #tpu.memory_space<vmem>>, vector<32x128xf32>
    %dot_general3A_64 = arith.constant dense<0.000000e+00> : vector<1280x128xf32>
    %dot_general3A_65 = tpu.matmul %max3A_60, %get3A_63, %dot_general3A_64 {dimension_numbers = #tpu.dot_dimension_numbers<[1], [0], [0], [1], [0, 0, 1, 1], [], []>, transpose_lhs_hint = false} : vector<1280x32xf32>, vector<32x128xf32>, vector<1280x128xf32> -> vector<1280x128xf32>
    %get3A_66 = arith.constant 0 : index
    %get3A_67 = arith.constant 0 : index
    %get3A_68 = vector.load %arg14[%get3A_66, %get3A_67] : memref<1x128xf32, #tpu.memory_space<vmem>>, vector<1x128xf32>
    %add3A_69 = vector.broadcast %get3A_68 : vector<1x128xf32> to vector<1280x128xf32>
    %add3A_70 = arith.addf %dot_general3A_65, %add3A_69 : vector<1280x128xf32>
    %swap3A = arith.constant 0 : index
    %swap3A_71 = arith.constant 0 : index
    %swap3A_72 = vector.load %arg15[%swap3A, %swap3A_71] : memref<1280x128xf32, #tpu.memory_space<vmem>>, vector<1280x128xf32>
    tpu.vector_store %arg15[%swap3A, %swap3A_71], %add3A_70 {strides = array<i32>} : memref<1280x128xf32, #tpu.memory_space<vmem>>, vector<1280x128xf32>,
    return
  }
  func.func @transform_0(%arg0: i32) -> (i32, i32) {
    %c0_i32 = arith.constant 0 : i32
    %c0_i32_0 = arith.constant 0 : i32
    return %arg0, %c0_i32 : i32, i32
  }
  func.func @transform_1(%arg0: i32) -> (i32, i32) {
    %c0_i32 = arith.constant 0 : i32
    %c0_i32_0 = arith.constant 0 : i32
    return %arg0, %c0_i32 : i32, i32
  }
  func.func @transform_2(%arg0: i32) -> (i32, i32) {
    %c0_i32 = arith.constant 0 : i32
    %c0_i32_0 = arith.constant 0 : i32
    return %arg0, %c0_i32 : i32, i32
  }
  func.func @transform_3(%arg0: i32) -> (i32, i32) {
    %c0_i32 = arith.constant 0 : i32
    %c0_i32_0 = arith.constant 0 : i32
    return %arg0, %c0_i32 : i32, i32
  }
  func.func @transform_4(%arg0: i32) -> (i32, i32) {
    %c0_i32 = arith.constant 0 : i32
    %c0_i32_0 = arith.constant 0 : i32
    return %arg0, %c0_i32 : i32, i32
  }
  func.func @transform_5(%arg0: i32) -> (i32, i32) {
    %c0_i32 = arith.constant 0 : i32
    %c0_i32_0 = arith.constant 0 : i32
    return %arg0, %c0_i32 : i32, i32
  }
  func.func @transform_6(%arg0: i32) -> (i32, i32) {
    %c0_i32 = arith.constant 0 : i32
    %c0_i32_0 = arith.constant 0 : i32
    %c0_i32_1 = arith.constant 0 : i32
    return %c0_i32, %c0_i32_0 : i32, i32
  }
  func.func @transform_7(%arg0: i32) -> (i32, i32) {
    %c0_i32 = arith.constant 0 : i32
    %c0_i32_0 = arith.constant 0 : i32
    %c0_i32_1 = arith.constant 0 : i32
    return %c0_i32, %c0_i32_0 : i32, i32
  }
  func.func @transform_8(%arg0: i32) -> (i32, i32) {
    %c0_i32 = arith.constant 0 : i32
    %c0_i32_0 = arith.constant 0 : i32
    %c0_i32_1 = arith.constant 0 : i32
    return %c0_i32, %c0_i32_0 : i32, i32
  }
  func.func @transform_9(%arg0: i32) -> (i32, i32) {
    %c0_i32 = arith.constant 0 : i32
    %c0_i32_0 = arith.constant 0 : i32
    %c0_i32_1 = arith.constant 0 : i32
    return %c0_i32, %c0_i32_0 : i32, i32
  }
  func.func @transform_10(%arg0: i32) -> (i32, i32) {
    %c0_i32 = arith.constant 0 : i32
    %c0_i32_0 = arith.constant 0 : i32
    %c0_i32_1 = arith.constant 0 : i32
    return %c0_i32, %c0_i32_0 : i32, i32
  }
  func.func @transform_11(%arg0: i32) -> (i32, i32) {
    %c0_i32 = arith.constant 0 : i32
    %c0_i32_0 = arith.constant 0 : i32
    %c0_i32_1 = arith.constant 0 : i32
    return %c0_i32, %c0_i32_0 : i32, i32
  }
  func.func @transform_12(%arg0: i32) -> (i32, i32) {
    %c0_i32 = arith.constant 0 : i32
    %c0_i32_0 = arith.constant 0 : i32
    %c0_i32_1 = arith.constant 0 : i32
    return %c0_i32, %c0_i32_0 : i32, i32
  }
  func.func @transform_13(%arg0: i32) -> (i32, i32) {
    %c0_i32 = arith.constant 0 : i32
    %c0_i32_0 = arith.constant 0 : i32
    %c0_i32_1 = arith.constant 0 : i32
    return %c0_i32, %c0_i32_0 : i32, i32
  }
  func.func @transform_14(%arg0: i32) -> (i32, i32) {
    %c0_i32 = arith.constant 0 : i32
    %c0_i32_0 = arith.constant 0 : i32
    return %arg0, %c0_i32 : i32, i32
  }
}

</mosaic_0001>

<sc_bundles>
// kernel: kernel.5.cloned.1.call-start
scs
__scs_entry_jumppad:
0x0: {  	(pc) =	sbr.rel $0x88, $3  }
0x1: {  	(tag) =	ssettag $0x0;
	lr =	simm.s32 $0x1  }
0x2: {  	[smem:$0x3F95] =	sst lr;
	_ =	strace $0xD0000000  }
0x3: {  	_ = 	snop  }
0x4: {  	_ = 	snop  }
0x5: {  	_ = 	snop  }
0x6: {  	_ = 	snop  }
0x7: {  	_ = 	snop  }
__scs_overlays_trampoline_lowered:
0x8: {  	[smem:$0x3FA4] =	sst s0  }
0x9: {  	[smem:$0x3FA5] =	sst s1  }
0xa: {  	[smem:$0x3FA6] =	sst s2  }
0xb: {  	[smem:$0x3FA7] =	sst s3  }
0xc: {  	[smem:$0x3FA8] =	sst s4  }
0xd: {  	[smem:$0x3FA9] =	sst s5  }
0xe: {  	[smem:$0x3FAA] =	sst s6  }
0xf: {  	[smem:$0x3FAB] =	sst s7  }
0x10: {  	[smem:$0x3FAC] =	sst s8  }
0x11: {  	[smem:$0x3FAD] =	sst s9;
	s0 =	simm.s32 @!p0 $0x0  }
0x12: {  	s1 =	sld [smem:$0x3F93];
	s0 =	simm.s32 @p0 $0x1  }
0x13: {  	[smem:$0x3FAE] =	sst s0;
	s0 =	simm.s32 @!p1 $0x0  }
0x14: {  	s2 =	sld [smem:$0x3F92];
	s0 =	simm.s32 @p1 $0x1  }
0x15: {  	[smem:$0x3FAF] =	sst s0;
	s0 =	simm.s32 @!p2 $0x0  }
0x16: {  	s3 =	sld [smem:$0x3FDB];
	s0 =	simm.s32 @p2 $0x1  }
0x17: {  	s4 =	simm.s32 $0x1BF5;
	[smem:$0x3FB1] =	sst s0  }
0x18: {  	s0 =	sld [smem:$0x3F94];
	_ =	swait.ge [sflag:s4], $0x0  }
0x19: {  	s7 =	sld [smem:$0x3F95]  }
0x1a: {  	s8 =	sadd.s32 $0xFFFFE003, lr  }
0x1b: {  	s9 =	sadd.s32 $0xFFFFFEF7, lr;
	s5 =	simm.s32 $0xFFFFFFFF;
	p2 =	slt.u32 s8, $0xFFFFF086  }
0x1c: {  	p1 =	slt.u32 s9, $0xF7A;
	s5 =	simm.s32 @!p2 $0x0  }
0x1d: {  	s5 =	simm.s32 @p1 $0x1;
	p0 =	seq.s32 s7, s2  }
0x1e: {  	s7 =	smul.u32 @!p0 $0xF7A, s2;
	p2 =	seq.s32 @!p0 s5, $0x0  }
0x1f: {  	s9 =	smul.u32 $0xF7A, s1;
	s8 =	simm.s32 @!p0 $0x1BF5;
	p2 =	por !p2, p0  }
0x20: {  	[sflag:s8] =	ssyncset.s32 @!p0 $0xFFFFF086;
	s6 =	sadd.s32 @!p0 s3, s7;
	s7 =	simm.s32 @!p0 $0x108  }
0x21: {  	s3 =	sadd.s32 s3, s9;
	s6 =	sadd.s32 @!p0 $0x88, s6;
	s7 =	simm.s32 @p2 $0x1082  }
0x22: {  	[simem:s7], [sflag:s8] =	dma.local @!p0 [hbm:s6], $0xF7A  }
0x23: {  	s9 =	sor.u32 $0xD0000000, s2;
	s6 =	simm.s32 $0x108;
	_ =	swait.ge @!p0 [sflag:s8], $0x0  }
0x24: {  	s3 =	sadd.s32 $0x88, s3;
	s6 =	simm.s32 @!p1 $0x1082;
	[sflag:s4] =	ssyncset.s32 $0xFFFFF086  }
0x25: {  	[simem:s6], [sflag:s4] =	dma.local [hbm:s3], $0xF7A  }
0x26: {  	[smem:$0x3F95] =	sst s1;
	(tag) =	ssettag s2;
	_ =	strace s9  }
0x27: {  	s1 =	sld [smem:$0x3FA5]  }
0x28: {  	s2 =	sld [smem:$0x3FA6]  }
0x29: {  	s4 =	sld [smem:$0x3FA8]  }
0x2a: {  	p0 =	seq.s32 s5, $0x0;
	s5 =	sld [smem:$0x3FA9]  }
0x2b: {  	s6 =	sld [smem:$0x3FAA]  }
0x2c: {  	s7 =	sld [smem:$0x3FAB]  }
0x2d: {  	s3 =	simm.s32 $0x108;
	s8 =	sld [smem:$0x3FAC]  }
0x2e: {  	s3 =	simm.s32 @!p0 $0x1082;
	s9 =	sld [smem:$0x3FAD]  }
0x2f: {  	lr =	sadd.s32 s0, s3;
	s0 =	sld [smem:$0x3FA4]  }
0x30: {  	s3 =	sld [smem:$0x3FA7]  }
0x31: {  	[smem:$0x3FB0] =	sst s10  }
0x32: {  	s10 =	sld [smem:$0x3FAE];
	_ =	sdelay $0x3  }
0x33: {  	p0 =	seq.s32 s10, $0x1;
	s10 =	sld [smem:$0x3FB0];
	_ =	sdelay $0x3  }
0x34: {  	[smem:$0x3FB0] =	sst s10  }
0x35: {  	s10 =	sld [smem:$0x3FAF];
	_ =	sdelay $0x3  }
0x36: {  	p1 =	seq.s32 s10, $0x1;
	s10 =	sld [smem:$0x3FB0];
	_ =	sdelay $0x3  }
0x37: {  	[smem:$0x3FB0] =	sst s10  }
0x38: {  	s10 =	sld [smem:$0x3FB1]  }
0x39: {  	_ = 	snop;
	(pc) =	sbr.ind lr, $3  }
0x3a: {  	_ = 	snop  }
0x3b: {  	_ = 	snop  }
0x3c: {  	p2 =	seq.s32 s10, $0x1;
	s10 =	sld [smem:$0x3FB0]  }
0x3d: {  	_ =	shalt  }
0x3e: {  	_ =	shalt  }
0x3f: {  	_ =	shalt  }
0x40: {  	_ =	shalt  }
0x41: {  	_ =	shalt  }
0x42: {  	_ =	shalt  }
0x43: {  	_ =	shalt  }
0x44: {  	_ =	shalt  }
0x45: {  	_ =	shalt  }
0x46: {  	_ =	shalt  }
0x47: {  	_ =	shalt  }
0x48: {  	_ =	shalt  }
0x49: {  	_ =	shalt  }
0x4a: {  	_ =	shalt  }
0x4b: {  	_ =	shalt  }
0x4c: {  	_ =	shalt  }
0x4d: {  	_ =	shalt  }
0x4e: {  	_ =	shalt  }
0x4f: {  	_ =	shalt  }
0x50: {  	_ =	shalt  }
0x51: {  	_ =	shalt  }
0x52: {  	_ =	shalt  }
0x53: {  	_ =	shalt  }
0x54: {  	_ =	shalt  }
0x55: {  	_ =	shalt  }
0x56: {  	_ =	shalt  }
0x57: {  	_ =	shalt  }
0x58: {  	_ =	shalt  }
0x59: {  	_ =	shalt  }
0x5a: {  	_ =	shalt  }
0x5b: {  	_ =	shalt  }
0x5c: {  	_ =	shalt  }
0x5d: {  	_ =	shalt  }
0x5e: {  	_ =	shalt  }
0x5f: {  	_ =	shalt  }
0x60: {  	_ =	shalt  }
0x61: {  	_ =	shalt  }
0x62: {  	_ =	shalt  }
0x63: {  	_ =	shalt  }
0x64: {  	_ =	shalt  }
0x65: {  	_ =	shalt  }
0x66: {  	_ =	shalt  }
0x67: {  	_ =	shalt  }
0x68: {  	_ =	shalt  }
0x69: {  	_ =	shalt  }
0x6a: {  	_ =	shalt  }
0x6b: {  	_ =	shalt  }
0x6c: {  	_ =	shalt  }
0x6d: {  	_ =	shalt  }
0x6e: {  	_ =	shalt  }
0x6f: {  	_ =	shalt  }
0x70: {  	_ =	shalt  }
0x71: {  	_ =	shalt  }
0x72: {  	_ =	shalt  }
0x73: {  	_ =	shalt  }
0x74: {  	_ =	shalt  }
0x75: {  	_ =	shalt  }
0x76: {  	_ =	shalt  }
0x77: {  	_ =	shalt  }
0x78: {  	_ =	shalt  }
0x79: {  	_ =	shalt  }
0x7a: {  	_ =	shalt  }
0x7b: {  	_ =	shalt  }
0x7c: {  	_ =	shalt  }
0x7d: {  	_ =	shalt  }
0x7e: {  	_ =	shalt  }
0x7f: {  	_ =	shalt  }
0x80: {  	_ =	shalt  }
0x81: {  	_ =	shalt  }
0x82: {  	_ =	shalt  }
0x83: {  	_ =	shalt  }
0x84: {  	_ =	shalt  }
0x85: {  	_ =	shalt  }
0x86: {  	_ =	shalt  }
0x87: {  	_ =	shalt  }
.Lfunc_end0:
.L_simem_size_0:
called_computation_lowered:
.L_overlay_start_0:
0x88: {  	s2 =	sld [smem:$0x3FD9]  }
0x89: {  	s3 =	sld [smem:$0x3FFE];
	_ =	sdelay $0x1  }
0x8a: {  	s1 =	srdreg.scid  }
0x8b: {  	s0 =	sand.u32 $0x1, s1  }
0x8c: {  	s17 =	sshll.u32 s0, $0xA;
	s2 =	sadd.s32 s3, s2  }
0x8d: {  	s2 =	sadd.s32 s2, s17  }
0x8e: {  	[smem:$0x3FBC] =	sst s2  }
0x8f: {  	_ = 	snop  }
0x90: {  	s2 =	sld [smem:$0x3FC5]  }
0x91: {  	s18 =	sld [smem:$0x3FD0];
	(tm) =	ssettm $0x1  }
0x92: {  	s4 =	sld [smem:$0x3FFB];
	_ =	sdelay $0x3  }
0x93: {  	_ =	strace s4  }
0x94: {  	s4 =	sld [smem:$0x3FFC];
	_ =	sdelay $0x3  }
0x95: {  	_ =	strace s4  }
0x96: {  	s4 =	sld [smem:$0x3FFD];
	_ =	sdelay $0x3  }
0x97: {  	_ =	strace s4  }
0x98: {  	_ =	strace $0x8FFFFFFF  }
0x99: {  	s19 =	sld [smem:$0x3FDB];
	_ =	sdelay $0x1  }
0x9a: {  	s5 =	simm.s32 $_scs_section_size  }
0x9b: {  	s6 =	simm.s32 $_size__tile_overlayer_lowered;
	s7 =	simm.s32 $_tile_overlayer_lowered  }
0x9c: {  	s22 =	simm.s32 $0x1BFF;
	s21 =	sshll.u32 s7, $0x1;
	s4 =	sadd.s32 s5, s19  }
0x9d: {  	s8 =	simm.s32 $0x0;
	s20 =	sshll.u32 s6, $0x1;
	s6 =	sadd.s32 s21, s4  }
0x9e: {  	[timem:s8], [sflag:s22] =	dma.local [hbm:s6], s20  }
0x9f: {  	_ =	swait.ge [sflag:s22], s20  }
0xa0: {  	s5 =	ssub.s32 $0x0, s20;
	[sflag:s22] =	ssyncset.done $0x0  }
0xa1: {  	[sflag:s22] =	ssyncadd.s32 s5;
	_ =	sdelay $0x1  }
0xa2: {  	s23 =	simm.s32 $0x1B8B  }
0xa3: {  	_ =	swait.ge [sflag:s23], $0x1  }
0xa4: {  	[sflag:s23] =	ssyncset.done $0x0  }
0xa5: {  	s25 =	simm.s32 $0x1B8E;
	s24 =	sld [smem:$0x3FFE];
	[sflag:s23] =	ssyncadd.s32 $0xFFFFFFFF  }
0xa6: {  	s26 =	simm.s32 $execute0_lowered;
	[smem:$0x3FD2] =	sst s25  }
0xa7: {  	s6 =	sshll.u32 s26, $0x1;
	_ =	strace $0x80000046;
	[dreg:$0x1] =	wrdreg $0xFFFFFFFF  }
0xa8: {  	s28 =	simm.s32 $_size_execute0_lowered;
	s4 =	sadd.s32 s4, s6;
	[dreg:$0x0] =	wrdreg $0x0  }
0xa9: {  	s6 =	sshll.u32 s28, $0x1;
	[dreg:$0x2] =	wrdreg s4  }
0xaa: {  	[dreg:$0x3] =	wrdreg s6  }
0xab: {  	[dreg:$0x4] =	wrdreg $0xC0  }
0xac: {  	_ =	task [dreg:s8], $0x5FFFF  }
0xad: {  	[dreg:$0x1] =	wrdreg $0xFFFFFFFF  }
0xae: {  	[dreg:$0x0] =	wrdreg $0x60  }
0xaf: {  	[dreg:$0x2] =	wrdreg s18  }
0xb0: {  	[dreg:$0x3] =	wrdreg s24  }
0xb1: {  	[dreg:$0x4] =	wrdreg s2  }
0xb2: {  	[dreg:$0x5] =	wrdreg $0x0  }
0xb3: {  	[dreg:$0x6] =	wrdreg $0x140000  }
0xb4: {  	[dreg:$0x7] =	wrdreg $0x9  }
0xb5: {  	_ =	task.clear_ibuf [dreg:s8], $0x8FFFF;
	_ =	strace $0x90000046  }
0xb6: {  	s29 =	simm.s32 $0x9;
	_ =	strace $0x80000048  }
0xb7: {  	_ =	swait.ge [sflag:s29], $0x1  }
0xb8: {  	[sflag:s29] =	ssyncadd.s32 $0xFFFFFFFF  }
0xb9: {  	_ =	strace $0x90000048  }
0xba: {  	_ =	sfence  }
0xbb: {  	s30 =	sld [smem:$0x0];
	_ =	sdelay $0x2  }
0xbc: {  	s31 =	sshll.u32 s1, $0xD;
	s1 =	sshrl.u32 s1, $0x2  }
0xbd: {  	s3 =	sand.u32 $0x4000, s31;
	s1 =	sadd.s32 s1, s30  }
0xbe: {  	s0 =	sor.u32 s3, s0;
	s1 =	sshll.u32 s1, $0x11  }
0xbf: {  	s0 =	sor.u32 s1, s0  }
0xc0: {  	s0 =	sadd.s32 $0x8F2B, s0  }
0xc1: {  	[sflag:s0] =	ssyncadd.remote.s32 $0x1  }
0xc2: {  	_ =	sfence.sel $0xFFFF  }
0xc3: {  	[dreg:$0x0] =	wrdreg $0xFFFFFFFF;
	(pc) =	sbr.abs _section_cstart, $3  }
0xc4: {  	[dreg:$0x1] =	wrdreg $0xFFFFFFFF  }
0xc5: {  	_ =	task.clear_ibuf [dreg:s8], $0x2FFFF;
	_ =	strace $0x9FFFFFFF  }
0xc6: {  	(tm) =	ssettm $0x7FFFFFFF  }
0xc7: {  	_ =	shalt  }
tec
execute0_lowered:
.L_overlay_start_1:
0x0: {  	(tag) =	ssettag $0x1  }
0x1: {  	s1 =	rddreg [dreg:$0x0]  }
0x2: {  	s0 =	rddreg [dreg:$0x1]  }
0x3: {  	s4 =	rddreg [dreg:$0x3];
	s15 =	stileid.u32  }
0x4: {  	s5 =	rddreg [dreg:$0x4];
	s3 =	smul.u32 $0x14000, s15  }
0x5: {  	s2 =	srdreg.scid;
	s6 =	simm.s32 $0x0;
	s10 =	smul.u32 $0x280, s15  }
0x6: {  	s2 =	sand.u32 $0x1, s2;
	[smem:$0x7FF] =	sst s6;
	s12 =	smul.u32 $0x50000, s15  }
0x7: {  	s7 =	sadd.s32 $0x1200, s0;
	s8 =	sadd.s32 $0x1F200, s0;
	s28 =	smul.u32 $0x2260, s15  }
0x8: {  	s9 =	sadd.s32 $0x15200, s0;
	s25 =	smul.u32 $0x140000, s2;
	_ =	strace $0x80000047  }
0x9: {  	s11 =	smul.u32 $0x2800, s2;
	s13 =	ssub.s32 $0x2, s2;
	p0 =	seq.s32 s2, $0x0  }
0xa: {  	s14 =	sshrl.u32 s13, $0x1;
	s12 =	sshrl.u32 s12, $0x2;
	s21 =	sadd.s32 s3, s4  }
0xb: {  	s22 =	sadd.s32 s10, s5;
	s6 =	sadd.s32 s3, s25;
	s11 =	sadd.s32 s10, s11  }
0xc: {  	s12 =	sadd.s32 s12, s4;
	s3 =	simm.s32 $0x1E460;
	[dreg:$0x6] =	wrdreg s21  }
0xd: {  	[dreg:$0xe] =	wrdreg s22;
	s6 =	sshrl.u32 s6, $0x3;
	s26 =	sadd.s32 $0x2800, s12  }
0xe: {  	s11 =	sshrl.u32 s11, $0x3;
	s31 =	sadd.s32 $0x5000, s12;
	[dreg:$0x7] =	wrdreg s26  }
0xf: {  	s16 =	sadd.s32 $0xA000, s12;
	s17 =	sadd.s32 $0xC800, s12;
	[dreg:$0x8] =	wrdreg s31  }
0x10: {  	s18 =	sadd.s32 $0xF000, s12;
	s19 =	sadd.s32 $0x11800, s12;
	[dreg:$0xa] =	wrdreg s16  }
0x11: {  	s6 =	sadd.s32 s6, s0;
	s0 =	sadd.s32 s11, s0;
	[dreg:$0xb] =	wrdreg s17  }
0x12: {  	s11 =	ssub.s32 s13, s14;
	s14 =	sadd.s32 $0x7800, s12;
	[dreg:$0xc] =	wrdreg s18  }
0x13: {  	s13 =	smul.u32 $0x2DA0, s15;
	s15 =	sadd.s32 $0x2DA00, s28;
	[dreg:$0xd] =	wrdreg s19  }
0x14: {  	s19 =	simm.s32 $0x92;
	s12 =	simm.s32 $0x143C0;
	s16 =	simm.s32 $0x7  }
0x15: {  	s17 =	simm.s32 $0x1E4B0;
	s18 =	simm.s32 $0x14410;
	[dreg:$0x9] =	wrdreg s14  }
0x16: {  	s19 =	simm.s32 @!p0 $0x6E;
	s28 =	sadd.s32 $0x29C00, s6;
	s0 =	sadd.s32 $0x29200, s0  }
0x17: {  	s31 =	smax.u32 s11, $0x1;
	s11 =	simm.s32 $0x50;
	[dreg:$0x13] =	wrdreg s28  }
0x18: {  	s14 =	simm.s32 $0x5;
	s15 =	smov.u32 @p0 s13;
	[dreg:$0x14] =	wrdreg s0  }
0x19: {  	s6 =	simm.s32 $0x0;
	[dreg:$0x15] =	wrdreg s31;
	s20 =	sshrl.u32 s15, $0x3  }
0x1a: {  	s29 =	sshrl.u32 s19, $0x1;
	s30 =	sadd.s32 $0xFFFFFFFF, s19;
	s24 =	sadd.s32 s8, s20  }
0x1b: {  	s23 =	sadd.s32 $0xA, s20;
	s2 =	sadd.s32 s9, s20;
	[dreg:$0xf] =	wrdreg s24  }
0x1c: {  	s13 =	simm.s32 $0x4;
	[dreg:$0x10] =	wrdreg s2;
	s25 =	sadd.s32 s8, s23  }
0x1d: {  	s26 =	sadd.s32 s9, s23;
	s23 =	simm.s32 $0x9;
	[dreg:$0x11] =	wrdreg s25  }
0x1e: {  	v0 =	vimm.f32 $0.0e+00;
	s2 =	simm.s32 $0x3;
	[dreg:$0x12] =	wrdreg s26;
	s25 =	simm.s32 $0x0  }
.LBB2_1:
0x1f: {  	s31 =	simm.s32 $0x0  }
0x20: {  	s0 =	sand.u32 $0xFE00, s31  }
0x21: {  	[dreg:$0x16] =	wrdreg s6;
	s6 =	sand.u32 $0x70, s31;
	s10 =	sshrl.u32 s0, $0x2  }
0x22: {  	s0 =	simm.s32 $0x40;
	s10 =	sor.u32 s6, s10;
	s6 =	simm.s32 $0x0  }
.LBB2_2:
0x23: {  	p0 =	sne.s32 s0, $0x9FC0  }
0x24: {  	[tilespmem:s10+$0x19460] =	vst v0;
	s6 =	sadd.s32 $0x10, s6;
	s10 =	smov.u32 s0;
	s0 =	sadd.s32 $0x40, s0  }
.Ltmp0:
0x25: {  	(pc) =	sbr.rel @p0 .LBB2_2-.Ltmp0, $4  }
0x26: {  	_ = 	snop  }
0x27: {  	s10 =	sand.u32 $0xFE00, s10  }
0x28: {  	s20 =	sand.u32 $0x70, s6;
	s10 =	sshrl.u32 s10, $0x2  }
0x29: {  	s10 =	sor.u32 s20, s10  }
0x2a: {  	[tilespmem:s10+$0x19460] =	vst v0  }
0x2b: {  	[tilespmem:$0x1E580] =	vst v0  }
0x2c: {  	[tilespmem:$0x1E590] =	vst v0  }
0x2d: {  	[tilespmem:$0x1E5A0] =	vst v0  }
0x2e: {  	[tilespmem:$0x1E5B0] =	vst v0  }
0x2f: {  	[tilespmem:$0x1E5C0] =	vst v0  }
0x30: {  	[tilespmem:$0x1E5D0] =	vst v0  }
0x31: {  	[tilespmem:$0x1E5E0] =	vst v0  }
0x32: {  	[tilespmem:$0x1E5F0] =	vst v0  }
0x33: {  	[tilespmem:$0x1E600] =	vst v0  }
0x34: {  	[tilespmem:$0x1E610] =	vst v0  }
0x35: {  	[tilespmem:$0x1E620] =	vst v0  }
0x36: {  	[tilespmem:$0x1E630] =	vst v0  }
0x37: {  	[tilespmem:$0x1E640] =	vst v0  }
0x38: {  	[tilespmem:$0x1E650] =	vst v0  }
0x39: {  	[tilespmem:$0x1E660] =	vst v0  }
0x3a: {  	[tilespmem:$0x1E670] =	vst v0  }
0x3b: {  	[tilespmem:$0x1E680] =	vst v0  }
0x3c: {  	[tilespmem:$0x1E690] =	vst v0  }
0x3d: {  	[tilespmem:$0x1E6A0] =	vst v0  }
0x3e: {  	[tilespmem:$0x1E6B0] =	vst v0  }
0x3f: {  	[tilespmem:$0x1E6C0] =	vst v0  }
0x40: {  	[tilespmem:$0x1E6D0] =	vst v0  }
0x41: {  	[tilespmem:$0x1E6E0] =	vst v0  }
0x42: {  	[tilespmem:$0x1E6F0] =	vst v0  }
0x43: {  	[tilespmem:$0x1E700] =	vst v0  }
0x44: {  	[tilespmem:$0x1E710] =	vst v0  }
0x45: {  	[tilespmem:$0x1E720] =	vst v0  }
0x46: {  	[tilespmem:$0x1E730] =	vst v0  }
0x47: {  	[tilespmem:$0x1E740] =	vst v0  }
0x48: {  	[tilespmem:$0x1E750] =	vst v0  }
0x49: {  	[tilespmem:$0x1E760] =	vst v0  }
0x4a: {  	[tilespmem:$0x1E770] =	vst v0  }
0x4b: {  	[tilespmem:$0x1E780] =	vst v0  }
0x4c: {  	[tilespmem:$0x1E790] =	vst v0  }
0x4d: {  	[tilespmem:$0x1E7A0] =	vst v0  }
0x4e: {  	[tilespmem:$0x1E7B0] =	vst v0  }
0x4f: {  	[tilespmem:$0x1E7C0] =	vst v0  }
0x50: {  	[tilespmem:$0x1E7D0] =	vst v0  }
0x51: {  	[tilespmem:$0x1E7E0] =	vst v0  }
0x52: {  	s6 =	simm.s32 $0x19460;
	[tilespmem:$0x1E7F0] =	vst v0  }
0x53: {  	[spmem:s21] =	stream.linear.scatter [tilespmem:s6], [sflag:$0x9], $0x2800, $0x38;
	[tilespmem:$0x1E800] =	vst v63  }
0x54: {  	_ =	swait.ge [sflag:s23], $0x2800  }
0x55: {  	[sflag:s23] =	ssyncset.done $0x0  }
0x56: {  	s0 =	rddreg [dreg:$0x7];
	[sflag:s23] =	ssyncadd.s32 $0xFFFFD800  }
0x57: {  	[spmem:s0] =	stream.linear.scatter [tilespmem:s6], [sflag:$0x9], $0x2800, $0x38;
	[tilespmem:$0x1E800] =	vst v63  }
0x58: {  	_ =	swait.ge [sflag:s23], $0x2800  }
0x59: {  	[sflag:s23] =	ssyncset.done $0x0  }
0x5a: {  	s28 =	rddreg [dreg:$0x8];
	[sflag:s23] =	ssyncadd.s32 $0xFFFFD800  }
0x5b: {  	[spmem:s28] =	stream.linear.scatter [tilespmem:s6], [sflag:$0x9], $0x2800, $0x38;
	[tilespmem:$0x1E800] =	vst v63  }
0x5c: {  	_ =	swait.ge [sflag:s23], $0x2800  }
0x5d: {  	[sflag:s23] =	ssyncset.done $0x0  }
0x5e: {  	s31 =	rddreg [dreg:$0x9];
	[sflag:s23] =	ssyncadd.s32 $0xFFFFD800  }
0x5f: {  	[spmem:s31] =	stream.linear.scatter [tilespmem:s6], [sflag:$0x9], $0x2800, $0x38;
	[tilespmem:$0x1E800] =	vst v63  }
0x60: {  	_ =	swait.ge [sflag:s23], $0x2800  }
0x61: {  	[sflag:s23] =	ssyncset.done $0x0  }
0x62: {  	s10 =	rddreg [dreg:$0xa];
	[sflag:s23] =	ssyncadd.s32 $0xFFFFD800  }
0x63: {  	[spmem:s10] =	stream.linear.scatter [tilespmem:s6], [sflag:$0x9], $0x2800, $0x38;
	[tilespmem:$0x1E800] =	vst v63  }
0x64: {  	_ =	swait.ge [sflag:s23], $0x2800  }
0x65: {  	[sflag:s23] =	ssyncset.done $0x0  }
0x66: {  	s20 =	rddreg [dreg:$0xb];
	[sflag:s23] =	ssyncadd.s32 $0xFFFFD800  }
0x67: {  	[spmem:s20] =	stream.linear.scatter [tilespmem:s6], [sflag:$0x9], $0x2800, $0x38;
	[tilespmem:$0x1E800] =	vst v63  }
0x68: {  	_ =	swait.ge [sflag:s23], $0x2800  }
0x69: {  	[sflag:s23] =	ssyncset.done $0x0  }
0x6a: {  	s21 =	rddreg [dreg:$0xc];
	[sflag:s23] =	ssyncadd.s32 $0xFFFFD800  }
0x6b: {  	[spmem:s21] =	stream.linear.scatter [tilespmem:s6], [sflag:$0x9], $0x2800, $0x38;
	[tilespmem:$0x1E800] =	vst v63  }
0x6c: {  	_ =	swait.ge [sflag:s23], $0x2800  }
0x6d: {  	[sflag:s23] =	ssyncset.done $0x0  }
0x6e: {  	s24 =	rddreg [dreg:$0xd];
	[sflag:s23] =	ssyncadd.s32 $0xFFFFD800  }
0x6f: {  	[spmem:s24] =	stream.linear.scatter [tilespmem:s6], [sflag:$0x9], $0x2800, $0x38;
	[tilespmem:$0x1E800] =	vst v63  }
0x70: {  	_ =	swait.ge [sflag:s23], $0x2800  }
0x71: {  	[sflag:s23] =	ssyncset.done $0x0  }
0x72: {  	s26 =	simm.s32 $0x1E580;
	[sflag:s23] =	ssyncadd.s32 $0xFFFFD800  }
0x73: {  	[spmem:s22] =	stream.linear.scatter [tilespmem:s26], [sflag:$0x9], $0x280, $0x38;
	[tilespmem:$0x1E800] =	vst v63  }
0x74: {  	_ =	swait.ge [sflag:s23], $0x280  }
0x75: {  	[sflag:s23] =	ssyncset.done $0x0  }
0x76: {  	[sflag:s23] =	ssyncadd.s32 $0xFFFFFD80  }
0x77: {  	s31 =	simm.s32 $0x1E500;
	s28 =	rddreg [dreg:$0x2]  }
0x78: {  	[tilespmem:s31], [sflag:$0x9] =	stream.linear.gather [hbm4b:s28+s25], $0x80, $0x38;
	[tilespmem:$0x1E800] =	vst v63  }
0x79: {  	_ =	swait.ge [sflag:s23], $0x80  }
0x7a: {  	[sflag:s23] =	ssyncset.done $0x0  }
0x7b: {  	[sflag:s23] =	ssyncadd.s32 $0xFFFFFF80  }
0x7c: {  	v0 =	vld [tilespmem:$0x1E530];
	_ =	sdelay $0x4  }
0x7d: {  	[tilespmem:$0x1FF80] =	vst v0;
	v0 =	vld [tilespmem:$0x1E540];
	_ =	sdelay $0x4  }
0x7e: {  	[tilespmem:$0x1FF90] =	vst v0;
	v0 =	vld [tilespmem:$0x1E550];
	_ =	sdelay $0x4  }
0x7f: {  	[tilespmem:$0x1FFA0] =	vst v0;
	v0 =	vld [tilespmem:$0x1E560];
	_ =	sdelay $0x4  }
0x80: {  	[tilespmem:$0x1FFB0] =	vst v0;
	v0 =	vld [tilespmem:$0x1E570];
	_ =	sdelay $0x3  }
0x81: {  	v3 =	vld [tilespmem:$0x1E500]  }
0x82: {  	v4 =	vld [tilespmem:$0x1E510];
	[tilespmem:$0x1FFC0] =	vst v0  }
0x83: {  	v5 =	vld [tilespmem:$0x1E520];
	[bflag:$0x0] =	sbarrier.arrive $0xFFFF  }
0x84: {  	s10 =	simm.s32 $0x14280;
	s6 =	rddreg [dreg:$0xf]  }
0x85: {  	[tilespmem:s10], [sflag:$0x1] =	stream.linear.gather [hbm4b:s6+s25], $0x50, $0x38;
	[tilespmem:$0x1E800] =	vst v63  }
0x86: {  	s21 =	simm.s32 $0x14320;
	s20 =	rddreg [dreg:$0x10]  }
0x87: {  	[tilespmem:s21], [sflag:$0x1] =	stream.linear.gather [hbm4b:s20+s25], $0x50, $0x38;
	[tilespmem:$0x1E800] =	vst v63  }
0x88: {  	s22 =	rddreg [dreg:$0x11];
	s20 =	simm.s32 $0x142D0  }
0x89: {  	[tilespmem:s20], [sflag:$0x2] =	stream.linear.gather [hbm4b:s22+s25], $0x50, $0x38;
	[tilespmem:$0x1E800] =	vst v63  }
0x8a: {  	s24 =	simm.s32 $0x14370;
	s26 =	simm.s32 $0x1;
	s23 =	rddreg [dreg:$0x12]  }
0x8b: {  	[tilespmem:s24], [sflag:$0x2] =	stream.linear.gather [hbm4b:s23+s25], $0x50, $0x38;
	[tilespmem:$0x1E800] =	vst v63  }
0x8c: {  	_ =	swait.ge [sflag:s26], $0x50  }
0x8d: {  	[sflag:s26] =	ssyncset.done $0x0  }
0x8e: {  	[sflag:s26] =	ssyncadd.s32 $0xFFFFFFB0  }
0x8f: {  	_ =	swait.ge [sflag:s26], $0x50  }
0x90: {  	[sflag:s26] =	ssyncset.done $0x0;
	[tilespmem:$0x1FFD0] =	vst v3  }
0x91: {  	s28 =	simm.s32 $0x14460;
	[tilespmem:$0x1FFE0] =	vst v4;
	[sflag:s26] =	ssyncadd.s32 $0xFFFFFFB0  }
0x92: {  	[tilespmem:s28], [sflag:$0x3] =	stream.indirect.gather [hbm4b:s1+s11], $0x40, s10, s11, $0xb8;
	[tilespmem:$0x1E800] =	vst v63  }
0x93: {  	s31 =	simm.s32 $0x16C60;
	[tilespmem:$0x1FFF0] =	vst v5;
	s26 =	simm.s32 $0x0  }
0x94: {  	[tilespmem:s31], [sflag:$0x3] =	stream.indirect.gather [hbm4b:s7+s11], $0x40, s21, s11, $0xb8;
	[tilespmem:$0x1E800] =	vst v63  }
.LBB2_4:
0x95: {  	_ =	swait.ge [sflag:s2], $0x1400  }
0x96: {  	[sflag:s2] =	ssyncset.done $0x0  }
0x97: {  	[sflag:s2] =	ssyncadd.s32 $0xFFFFEC00  }
0x98: {  	_ =	swait.ge [sflag:s2], $0x1400  }
0x99: {  	[sflag:s2] =	ssyncset.done $0x0  }
0x9a: {  	[sflag:s2] =	ssyncadd.s32 $0xFFFFEC00  }
0x9b: {  	v0 =	vld [tilespmem:$0x14320]  }
0x9c: {  	v1 =	vld [tilespmem:$0x14330]  }
0x9d: {  	v2 =	vld [tilespmem:$0x14340]  }
0x9e: {  	v9 =	vld [tilespmem:$0x14350]  }
0x9f: {  	v10 =	vld [tilespmem:$0x14360]  }
0xa0: {  	[tilespmem:$0x143C0] =	vst v0  }
0xa1: {  	[tilespmem:$0x143D0] =	vst v1  }
0xa2: {  	[tilespmem:$0x143E0] =	vst v2  }
0xa3: {  	p0 =	seq.s32 s26, $0x0;
	[tilespmem:$0x143F0] =	vst v9  }
0xa4: {  	s0 =	simm.s32 @!p0 $0x6;
	[tilespmem:$0x14400] =	vst v10  }
0xa5: {  	_ =	swait.ge @!p0 [sflag:s0], $0x2800  }
0xa6: {  	[sflag:s0] =	ssyncset.done @!p0 $0x0  }
0xa7: {  	[sflag:s0] =	ssyncadd.s32 @!p0 $0xFFFFD800;
	s0 =	simm.s32 @!p0 $0x8  }
0xa8: {  	s28 =	sshll.u32 s26, $0x1;
	_ =	swait.ge @!p0 [sflag:s0], $0x50  }
0xa9: {  	p1 =	sge.u32 s28, s30;
	[sflag:s0] =	ssyncset.done @!p0 $0x0  }
0xaa: {  	[sflag:s0] =	ssyncadd.s32 @!p0 $0xFFFFFFB0;
	s0 =	simm.s32 @!p1 $0x2  }
0xab: {  	_ =	swait.ge @!p1 [sflag:s0], $0x50  }
0xac: {  	[sflag:s0] =	ssyncset.done @!p1 $0x0  }
0xad: {  	[sflag:s0] =	ssyncadd.s32 @!p1 $0xFFFFFFB0  }
0xae: {  	_ =	swait.ge @!p1 [sflag:s0], $0x50  }
0xaf: {  	s6 =	simm.s32 @!p1 $0x142D0;
	[sflag:s0] =	ssyncset.done @!p1 $0x0  }
0xb0: {  	s10 =	simm.s32 @!p1 $0x15860;
	[sflag:s0] =	ssyncadd.s32 @!p1 $0xFFFFFFB0;
	s0 =	simm.s32 @!p1 $0x50  }
0xb1: {  	[tilespmem:s10], [sflag:$0x4] =	stream.indirect.gather @!p1 [hbm4b:s1+s0], $0x40, s6, s0, $0xb8;
	[tilespmem:$0x1E800] =	vst v63  }
0xb2: {  	s6 =	sadd.s32 $0x2, s28  }
0xb3: {  	p0 =	sge.u32 s6, s19  }
0xb4: {  	s20 =	simm.s32 @!p1 $0x18060;
	s10 =	simm.s32 @!p1 $0x14370;
	s6 =	smul.u32 @!p0 $0x50, s6  }
0xb5: {  	[tilespmem:s20], [sflag:$0x4] =	stream.indirect.gather @!p1 [hbm4b:s7+s0], $0x40, s10, s0, $0xb8;
	[tilespmem:$0x1E800] =	vst v63  }
0xb6: {  	s0 =	sadd.s32 @!p0 s15, s6  }
0xb7: {  	s0 =	sshrl.u32 @!p0 s0, $0x3  }
0xb8: {  	s10 =	simm.s32 @!p0 $0x0;
	s20 =	simm.s32 @!p0 $0x14280;
	s6 =	sadd.s32 @!p0 s8, s0  }
0xb9: {  	[tilespmem:s20], [sflag:$0x1] =	stream.linear.gather @!p0 [hbm4b:s6+s10], $0x50, $0x38;
	[tilespmem:$0x1E800] =	vst v63  }
0xba: {  	s21 =	simm.s32 $0x16CA0;
	s0 =	sadd.s32 @!p0 s9, s0;
	s6 =	simm.s32 @!p0 $0x14320  }
0xbb: {  	[tilespmem:s6], [sflag:$0x1] =	stream.linear.gather @!p0 [hbm4b:s0+s10], $0x50, $0x38;
	[tilespmem:$0x1E800] =	vst v63  }
0xbc: {  	v0 =	vld [tilespmem:s21+$0xFFFFFFC0]  }
0xbd: {  	v1 =	vld [tilespmem:s21+$0xFFFFFFF0]  }
0xbe: {  	v2 =	vld [tilespmem:s21+$0x0]  }
0xbf: {  	s22 =	simm.s32 $0x144A0;
	v9 =	vld [tilespmem:s21+$0x20]  }
0xc0: {  	v11 =	vld [tilespmem:s22+$0x0]  }
0xc1: {  	v12 =	vld [tilespmem:s22+$0x10]  }
0xc2: {  	v10 =	vld [tilespmem:s22+$0x20]  }
0xc3: {  	v13 =	vld [tilespmem:s22+$0x30]  }
0xc4: {  	v15 =	vld [tilespmem:s21+$0x10]  }
0xc5: {  	v56 =	vmov s25;
	v14 =	vunpack.i.l.bf16.f32 v0;
	v19 =	vunpack.i.u.bf16.f32 v1  }
0xc6: {  	v20 =	vld [tilespmem:s21+$0x30];
	v16 =	vunpack.i.l.bf16.f32 v2;
	v28 =	vunpack.i.l.bf16.f32 v11;
	v0 =	vunpack.i.u.bf16.f32 v0  }
0xc7: {  	v30 =	vunpack.i.l.bf16.f32 v12;
	v17 =	vunpack.i.u.bf16.f32 v9;
	v18 =	vunpack.i.l.bf16.f32 v9  }
0xc8: {  	v6 =	vunpack.i.u.bf16.f32 v10;
	v35 =	vunpack.i.l.bf16.f32 v10;
	v16 =	vadd.f32 v16, v28  }
0xc9: {  	v7 =	vunpack.i.l.bf16.f32 v13;
	v34 =	vunpack.i.u.bf16.f32 v12;
	v12 =	vunpack.i.l.bf16.f32 v15  }
0xca: {  	v32 =	vunpack.i.u.bf16.f32 v11;
	v2 =	vunpack.i.u.bf16.f32 v2;
	v21 =	vmul.f32 $2.000000030e-01, v16  }
0xcb: {  	v15 =	vunpack.i.u.bf16.f32 v15;
	v22 =	vunpack.i.l.bf16.f32 v20;
	v2 =	vadd.f32 v2, v32  }
0xcc: {  	v20 =	vunpack.i.u.bf16.f32 v20;
	v18 =	vadd.f32 v18, v35;
	v11 =	vmax.f32 v16, v21;
	v16 =	vld [tilespmem:s22+$0xFFFFFFC0]  }
0xcd: {  	v12 =	vadd.f32 v12, v30;
	v15 =	vadd.f32 v15, v34;
	v25 =	vmul.f32 $2.000000030e-01, v2  }
0xce: {  	v13 =	vunpack.i.u.bf16.f32 v13;
	v17 =	vadd.f32 v17, v6;
	v22 =	vadd.f32 v22, v7;
	[tilespmem:$0x1FEB0] =	vst v6  }
0xcf: {  	v23 =	vmul.f32 $2.000000030e-01, v18;
	v21 =	vmul.f32 $2.000000030e-01, v12;
	v2 =	vmax.f32 v2, v25;
	v24 =	vld [tilespmem:s21+$0xFFFFFFD0];
	[tilespmem:$0x1FEC0] =	vst v7  }
0xd0: {  	v20 =	vadd.f32 v20, v13;
	v11 =	vmul.f32 v11, v3;
	v2 =	vmul.f32 v2, v4;
	v26 =	vld [tilespmem:s22+$0xFFFFFFD0]  }
0xd1: {  	v12 =	vmax.f32 v12, v21;
	v21 =	vmul.f32 $2.000000030e-01, v15;
	v46 =	vunpack.i.l.bf16.f32 v16  }
0xd2: {  	v11 =	vadd.f32 $0.0e+00, v11;
	v12 =	vmul.f32 v12, v5;
	v14 =	vadd.f32 v14, v46  }
0xd3: {  	v6 =	vld [tilespmem:$0x1FF80];
	v15 =	vmax.f32 v15, v21;
	v21 =	vmul.f32 $2.000000030e-01, v17;
	v60 =	vunpack.i.u.bf16.f32 v16  }
0xd4: {  	v7 =	vld [tilespmem:$0x1FF90];
	v2 =	vadd.f32 v11, v2;
	v0 =	vadd.f32 v0, v60;
	v16 =	vmul.f32 $2.000000030e-01, v14  }
0xd5: {  	v10 =	vld [tilespmem:$0x1FFC0];
	v17 =	vmax.f32 v17, v21;
	v21 =	vunpack.i.l.bf16.f32 v24;
	v61 =	vunpack.i.l.bf16.f32 v26  }
0xd6: {  	[tilespmem:$0x1FF20] =	vst v60;
	v14 =	vmax.f32 v14, v16;
	v16 =	vadd.f32 v21, v61;
	v21 =	vmul.f32 $2.000000030e-01, v0  }
0xd7: {  	v8 =	vld [tilespmem:$0x1FFA0];
	v1 =	vunpack.i.l.bf16.f32 v1;
	v18 =	vmax.f32 v18, v23;
	v25 =	vmul.f32 $2.000000030e-01, v20;
	[tilespmem:$0x1FF30] =	vst v61  }
0xd8: {  	v15 =	vmul.f32 v15, v6;
	v2 =	vadd.f32 v12, v2;
	v0 =	vmax.f32 v0, v21;
	v21 =	vld [tilespmem:s22+$0xFFFFFFF0]  }
0xd9: {  	s23 =	simm.s32 $0x16D20;
	v11 =	vmax.f32 v20, v25;
	v18 =	vmul.f32 v18, v7;
	v27 =	vld [tilespmem:s21+$0xFFFFFFE0];
	v14 =	vmul.f32 v14, v3  }
0xda: {  	v11 =	vmul.f32 v11, v10;
	v12 =	vld [tilespmem:s23+$0xFFFFFFF0];
	v2 =	vadd.f32 v2, v15;
	v23 =	vmul.f32 $2.000000030e-01, v16  }
0xdb: {  	v9 =	vunpack.i.u.bf16.f32 v26;
	v14 =	vadd.f32 $0.0e+00, v14;
	v0 =	vmul.f32 v0, v4  }
0xdc: {  	v17 =	vmul.f32 v17, v8;
	v20 =	vld [tilespmem:s23+$0xFFFFFFC0];
	v2 =	vadd.f32 v18, v2;
	[tilespmem:$0x1FF40] =	vst v9;
	v16 =	vmax.f32 v16, v23  }
0xdd: {  	v23 =	vld [tilespmem:s22+$0xFFFFFFE0];
	v0 =	vadd.f32 v14, v0;
	v14 =	vunpack.i.u.bf16.f32 v24;
	v36 =	vunpack.i.l.bf16.f32 v21  }
0xde: {  	v2 =	vadd.f32 v2, v17;
	v16 =	vmul.f32 v16, v5;
	v25 =	vadd.f32 v14, v9;
	v9 =	vld [tilespmem:$0x1FFB0];
	[tilespmem:$0x1FF70] =	vst v36  }
0xdf: {  	s24 =	simm.s32 $0x14520;
	v29 =	vunpack.i.u.bf16.f32 v27;
	v47 =	vunpack.i.u.bf16.f32 v12;
	v24 =	vmul.f32 $2.000000030e-01, v22;
	v26 =	vld [tilespmem:s23+$0x0]  }
0xe0: {  	v0 =	vadd.f32 v16, v0;
	v14 =	vunpack.i.u.bf16.f32 v21;
	v16 =	vmul.f32 $2.000000030e-01, v25;
	v21 =	vld [tilespmem:s24+$0x10]  }
0xe1: {  	v37 =	vunpack.i.l.bf16.f32 v12;
	v33 =	vunpack.i.u.bf16.f32 v20;
	v15 =	vmax.f32 v22, v24;
	v24 =	vld [tilespmem:s23+$0x20]  }
0xe2: {  	v18 =	vld [tilespmem:s24+$0x20];
	v17 =	vunpack.i.l.bf16.f32 v23;
	v16 =	vmax.f32 v25, v16;
	v25 =	vunpack.i.l.bf16.f32 v27  }
0xe3: {  	[tilespmem:$0x1FF50] =	vst v17;
	v15 =	vmul.f32 v15, v9;
	v12 =	vmul.f32 v16, v6;
	v25 =	vadd.f32 v25, v17  }
0xe4: {  	v22 =	vunpack.i.l.bf16.f32 v20;
	v1 =	vadd.f32 v1, v36;
	v42 =	vunpack.i.u.bf16.f32 v23;
	v27 =	vld [tilespmem:s24+$0x0]  }
0xe5: {  	v31 =	vld [tilespmem:s24+$0x30];
	v2 =	vadd.f32 v15, v2;
	v0 =	vadd.f32 v0, v12;
	v23 =	vmul.f32 $2.000000030e-01, v25  }
0xe6: {  	[tilespmem:$0x1FF60] =	vst v42;
	v16 =	vunpack.i.l.bf16.f32 v21;
	v38 =	vunpack.i.u.bf16.f32 v24;
	v20 =	vunpack.i.l.bf16.f32 v24  }
0xe7: {  	v39 =	vld [tilespmem:s23+$0x10];
	v24 =	vunpack.i.l.bf16.f32 v26;
	v15 =	vunpack.i.l.bf16.f32 v18;
	v26 =	vunpack.i.u.bf16.f32 v26  }
0xe8: {  	v2 =	vadd.f32 v2, v11;
	v11 =	vunpack.i.u.bf16.f32 v18;
	v41 =	vadd.f32 v20, v15  }
0xe9: {  	v20 =	vunpack.i.u.bf16.f32 v21;
	v21 =	vadd.f32 v29, v42;
	v23 =	vmax.f32 v25, v23  }
0xea: {  	v17 =	vunpack.i.l.bf16.f32 v27;
	v12 =	vunpack.i.l.bf16.f32 v31;
	v38 =	vadd.f32 v38, v11  }
0xeb: {  	[tilespmem:$0x1FED0] =	vst v17;
	v24 =	vadd.f32 v24, v17;
	v17 =	vunpack.i.u.bf16.f32 v27;
	v27 =	vadd.f32 v19, v14  }
0xec: {  	v29 =	vunpack.i.u.bf16.f32 v39;
	v39 =	vunpack.i.l.bf16.f32 v39;
	v43 =	vmul.f32 $2.000000030e-01, v21  }
0xed: {  	(xrf2) =	vadd.scan.msk.f32 $0xffff, v2;
	v2 =	vmul.f32 v23, v7;
	v40 =	vld [tilespmem:s23+$0x30];
	[tilespmem:$0x1FEE0] =	vst v17;
	v26 =	vadd.f32 v26, v17  }
0xee: {  	v29 =	vadd.f32 v29, v20;
	v17 =	vunpack.i.u.bf16.f32 v31;
	v19 =	vmul.f32 $2.000000030e-01, v24;
	v53 =	vld [tilespmem:s24+$0xFFFFFFC0]  }
0xef: {  	v62 =	vmul.f32 $2.000000030e-01, v27;
	v54 =	vld [tilespmem:s23+$0xFFFFFFD0];
	v21 =	vmax.f32 v21, v43;
	v45 =	vmul.f32 $2.000000030e-01, v26  }
0xf0: {  	v0 =	vadd.f32 v2, v0;
	v19 =	vmax.f32 v24, v19;
	v24 =	vadd.f32 v39, v16  }
0xf1: {  	v52 =	vmul.f32 $2.000000030e-01, v29;
	v19 =	vmul.f32 v19, v3;
	v26 =	vmax.f32 v26, v45  }
0xf2: {  	v63 =	vunpack.i.l.bf16.f32 v40;
	v51 =	vmul.f32 $2.000000030e-01, v24;
	v26 =	vmul.f32 v26, v4  }
0xf3: {  	v25 =	vadd.f32 $0.0e+00, v19;
	v19 =	vmul.f32 $2.000000030e-01, v41;
	v18 =	vunpack.i.u.bf16.f32 v53  }
0xf4: {  	v31 =	vunpack.i.l.bf16.f32 v54;
	v24 =	vmax.f32 v24, v51;
	v33 =	vadd.f32 v33, v18  }
0xf5: {  	v2 =	vld [tilespmem:s24+$0xFFFFFFD0];
	v55 =	vmul.f32 v24, v5;
	v24 =	vmax.f32 v29, v52;
	v29 =	vmul.f32 $2.000000030e-01, v38  }
0xf6: {  	v41 =	vmax.f32 v41, v19;
	v19 =	vmul.f32 $2.000000030e-01, v1;
	v52 =	vmul.f32 v24, v6  }
0xf7: {  	v24 =	vunpack.i.u.bf16.f32 v40;
	v23 =	vmax.f32 v38, v29;
	v29 =	vmul.f32 v21, v8  }
0xf8: {  	v1 =	vmax.f32 v1, v19;
	v24 =	vadd.f32 v24, v17;
	v19 =	vunpack.i.l.bf16.f32 v53  }
0xf9: {  	v1 =	vmul.f32 v1, v9;
	v0 =	vadd.f32 v0, v29;
	v29 =	vadd.f32 v22, v19  }
0xfa: {  	v21 =	vunpack.i.l.bf16.f32 v2;
	v60 =	vmul.f32 v23, v8;
	v23 =	vmax.f32 v27, v62  }
0xfb: {  	v27 =	vmul.f32 v23, v10;
	v0 =	vadd.f32 v1, v0;
	v1 =	vmul.f32 $2.000000030e-01, v29  }
0xfc: {  	v42 =	vadd.f32 v63, v12;
	v31 =	vadd.f32 v31, v21;
	v61 =	vmul.f32 $2.000000030e-01, v24  }
0xfd: {  	v0 =	vadd.f32 v0, v27;
	v1 =	vmax.f32 v29, v1;
	v27 =	vmul.f32 $2.000000030e-01, v33  }
0xfe: {  	[tilespmem:$0x1FEF0] =	vst v17;
	v25 =	vadd.f32 v25, v26;
	v63, _, _ =	vpop (xrf2);
	v44 =	vmul.f32 $2.000000030e-01, v31;
	v1 =	vmul.f32 v1, v3  }
0xff: {  	v24 =	vmax.f32 v24, v61;
	(xrf2) =	vadd.scan.msk.f32 $0xffff, v0;
	v0 =	vmul.f32 $1.442695020e+00, v63;
	v27 =	vmax.f32 v33, v27  }
0x100: {  	v45 =	vld [tilespmem:s23+$0xFFFFFFE0];
	s23 =	simm.s32 $0x1;
	v33 =	vmul.f32 v24, v10;
	v1 =	vadd.f32 $0.0e+00, v1;
	v24 =	vmul.f32 v27, v4  }
0x101: {  	v17 =	vmov s23;
	v27 =	vmax.f32 v31, v44;
	v0 =	vbroadcast v0, $0xF  }
0x102: {  	v62 =	vmul.f32 v41, v7;
	v26 =	vmul.f32 v27, v5;
	v1 =	vadd.f32 v1, v24  }
0x103: {  	s31 =	simm.s32 $0x16DA0;
	v29 =	vld [tilespmem:s24+$0xFFFFFFF0];
	v31 =	vmul.f32 $2.000000030e-01, v42;
	(erf) = vpow2.f32 v0;
	v0 =	vadd.f32 v55, v25  }
0x104: {  	v27 =	vld [tilespmem:s31+$0xFFFFFFC0];
	[tilespmem:$0x1FF10] =	vst v17;
	v1 =	vadd.f32 v26, v1;
	v26 =	vunpack.i.u.bf16.f32 v2;
	v2 =	vunpack.i.u.bf16.f32 v54  }
0x105: {  	v31 =	vmax.f32 v42, v31;
	v42 =	vld [tilespmem:s24+$0xFFFFFFE0];
	v0 =	vadd.f32 v0, v52;
	v2 =	vadd.f32 v2, v26  }
0x106: {  	v48 =	vand.u32 $0xFFFFFFFE, v56;
	v51 =	vunpack.i.l.bf16.f32 v45;
	v58 =	vld [tilespmem:s31+$0x20]  }
0x107: {  	s21 =	simm.s32 $0x145A0;
	v22 =	vbroadcast v48, $0x0;
	v0 =	vadd.f32 v62, v0;
	v50 =	vmul.f32 $2.000000030e-01, v2  }
0x108: {  	v24 =	vunpack.i.l.bf16.f32 v29;
	v29 =	vunpack.i.u.bf16.f32 v29;
	v43 =	vld [tilespmem:s21+$0x20];
	v31 =	vmul.f32 v31, v9  }
0x109: {  	v59 =	vld [tilespmem:s31+$0x0];
	v55 =	vunpack.i.u.bf16.f32 v45;
	v2 =	vmax.f32 v2, v50;
	v0 =	vadd.f32 v0, v60  }
0x10a: {  	v61 =	vld [tilespmem:s21+$0x0];
	v37 =	vadd.f32 v37, v24;
	v53 =	vunpack.i.l.bf16.f32 v27;
	v2 =	vmul.f32 v2, v6  }
0x10b: {  	v52 =	vld [tilespmem:s21+$0x10];
	v23 =	vunpack.i.l.bf16.f32 v42;
	v62 =	vunpack.i.u.bf16.f32 v58;
	v0 =	vadd.f32 v31, v0  }
0x10c: {  	v58 =	vunpack.i.l.bf16.f32 v58;
	v54 =	vadd.f32 v51, v23;
	v49, _, _ =	vpop (xrf2);
	v45 =	vadd.f32 v1, v2;
	v1 =	vld [tilespmem:s31+$0x10]  }
0x10d: {  	v60 =	vunpack.i.u.bf16.f32 v27;
	v39 =	vmul.f32 $1.442695020e+00, v49;
	v41 =	vpop (erf);
	v36 =	vadd.f32 v0, v33  }
0x10e: {  	v63 =	vmul.f32 v41, v32;
	v0 =	vunpack.i.l.bf16.f32 v43;
	v49 =	vmul.f32 v41, v30  }
0x10f: {  	v57 =	vld [tilespmem:s21+$0x30];
	v30 =	vunpack.i.l.bf16.f32 v59;
	v50 =	vmul.f32 v41, v34;
	v34 =	vunpack.i.l.bf16.f32 v61  }
0x110: {  	v25 =	vld [tilespmem:s31+$0xFFFFFFF0];
	v32 =	vunpack.i.u.bf16.f32 v43;
	[tilespmem:$0x1FF00] =	vst v0;
	v58 =	vadd.f32 v58, v0;
	v0 =	vadd.f32 v30, v34  }
0x111: {  	v30 =	vunpack.i.u.bf16.f32 v52;
	v43 =	vunpack.i.l.bf16.f32 v1;
	v1 =	vunpack.i.u.bf16.f32 v1  }
0x112: {  	v27 =	vunpack.i.l.bf16.f32 v52;
	v39 =	vbroadcast v39, $0xF;
	v1 =	vadd.f32 v1, v30  }
0x113: {  	v51 =	vmul.f32 v41, v28;
	v28 =	vunpack.i.u.bf16.f32 v42;
	v42 =	vmul.f32 $2.000000030e-01, v54  }
0x114: {  	v56 =	vmul.f32 v41, v35;
	v35 =	vunpack.i.u.bf16.f32 v61;
	v61 =	vmul.f32 $2.000000030e-01, v1  }
0x115: {  	v33 =	vunpack.i.l.bf16.f32 v57;
	v55 =	vadd.f32 v55, v28;
	v44 =	vmul.f32 $2.000000030e-01, v0  }
0x116: {  	v2 =	vld [tilespmem:s31+$0x30];
	v52 =	vadd.f32 v43, v27;
	v17 =	vmax.f32 v1, v61;
	v61 =	vmul.f32 $2.000000030e-01, v37  }
0x117: {  	(erf) = vpow2.f32 v39;
	v42 =	vmax.f32 v54, v42;
	v48 =	vmul.f32 $2.000000030e-01, v58  }
0x118: {  	v43 =	vmax.f32 v0, v44;
	v39 =	vmul.f32 $2.000000030e-01, v52;
	v37 =	vmax.f32 v37, v61  }
0x119: {  	v0 =	vmul.f32 $2.000000030e-01, v55;
	v48 =	vmax.f32 v58, v48;
	v37 =	vmul.f32 v37, v9;
	v9 =	vld [tilespmem:$0x1FF10]  }
0x11a: {  	v58 =	vmul.f32 v42, v7;
	v44 =	vmax.f32 v52, v39;
	v39 =	vadd.f32 v62, v32;
	v62 =	vld [tilespmem:s21+$0xFFFFFFC0]  }
0x11b: {  	v42 =	vunpack.i.u.bf16.f32 v57;
	v0 =	vmax.f32 v55, v0;
	v57 =	vunpack.i.u.bf16.f32 v2;
	v55 =	vld [tilespmem:s21+$0xFFFFFFD0]  }
0x11c: {  	v45 =	vadd.f32 v58, v45;
	v57 =	vadd.f32 v57, v42;
	v0 =	vmul.f32 v0, v8;
	v52 =	vld [tilespmem:s31+$0xFFFFFFD0]  }
0x11d: {  	v47 =	vadd.f32 v47, v29;
	v59 =	vunpack.i.u.bf16.f32 v59;
	v54 =	vmul.f32 $2.000000030e-01, v39  }
0x11e: {  	v1 =	vmul.f32 v43, v3;
	v0 =	vadd.f32 v45, v0;
	v58 =	vmul.f32 $2.000000030e-01, v57  }
0x11f: {  	v54 =	vmax.f32 v39, v54;
	v39 =	vmul.f32 $2.000000030e-01, v47;
	v31 =	vunpack.i.l.bf16.f32 v62  }
0x120: {  	v0 =	vadd.f32 v37, v0;
	v37 =	vunpack.i.u.bf16.f32 v62;
	v43 =	vadd.f32 v53, v31  }
0x121: {  	s22 =	simm.s32 $0x194E0;
	v47 =	vmax.f32 v47, v39;
	v53 =	vunpack.i.l.bf16.f32 v52;
	v39 =	vunpack.i.l.bf16.f32 v55;
	[tilespmem:v9+s3+$0x0] =	vst.idx.msk $0x1, v41  }
0x122: {  	v45 =	vmax.f32 v57, v58;
	v57 =	vadd.f32 v60, v37;
	v53 =	vadd.f32 v53, v39;
	[tilespmem:s22+$0x0] =	vst v51  }
0x123: {  	v59 =	vadd.f32 v59, v35;
	v47 =	vmul.f32 v47, v10;
	[tilespmem:s22+$0x10] =	vst v63  }
0x124: {  	(xrf2) =	vadd.scan.msk.f32 $0xffff, v36;
	v58 =	vmul.f32 $2.000000030e-01, v53;
	v63 =	vmul.f32 $2.000000030e-01, v57;
	[tilespmem:s22+$0x20] =	vst v49  }
0x125: {  	v36 =	vmul.f32 $2.000000030e-01, v59;
	v61 =	vmul.f32 $2.000000030e-01, v43;
	v0 =	vadd.f32 v0, v47;
	[tilespmem:s22+$0x30] =	vst v50  }
0x126: {  	v47 =	vmax.f32 v53, v58;
	v58 =	vmul.f32 v17, v6;
	[tilespmem:s22+$0x40] =	vst v56;
	v6 =	vmax.f32 v57, v63;
	v57 =	vpop (erf)  }
0x127: {  	v2 =	vunpack.i.l.bf16.f32 v2;
	v60 =	vmul.f32 v44, v5;
	v62 =	vmax.f32 v43, v61;
	[tilespmem:v22+s3+$0x0] =	vst.idx.msk $0x1, v57  }
0x128: {  	v44 =	vmax.f32 v59, v36;
	v59 =	vadd.f32 v2, v33;
	v2 =	vmul.f32 v62, v3;
	v3 =	vld [tilespmem:$0x1FF20];
	_ =	sdelay $0x1  }
0x129: {  	v61 =	vmul.f32 v48, v7;
	v7 =	vmul.f32 v57, v46;
	_ =	sdelay $0x1  }
0x12a: {  	[tilespmem:s22+$0xFFFFFF80] =	vst v7  }
0x12b: {  	v56 =	vmul.f32 v57, v3;
	v3 =	vld [tilespmem:$0x1FF30];
	_ =	sdelay $0x3  }
0x12c: {  	[tilespmem:s22+$0xFFFFFF90] =	vst v56  }
0x12d: {  	v36, _, _ =	vpop (xrf2);
	(xrf2) =	vadd.scan.msk.f32 $0xffff, v0;
	v0 =	vadd.f32 $0.0e+00, v2;
	v2 =	vld [tilespmem:$0x1FF40];
	v7 =	vmul.f32 v57, v3;
	_ =	sdelay $0x1  }
0x12e: {  	[tilespmem:s22+$0xFFFFFFA0] =	vst v7  }
0x12f: {  	v3 =	vld [tilespmem:$0x1FF50]  }
0x130: {  	v36 =	vmul.f32 $1.442695020e+00, v36  }
0x131: {  	v63 =	vmul.f32 v57, v2  }
0x132: {  	v48 =	vbroadcast v36, $0xF  }
0x133: {  	[tilespmem:s22+$0xFFFFFFB0] =	vst v63  }
0x134: {  	(erf) = vpow2.f32 v48;
	v48 =	vmul.f32 v57, v3;
	v3 =	vld [tilespmem:$0x1FF60];
	_ =	sdelay $0x3  }
0x135: {  	v43 =	vld [tilespmem:s21+$0xFFFFFFF0]  }
0x136: {  	v49 =	vmul.f32 v57, v3;
	v3 =	vld [tilespmem:$0x1FF70]  }
0x137: {  	v38 =	vunpack.i.u.bf16.f32 v25  }
0x138: {  	s24 =	simm.s32 $0x2;
	v40 =	vunpack.i.l.bf16.f32 v25;
	v1 =	vadd.f32 $0.0e+00, v1;
	v36 =	vmul.f32 v44, v4  }
0x139: {  	s20 =	simm.s32 $0x4;
	v54 =	vmul.f32 v54, v8;
	v53 =	vmul.f32 v45, v10;
	v51 =	vmov s24  }
0x13a: {  	s6 =	simm.s32 $0x6;
	s10 =	simm.s32 $0x195E0;
	v44 =	vld [tilespmem:s31+$0xFFFFFFE0];
	s31 =	simm.s32 $0x3;
	v62 =	vmul.f32 v47, v5;
	v1 =	vadd.f32 v1, v36;
	v56 =	vunpack.i.l.bf16.f32 v43  }
0x13b: {  	s23 =	simm.s32 $0x195E0;
	v45 =	vld [tilespmem:s21+$0xFFFFFFE0];
	s21 =	simm.s32 $0x14620;
	s24 =	simm.s32 $0x16E20;
	v2 =	vmul.f32 v6, v4;
	v63 =	vmov s31;
	v47 =	vmul.f32 v57, v3  }
.LBB2_5:
0x13c: {  	v3 =	vmov v24  }
0x13d: {  	[tilespmem:$0x1FEA0] =	vst v3;
	v3 =	vld [tilespmem:$0x1FEB0];
	_ =	sdelay $0x2  }
0x13e: {  	v50 =	vld [tilespmem:s24+$0xFFFFFFC0]  }
0x13f: {  	v24 =	vmov v56;
	v56 =	vld [tilespmem:s21+$0x30]  }
0x140: {  	v1 =	vadd.f32 v60, v1;
	v60 =	vmul.f32 v41, v3;
	v3 =	vld [tilespmem:$0x1FEC0]  }
0x141: {  	v57 =	vmul.f32 v57, v14;
	v14 =	vld [tilespmem:$0x1FFB0]  }
0x142: {  	v6 =	vld [tilespmem:$0x1FED0]  }
0x143: {  	[tilespmem:$0x1FE90] =	vst v26;
	v8 =	vld [tilespmem:$0x1FEE0]  }
0x144: {  	v9 =	vld [tilespmem:$0x1FF00];
	[tilespmem:s22+$0xFFFFFFE0] =	vst v47;
	v1 =	vadd.f32 v1, v58  }
0x145: {  	v0 =	vadd.f32 v0, v2;
	v2 =	vmul.f32 $2.000000030e-01, v59;
	v10 =	vmul.f32 v41, v3;
	v3 =	vld [tilespmem:s24+$0xFFFFFFF0];
	[tilespmem:s22+$0xFFFFFFF0] =	vst v57  }
0x146: {  	v13 =	vmul.f32 v41, v13;
	v1 =	vadd.f32 v61, v1;
	v57 =	vld [tilespmem:s24+$0x0];
	[tilespmem:s22+$0xFFFFFFD0] =	vst v49  }
0x147: {  	v26 =	vmovc v21;
	v21 =	vmovc v29;
	v29 =	vunpack.i.u.bf16.f32 v52;
	v17 =	vmov v32;
	v2 =	vmax.f32 v59, v2;
	v49 =	vld [tilespmem:$0x1FEF0];
	[tilespmem:s22+$0x60] =	vst v10  }
0x148: {  	v36, _, _ =	vpop (xrf2);
	v47 =	vunpack.i.u.bf16.f32 v55;
	v2 =	vmul.f32 v2, v14;
	v1 =	vadd.f32 v1, v54;
	v52 =	vld [tilespmem:s24+$0x20];
	[tilespmem:s22+$0x70] =	vst v13  }
0x149: {  	v46 =	vmovc v18;
	v18 =	vmovc v33;
	v7 =	vunpack.i.l.bf16.f32 v44;
	v32 =	vadd.f32 v29, v47;
	v61 =	vand.u32 $0xFFFFFFFE, v51;
	v51 =	vld [tilespmem:s21+$0x10];
	[tilespmem:s22+$0x50] =	vst v60  }
0x14a: {  	v36 =	vmul.f32 $1.442695020e+00, v36;
	v29 =	vunpack.i.u.bf16.f32 v43;
	v1 =	vadd.f32 v2, v1;
	v41 =	vpop (erf);
	v60 =	vld [tilespmem:s21+$0x20]  }
0x14b: {  	v0 =	vadd.f32 v62, v0;
	v58 =	vunpack.i.u.bf16.f32 v44;
	v33 =	vmul.f32 $2.000000030e-01, v32;
	[tilespmem:v63+s3+$0x0] =	vst.idx.msk $0x1, v41;
	v63 =	vmovc v42;
	v42 =	vld [tilespmem:s21+$0xFFFFFFE0]  }
0x14c: {  	v4 =	vmovc v12;
	v62 =	vunpack.i.l.bf16.f32 v50;
	v22 =	vmovc v9;
	v9 =	vadd.f32 v38, v29;
	v1 =	vadd.f32 v1, v53;
	v13 =	vld [tilespmem:$0x1FF80]  }
0x14d: {  	v25 =	vmovc v19;
	[tilespmem:$0x1FEC0] =	vst v4;
	v32 =	vmax.f32 v32, v33;
	v54 =	vbroadcast v36, $0xF;
	v36 =	vmul.f32 v41, v6;
	v2 =	vld [tilespmem:s21+$0x0]  }
0x14e: {  	v20 =	vmul.f32 v41, v20;
	(xrf2) =	vadd.scan.msk.f32 $0xffff, v1;
	v1 =	vmul.f32 v41, v16;
	v19 =	vmovc v49;
	v49 =	vunpack.i.l.bf16.f32 v45  }
0x14f: {  	v59 =	vunpack.i.u.bf16.f32 v3;
	v3 =	vunpack.i.l.bf16.f32 v3;
	v4 =	vadd.f32 v7, v49;
	v7 =	vld [tilespmem:s24+$0x30];
	[tilespmem:s23+$0x0] =	vst v36  }
0x150: {  	[tilespmem:$0x1FEF0] =	vst v63;
	v63 =	vunpack.i.u.bf16.f32 v50;
	v50 =	vunpack.i.u.bf16.f32 v45;
	v36 =	vmul.f32 v41, v8;
	v8 =	vmovc v35;
	v45 =	vmovc v42;
	v42 =	vld [tilespmem:s24+$0x10]  }
0x151: {  	v5 =	vmovc v11;
	v35 =	vunpack.i.l.bf16.f32 v57;
	[tilespmem:$0x1FEE0] =	vst v8;
	v8 =	vadd.f32 v40, v24;
	v32 =	vmul.f32 v32, v13  }
0x152: {  	[tilespmem:$0x1FEB0] =	vst v5;
	v33 =	vmovc v34;
	v6 =	vmul.f32 $2.000000030e-01, v4;
	v53 =	vunpack.i.u.bf16.f32 v52;
	v34 =	vunpack.i.l.bf16.f32 v2  }
0x153: {  	v38 =	vmovc v59;
	v40 =	vmovc v3;
	v5 =	vunpack.i.l.bf16.f32 v51;
	v3 =	vunpack.i.u.bf16.f32 v51;
	[tilespmem:s23+$0x20] =	vst v1;
	v1 =	vadd.f32 v35, v34  }
0x154: {  	v0 =	vadd.f32 v0, v32;
	[tilespmem:s23+$0x10] =	vst v36;
	v36 =	vmovc v28;
	v28 =	vmovc v23;
	v35 =	vunpack.i.u.bf16.f32 v2;
	v2 =	vunpack.i.u.bf16.f32 v57  }
0x155: {  	v23 =	vmovc v27;
	v27 =	vmovc v5;
	v57 =	vmul.f32 $2.000000030e-01, v1;
	v59 =	vunpack.i.u.bf16.f32 v42;
	v42 =	vunpack.i.l.bf16.f32 v42  }
0x156: {  	v16 =	vld [tilespmem:$0x1FFF0];
	v52 =	vunpack.i.l.bf16.f32 v52;
	v32 =	vunpack.i.u.bf16.f32 v60;
	[tilespmem:s23+$0x30] =	vst v20;
	v20 =	vmovc v30;
	v30 =	vmovc v3;
	v3 =	vadd.f32 v42, v27  }
0x157: {  	v60 =	vunpack.i.l.bf16.f32 v60;
	v1 =	vmax.f32 v1, v57;
	v57 =	vadd.f32 v59, v30  }
0x158: {  	[tilespmem:$0x1FED0] =	vst v33;
	v33 =	vunpack.i.l.bf16.f32 v56;
	v5 =	vadd.f32 v52, v60;
	v10 =	vmovc v60;
	v60 =	vmul.f32 $2.000000030e-01, v3  }
0x159: {  	v4 =	vmax.f32 v4, v6;
	[tilespmem:$0x1FF00] =	vst v10;
	v10 =	vadd.f32 v58, v50;
	v58 =	vmul.f32 $2.000000030e-01, v57  }
0x15a: {  	v53 =	vadd.f32 v53, v32;
	v6 =	vmul.f32 $2.000000030e-01, v5;
	v3 =	vmax.f32 v3, v60  }
0x15b: {  	v42 =	vunpack.i.l.bf16.f32 v7;
	v51 =	vmax.f32 v57, v58;
	v60 =	vmul.f32 v3, v16  }
0x15c: {  	v3 =	vmax.f32 v5, v6;
	v6 =	vmul.f32 $2.000000030e-01, v53;
	v58 =	vmul.f32 v51, v13;
	v13 =	vld [tilespmem:$0x1FF90]  }
0x15d: {  	v59 =	vadd.f32 v42, v33;
	v42 =	vmul.f32 $2.000000030e-01, v8  }
0x15e: {  	v5 =	vmax.f32 v53, v6  }
0x15f: {  	v6 =	vunpack.i.u.bf16.f32 v7;
	v7 =	vmax.f32 v8, v42;
	v42 =	vunpack.i.u.bf16.f32 v56;
	v56 =	vld [tilespmem:$0x1FFA0]  }
0x160: {  	v55 =	vbroadcast v61, $0x0;
	(erf) = vpow2.f32 v54;
	v61 =	vld [tilespmem:s21+$0xFFFFFFC0]  }
0x161: {  	v54 =	vmul.f32 $2.000000030e-01, v10;
	v4 =	vmul.f32 v4, v13;
	_ =	sdelay $0x1  }
0x162: {  	v0 =	vadd.f32 v4, v0;
	v4 =	vmax.f32 v10, v54  }
0x163: {  	v4 =	vmul.f32 v4, v56  }
0x164: {  	v10 =	vunpack.i.l.bf16.f32 v61  }
0x165: {  	v0 =	vadd.f32 v0, v4;
	v4 =	vunpack.i.u.bf16.f32 v61;
	v61 =	vmul.f32 v3, v13;
	v13 =	vld [tilespmem:$0x1FFC0]  }
0x166: {  	v43 =	vld [tilespmem:s21+$0xFFFFFFF0]  }
0x167: {  	v44 =	vld [tilespmem:s24+$0xFFFFFFE0];
	[tilespmem:s22+$0xFFFFFFC0] =	vst v48;
	v48 =	vmul.f32 $2.000000030e-01, v9  }
0x168: {  	v54 =	vmul.f32 v5, v56;
	v5 =	vmul.f32 v7, v14  }
0x169: {  	v11 =	vmul.f32 v41, v15;
	v57 =	vpop (erf);
	v3 =	vmax.f32 v9, v48  }
0x16a: {  	v52 =	vld [tilespmem:s24+$0xFFFFFFD0];
	[tilespmem:v55+s3+$0x0] =	vst.idx.msk $0x1, v57;
	v0 =	vadd.f32 v5, v0;
	v3 =	vmul.f32 v3, v13  }
0x16b: {  	v55 =	vld [tilespmem:s21+$0xFFFFFFD0]  }
0x16c: {  	v3 =	vadd.f32 v0, v3  }
0x16d: {  	v6 =	vadd.f32 v6, v42  }
0x16e: {  	v15 =	vld [tilespmem:$0x1FFD0];
	[tilespmem:s23+$0x40] =	vst v11;
	v11, _, _ =	vpop (xrf2);
	(xrf2) =	vadd.scan.msk.f32 $0xffff, v3;
	v3 =	vmul.f32 v57, v46  }
0x16f: {  	s22 =	smov.u32 s23;
	v2 =	vadd.f32 v2, v35;
	v56 =	vmul.f32 $2.000000030e-01, v6  }
0x170: {  	v8 =	vunpack.i.l.bf16.f32 v52;
	v7 =	vadd.f32 v62, v10;
	v48 =	vunpack.i.l.bf16.f32 v55;
	[tilespmem:s22+$0xFFFFFF90] =	vst v3;
	v3 =	vld [tilespmem:$0x1FE90]  }
0x171: {  	v6 =	vmax.f32 v6, v56;
	v56 =	vadd.f32 v8, v48;
	v8 =	vadd.f32 v63, v4  }
0x172: {  	v12 =	vmul.f32 $2.000000030e-01, v2;
	v9 =	vmul.f32 $2.000000030e-01, v7  }
0x173: {  	v1 =	vmul.f32 v1, v15;
	v46 =	vmul.f32 $2.000000030e-01, v8  }
0x174: {  	v2 =	vmax.f32 v2, v12;
	v62 =	vmul.f32 v57, v25;
	v5 =	vmax.f32 v7, v9  }
0x175: {  	v9 =	vmul.f32 $2.000000030e-01, v56;
	v63 =	vmax.f32 v8, v46;
	v46 =	vld [tilespmem:$0x1FFE0];
	v3 =	vmul.f32 v57, v3  }
0x176: {  	v14 =	vmovc v21;
	v21 =	vmovc v39;
	v39 =	vmov v48;
	v48 =	vmul.f32 v57, v28;
	v53 =	vmul.f32 v6, v13  }
0x177: {  	p1 =	slt.u32 s6, $0x4E;
	v13 =	vmovc v19;
	v19 =	vmovc v31;
	v31 =	vmov v10;
	v10 =	vmul.f32 $1.442695020e+00, v11;
	v6 =	vmax.f32 v56, v9;
	[tilespmem:s22+$0xFFFFFFB0] =	vst v3;
	v3 =	vld [tilespmem:$0x1FEA0]  }
.Ltmp1:
0x178: {  	v1 =	vadd.f32 $0.0e+00, v1;
	v12 =	vmovc v18;
	[tilespmem:s22+$0xFFFFFF80] =	vst v62;
	v5 =	vmul.f32 v5, v15;
	v62 =	vmul.f32 v6, v16;
	(pc) =	sbr.rel @p1 .LBB2_5-.Ltmp1, $4  }
0x179: {  	v51 =	vmov s20;
	v16 =	vmovc v23;
	v23 =	vmovc v49;
	v49 =	vmul.f32 v57, v36;
	v9 =	vbroadcast v10, $0xF  }
0x17a: {  	s10 =	sadd.s32 $0x100, s10;
	s0 =	smov.u32 s6;
	v18 =	vmovc v37;
	v0 =	vadd.f32 $0.0e+00, v5;
	v5 =	vmul.f32 v57, v26;
	v26 =	vmovc v47;
	v47 =	vmul.f32 v2, v46  }
0x17b: {  	s6 =	sadd.s32 $0x2, s6;
	s31 =	sadd.s32 $0x1, s20;
	s23 =	smov.u32 s10;
	v37 =	vmovc v4;
	v28 =	vmovc v50;
	v56 =	vunpack.i.l.bf16.f32 v43;
	(erf) = vpow2.f32 v9;
	v2 =	vmul.f32 v63, v46  }
0x17c: {  	s24 =	sadd.s32 $0x80, s24;
	s20 =	smov.u32 s0;
	s21 =	sadd.s32 $0x80, s21;
	v15 =	vmovc v22;
	v11 =	vmovc v17;
	[tilespmem:s22+$0xFFFFFFA0] =	vst v5;
	v63 =	vmov s31;
	v1 =	vadd.f32 v1, v47;
	v47 =	vmul.f32 v57, v3  }
0x17d: {  	_ = 	snop  }
0x17e: {  	v1 =	vadd.f32 v60, v1  }
0x17f: {  	v25 =	vld [tilespmem:$0x1FFB0]  }
0x180: {  	v1 =	vadd.f32 v1, v58  }
0x181: {  	v0 =	vadd.f32 v0, v2;
	v2 =	vmul.f32 $2.000000030e-01, v59;
	v3 =	vunpack.i.u.bf16.f32 v55  }
0x182: {  	v4 =	vunpack.i.u.bf16.f32 v52;
	v5 =	vunpack.i.l.bf16.f32 v44;
	v1 =	vadd.f32 v61, v1  }
0x183: {  	v17 =	vunpack.i.l.bf16.f32 v45;
	v7 =	vunpack.i.u.bf16.f32 v44;
	v2 =	vmax.f32 v59, v2  }
0x184: {  	v22 =	vld [tilespmem:$0x1FF80];
	v4 =	vadd.f32 v4, v3;
	v2 =	vmul.f32 v2, v25;
	v1 =	vadd.f32 v1, v54  }
0x185: {  	v8 =	vunpack.i.u.bf16.f32 v45;
	v9 =	vunpack.i.u.bf16.f32 v43;
	v5 =	vadd.f32 v5, v17  }
0x186: {  	v43 =	vld [tilespmem:$0x1FF90];
	v7 =	vadd.f32 v7, v8;
	v6 =	vmul.f32 $2.000000030e-01, v4;
	v1 =	vadd.f32 v2, v1  }
0x187: {  	v50 =	vadd.f32 v38, v9;
	v45 =	vmul.f32 $2.000000030e-01, v5  }
0x188: {  	v44 =	vld [tilespmem:$0x1FFA0];
	v10 =	vmul.f32 $2.000000030e-01, v7;
	v4 =	vmax.f32 v4, v6;
	v1 =	vadd.f32 v1, v53  }
0x189: {  	[tilespmem:s22+$0xFFFFFFE0] =	vst v47;
	v0 =	vadd.f32 v62, v0;
	v58 =	vmul.f32 v57, v14;
	v4 =	vmul.f32 v4, v22  }
0x18a: {  	v5 =	vmax.f32 v5, v45;
	v2 =	vadd.f32 v40, v56;
	v53, _, _ =	vpop (xrf2);
	(xrf2) =	vadd.scan.msk.f32 $0xffff, v1;
	v1 =	vmul.f32 $2.000000030e-01, v50  }
0x18b: {  	v60 =	vld [tilespmem:$0x1FEC0];
	[tilespmem:s22+$0xFFFFFFF0] =	vst v58;
	v46 =	vmul.f32 v5, v43;
	v0 =	vadd.f32 v0, v4  }
0x18c: {  	v7 =	vmax.f32 v7, v10;
	v52 =	vmul.f32 $2.000000030e-01, v2;
	v1 =	vmax.f32 v50, v1;
	v50 =	vld [tilespmem:$0x1FFC0];
	[tilespmem:s22+$0xFFFFFFD0] =	vst v49  }
0x18d: {  	v54 =	vmul.f32 v7, v44;
	v0 =	vadd.f32 v46, v0;
	v61 =	vld [tilespmem:$0x1FEB0]  }
0x18e: {  	v2 =	vmax.f32 v2, v52  }
0x18f: {  	v0 =	vadd.f32 v0, v54;
	v2 =	vmul.f32 v2, v25  }
0x190: {  	v5 =	vmul.f32 v41, v60  }
0x191: {  	v0 =	vadd.f32 v2, v0;
	v2 =	vmul.f32 v41, v13  }
0x192: {  	[tilespmem:s22+$0x60] =	vst v5;
	v4 =	vmul.f32 v41, v61  }
0x193: {  	[tilespmem:s22+$0x70] =	vst v2  }
0x194: {  	[tilespmem:s22+$0x50] =	vst v4  }
0x195: {  	v55 =	vmul.f32 $1.442695020e+00, v53;
	v1 =	vmul.f32 v1, v50;
	v2 =	vld [tilespmem:$0x1FED0];
	_ =	sdelay $0x1  }
0x196: {  	v59 =	vbroadcast v55, $0xF;
	_ =	sdelay $0x1  }
0x197: {  	(erf) = vpow2.f32 v59;
	v0 =	vadd.f32 v0, v1;
	v1 =	vpop (erf)  }
0x198: {  	v2 =	vmul.f32 v1, v2  }
0x199: {  	[tilespmem:v63+s3+$0x0] =	vst.idx.msk $0x1, v1  }
0x19a: {  	v4 =	vld [tilespmem:$0x1FEE0];
	[tilespmem:s23+$0x0] =	vst v2;
	v2 =	vmul.f32 v1, v16  }
0x19b: {  	(xrf2) =	vadd.scan.msk.f32 $0xffff, v0;
	v0 =	vand.u32 $0xFFFFFFFE, v51  }
0x19c: {  	v0 =	vbroadcast v0, $0x0;
	[tilespmem:s23+$0x20] =	vst v2;
	v2 =	vmul.f32 v1, v15  }
0x19d: {  	v63 =	vmul.f32 v1, v20  }
0x19e: {  	[tilespmem:s22+$0xFFFFFFC0] =	vst v48  }
0x19f: {  	v62, _, _ =	vpop (xrf2);
	[tilespmem:s23+$0x30] =	vst v63;
	v4 =	vmul.f32 v1, v4  }
0x1a0: {  	[tilespmem:s23+$0x40] =	vst v2;
	v2 =	vpop (erf)  }
0x1a1: {  	v5 =	vmul.f32 $1.442695020e+00, v62;
	[tilespmem:s23+$0x10] =	vst v4;
	v36 =	vmul.f32 v2, v19  }
0x1a2: {  	[tilespmem:v0+s3+$0x0] =	vst.idx.msk $0x1, v2;
	v0 =	vmul.f32 v2, v18  }
0x1a3: {  	v10 =	vbroadcast v5, $0xF;
	v38 =	vmul.f32 v2, v21;
	[tilespmem:s23+$0xFFFFFF80] =	vst v36  }
0x1a4: {  	[tilespmem:s23+$0xFFFFFF90] =	vst v0;
	v0 =	vmul.f32 v2, v26  }
0x1a5: {  	(erf) = vpow2.f32 v10;
	v41 =	vmul.f32 v2, v24;
	[tilespmem:s23+$0xFFFFFFA0] =	vst v38  }
0x1a6: {  	[tilespmem:s23+$0xFFFFFFB0] =	vst v0;
	v0 =	vmul.f32 v2, v29  }
0x1a7: {  	[tilespmem:s23+$0xFFFFFFE0] =	vst v41  }
0x1a8: {  	[tilespmem:s23+$0xFFFFFFF0] =	vst v0  }
0x1a9: {  	s0 =	sadd.s32 $0x1, s20;
	v0 =	vld [tilespmem:$0x1FEF0]  }
0x1aa: {  	v48 =	vmov s0  }
0x1ab: {  	v46 =	vmul.f32 v2, v28  }
0x1ac: {  	v49 =	vmul.f32 v1, v12  }
0x1ad: {  	[tilespmem:s23+$0xFFFFFFD0] =	vst v46  }
0x1ae: {  	v51 =	vpop (erf);
	[tilespmem:s23+$0x60] =	vst v49;
	v0 =	vmul.f32 v1, v0;
	v1 =	vmul.f32 v1, v11  }
0x1af: {  	v52 =	vmul.f32 v51, v35;
	[tilespmem:v48+s3+$0x0] =	vst.idx.msk $0x1, v51  }
0x1b0: {  	s24 =	sadd.s32 $0x100, s10;
	v40, _, _ =	vpop (xrf2);
	[tilespmem:s23+$0x50] =	vst v1;
	v1 =	vmul.f32 v51, v34  }
0x1b1: {  	v5 =	vmul.f32 $1.442695020e+00, v40;
	[tilespmem:s24+$0x10] =	vst v52  }
0x1b2: {  	[tilespmem:s24+$0x0] =	vst v1;
	v1 =	vmul.f32 v51, v27  }
0x1b3: {  	v47 =	vbroadcast v5, $0xF;
	[tilespmem:s23+$0x70] =	vst v0  }
0x1b4: {  	[tilespmem:s24+$0x20] =	vst v1  }
0x1b5: {  	(erf) = vpow2.f32 v47;
	v1 =	vld [tilespmem:$0x1FF00];
	_ =	sdelay $0x2  }
0x1b6: {  	v0 =	vmov s20  }
0x1b7: {  	v0 =	vand.u32 $0xFFFFFFFE, v0  }
0x1b8: {  	v0 =	vbroadcast v0, $0x0;
	v1 =	vmul.f32 v51, v1  }
0x1b9: {  	v53 =	vmul.f32 v51, v30;
	_ =	sdelay $0x1  }
0x1ba: {  	v2 =	vmul.f32 v2, v23;
	[tilespmem:s24+$0x30] =	vst v53  }
0x1bb: {  	[tilespmem:s24+$0x40] =	vst v1;
	v1 =	vpop (erf)  }
0x1bc: {  	[tilespmem:s23+$0xFFFFFFC0] =	vst v2;
	v2 =	vmul.f32 v1, v31  }
0x1bd: {  	[tilespmem:v0+s3+$0x0] =	vst.idx.msk $0x1, v1;
	v0 =	vmul.f32 v1, v37  }
0x1be: {  	[tilespmem:s24+$0xFFFFFF80] =	vst v2;
	v2 =	vmul.f32 v1, v39  }
0x1bf: {  	[tilespmem:s24+$0xFFFFFF90] =	vst v0;
	v0 =	vmul.f32 v1, v3  }
0x1c0: {  	v3 =	vmul.f32 v1, v8;
	[tilespmem:s24+$0xFFFFFFA0] =	vst v2  }
0x1c1: {  	v2 =	vmul.f32 v1, v56;
	[tilespmem:s24+$0xFFFFFFB0] =	vst v0  }
0x1c2: {  	v0 =	vmul.f32 v1, v9;
	[tilespmem:s24+$0xFFFFFFD0] =	vst v3  }
0x1c3: {  	v3 =	vmul.f32 v51, v32;
	[tilespmem:s24+$0xFFFFFFE0] =	vst v2  }
0x1c4: {  	v1 =	vmul.f32 v1, v17;
	[tilespmem:s24+$0xFFFFFFF0] =	vst v0  }
0x1c5: {  	v2 =	vmul.f32 v51, v33;
	[tilespmem:s24+$0x50] =	vst v3  }
0x1c6: {  	v0 =	vmul.f32 v51, v42;
	[tilespmem:s24+$0xFFFFFFC0] =	vst v1  }
0x1c7: {  	[tilespmem:s24+$0x60] =	vst v2  }
0x1c8: {  	s31 =	simm.s32 $0x19460;
	[tilespmem:s24+$0x70] =	vst v0  }
0x1c9: {  	[spmem:s4] =	stream.indirect.scatter.add.f32 [tilespmem:s31], [sflag:$0x5], $0x80, s12, s11, $0xb8;
	[tilespmem:$0x1E800] =	vst v63  }
0x1ca: {  	_ = 	snop  }
0x1cb: {  	[spmem:s5] =	stream.indirect.scatter.add.f32 [tilespmem:s3], [sflag:$0x7], $0x1, s12, s11, $0xb8;
	[tilespmem:$0x1E800] =	vst v63  }
0x1cc: {  	_ =	swait.ge [sflag:s13], $0x1400  }
0x1cd: {  	[sflag:s13] =	ssyncset.done $0x0  }
0x1ce: {  	[sflag:s13] =	ssyncadd.s32 $0xFFFFEC00  }
0x1cf: {  	_ =	swait.ge [sflag:s13], $0x1400  }
0x1d0: {  	[sflag:s13] =	ssyncset.done $0x0  }
0x1d1: {  	[sflag:s13] =	ssyncadd.s32 $0xFFFFEC00  }
0x1d2: {  	v0 =	vld [tilespmem:$0x14370]  }
0x1d3: {  	v1 =	vld [tilespmem:$0x14380]  }
0x1d4: {  	v2 =	vld [tilespmem:$0x14390]  }
0x1d5: {  	v3 =	vld [tilespmem:$0x143A0]  }
0x1d6: {  	v54 =	vld [tilespmem:$0x143B0]  }
0x1d7: {  	[tilespmem:$0x14410] =	vst v0  }
0x1d8: {  	[tilespmem:$0x14420] =	vst v1  }
0x1d9: {  	[tilespmem:$0x14430] =	vst v2  }
0x1da: {  	[tilespmem:$0x14440] =	vst v3  }
0x1db: {  	[tilespmem:$0x14450] =	vst v54  }
0x1dc: {  	_ =	swait.ge [sflag:s14], $0x2800  }
0x1dd: {  	[sflag:s14] =	ssyncset.done $0x0  }
0x1de: {  	[sflag:s14] =	ssyncadd.s32 $0xFFFFD800  }
0x1df: {  	_ =	swait.ge [sflag:s16], $0x50  }
0x1e0: {  	[sflag:s16] =	ssyncset.done $0x0  }
0x1e1: {  	s0 =	simm.s32 @!p0 $0x1;
	[sflag:s16] =	ssyncadd.s32 $0xFFFFFFB0  }
0x1e2: {  	_ =	swait.ge @!p0 [sflag:s0], $0x50  }
0x1e3: {  	[sflag:s0] =	ssyncset.done @!p0 $0x0  }
0x1e4: {  	[sflag:s0] =	ssyncadd.s32 @!p0 $0xFFFFFFB0  }
0x1e5: {  	_ =	swait.ge @!p0 [sflag:s0], $0x50  }
0x1e6: {  	s6 =	simm.s32 @!p0 $0x14280;
	[sflag:s0] =	ssyncset.done @!p0 $0x0  }
0x1e7: {  	s10 =	simm.s32 @!p0 $0x14460;
	[sflag:s0] =	ssyncadd.s32 @!p0 $0xFFFFFFB0;
	s0 =	simm.s32 @!p0 $0x50  }
0x1e8: {  	[tilespmem:s10], [sflag:$0x3] =	stream.indirect.gather @!p0 [hbm4b:s1+s0], $0x40, s6, s0, $0xb8;
	[tilespmem:$0x1E800] =	vst v63  }
0x1e9: {  	s6 =	sadd.s32 $0x3, s28  }
0x1ea: {  	p1 =	sge.u32 s6, s19  }
0x1eb: {  	s20 =	simm.s32 @!p0 $0x16C60;
	s10 =	simm.s32 @!p0 $0x14320;
	s6 =	smul.u32 @!p1 $0x50, s6  }
0x1ec: {  	[tilespmem:s20], [sflag:$0x3] =	stream.indirect.gather @!p0 [hbm4b:s7+s0], $0x40, s10, s0, $0xb8;
	[tilespmem:$0x1E800] =	vst v63  }
0x1ed: {  	s0 =	sadd.s32 @!p1 s15, s6  }
0x1ee: {  	s0 =	sshrl.u32 @!p1 s0, $0x3  }
0x1ef: {  	s10 =	simm.s32 @!p1 $0x0;
	s20 =	simm.s32 @!p1 $0x142D0;
	s6 =	sadd.s32 @!p1 s8, s0  }
0x1f0: {  	[tilespmem:s20], [sflag:$0x2] =	stream.linear.gather @!p1 [hbm4b:s6+s10], $0x50, $0x38;
	[tilespmem:$0x1E800] =	vst v63  }
0x1f1: {  	s0 =	sadd.s32 @!p1 s9, s0;
	s6 =	simm.s32 @!p1 $0x14370  }
0x1f2: {  	[tilespmem:s6], [sflag:$0x2] =	stream.linear.gather @!p1 [hbm4b:s0+s10], $0x50, $0x38;
	[tilespmem:$0x1E800] =	vst v63  }
0x1f3: {  	s0 =	simm.s32 $0x180A0  }
0x1f4: {  	v0 =	vld [tilespmem:s0+$0xFFFFFFC0]  }
0x1f5: {  	v1 =	vld [tilespmem:s0+$0xFFFFFFF0]  }
0x1f6: {  	v2 =	vld [tilespmem:s0+$0x0]  }
0x1f7: {  	s10 =	simm.s32 $0x158A0;
	v3 =	vld [tilespmem:s0+$0x20]  }
0x1f8: {  	v55 =	vld [tilespmem:s10+$0x0]  }
0x1f9: {  	v56 =	vld [tilespmem:s10+$0x10]  }
0x1fa: {  	v57 =	vld [tilespmem:s10+$0x20]  }
0x1fb: {  	v58 =	vld [tilespmem:s10+$0x30]  }
0x1fc: {  	v60 =	vld [tilespmem:s0+$0x10]  }
0x1fd: {  	v14 =	vld [tilespmem:s0+$0x30];
	v59 =	vunpack.i.l.bf16.f32 v0;
	v19 =	vunpack.i.u.bf16.f32 v1;
	v1 =	vunpack.i.l.bf16.f32 v1  }
0x1fe: {  	v37 =	vld [tilespmem:s10+$0xFFFFFFC0];
	v61 =	vunpack.i.l.bf16.f32 v2;
	v28 =	vunpack.i.l.bf16.f32 v55;
	v0 =	vunpack.i.u.bf16.f32 v0  }
0x1ff: {  	v30 =	vunpack.i.l.bf16.f32 v56;
	v13 =	vunpack.i.u.bf16.f32 v3;
	v3 =	vunpack.i.l.bf16.f32 v3  }
0x200: {  	v62 =	vunpack.i.u.bf16.f32 v57;
	v35 =	vunpack.i.l.bf16.f32 v57;
	v18 =	vunpack.i.l.bf16.f32 v58  }
0x201: {  	v34 =	vunpack.i.u.bf16.f32 v56;
	v10 =	vunpack.i.l.bf16.f32 v60;
	v32 =	vunpack.i.u.bf16.f32 v55  }
0x202: {  	v2 =	vunpack.i.u.bf16.f32 v2;
	v11 =	vunpack.i.u.bf16.f32 v60;
	v12 =	vadd.f32 v61, v28  }
0x203: {  	v15 =	vunpack.i.l.bf16.f32 v14;
	v21 =	vunpack.i.l.bf16.f32 v37;
	v3 =	vadd.f32 v3, v35  }
0x204: {  	v5 =	vadd.f32 v10, v30;
	v2 =	vadd.f32 v2, v32;
	v63 =	vmul.f32 $2.000000030e-01, v12  }
0x205: {  	v47 =	vld [tilespmem:$0x1FFD0];
	v14 =	vunpack.i.u.bf16.f32 v14;
	v11 =	vadd.f32 v11, v34;
	v8 =	vadd.f32 v59, v21  }
0x206: {  	v49 =	vld [tilespmem:$0x1FFE0];
	[tilespmem:$0x1FDE0] =	vst v62;
	v13 =	vadd.f32 v13, v62;
	v36 =	vmax.f32 v12, v63;
	v12 =	vmul.f32 $2.000000030e-01, v5  }
0x207: {  	v15 =	vadd.f32 v15, v18;
	v17 =	vld [tilespmem:s0+$0xFFFFFFD0];
	[tilespmem:$0x1FDF0] =	vst v18;
	v16 =	vmul.f32 $2.000000030e-01, v3;
	v38 =	vmul.f32 $2.000000030e-01, v8  }
0x208: {  	v18 =	vmul.f32 $2.000000030e-01, v2;
	v20 =	vld [tilespmem:s10+$0xFFFFFFD0];
	v5 =	vmax.f32 v5, v12;
	v12 =	vmul.f32 $2.000000030e-01, v11  }
0x209: {  	v3 =	vmax.f32 v3, v16;
	v16 =	vunpack.i.u.bf16.f32 v37;
	v6 =	vmax.f32 v8, v38  }
0x20a: {  	v9 =	vld [tilespmem:$0x1FFF0];
	v2 =	vmax.f32 v2, v18;
	v11 =	vmax.f32 v11, v12;
	v12 =	vmul.f32 $2.000000030e-01, v13  }
0x20b: {  	[tilespmem:$0x1FE60] =	vst v21;
	v4 =	vmul.f32 v36, v47;
	v0 =	vadd.f32 v0, v16;
	v6 =	vmul.f32 v6, v47  }
0x20c: {  	[tilespmem:$0x1FE70] =	vst v16;
	v2 =	vmul.f32 v2, v49;
	v12 =	vmax.f32 v13, v12;
	v13 =	vunpack.i.u.bf16.f32 v58  }
0x20d: {  	v4 =	vadd.f32 $0.0e+00, v4;
	[tilespmem:$0x1FE00] =	vst v13;
	v14 =	vadd.f32 v14, v13;
	v13 =	vunpack.i.l.bf16.f32 v20  }
0x20e: {  	v3 =	vmul.f32 v3, v43;
	v39 =	vunpack.i.l.bf16.f32 v17;
	v40 =	vmul.f32 $2.000000030e-01, v0;
	[tilespmem:$0x1FE80] =	vst v13  }
0x20f: {  	v52 =	vunpack.i.u.bf16.f32 v17;
	v5 =	vmul.f32 v5, v9;
	v2 =	vadd.f32 v4, v2;
	v41 =	vld [tilespmem:s10+$0xFFFFFFF0]  }
0x210: {  	s20 =	simm.s32 $0x18120;
	v6 =	vadd.f32 $0.0e+00, v6;
	v11 =	vmul.f32 v11, v22;
	v0 =	vmax.f32 v0, v40;
	v21 =	vld [tilespmem:s0+$0xFFFFFFE0]  }
0x211: {  	v0 =	vmul.f32 v0, v49;
	v2 =	vadd.f32 v5, v2;
	v7 =	vadd.f32 v39, v13;
	v46 =	vld [tilespmem:s20+$0xFFFFFFF0]  }
0x212: {  	v48 =	vunpack.i.u.bf16.f32 v20;
	v12 =	vmul.f32 v12, v44;
	v18 =	vmul.f32 $2.000000030e-01, v14;
	v17 =	vld [tilespmem:s10+$0xFFFFFFE0]  }
0x213: {  	s21 =	simm.s32 $0x15920;
	v0 =	vadd.f32 v6, v0;
	v53 =	vld [tilespmem:s20+$0x0];
	v2 =	vadd.f32 v2, v11;
	v16 =	vmul.f32 $2.000000030e-01, v7  }
0x214: {  	v6 =	vadd.f32 v52, v48;
	v55 =	vld [tilespmem:s21+$0x10];
	v42 =	vmax.f32 v14, v18;
	v14 =	vmul.f32 $2.000000030e-01, v15  }
0x215: {  	v26 =	vld [tilespmem:s20+$0x10];
	v2 =	vadd.f32 v3, v2;
	v7 =	vmax.f32 v7, v16;
	v4 =	vmul.f32 v42, v50  }
0x216: {  	v7 =	vmul.f32 v7, v9;
	v54 =	vmax.f32 v15, v14;
	v15 =	vmul.f32 $2.000000030e-01, v6  }
0x217: {  	v20 =	vld [tilespmem:s21+$0x20];
	v2 =	vadd.f32 v2, v12;
	v13 =	vunpack.i.l.bf16.f32 v41;
	v14 =	vunpack.i.u.bf16.f32 v41  }
0x218: {  	v18 =	vld [tilespmem:s20+$0x20];
	v11 =	vmul.f32 v54, v25;
	v3 =	vunpack.i.u.bf16.f32 v21;
	v36 =	vunpack.i.u.bf16.f32 v46  }
0x219: {  	v23 =	vld [tilespmem:s21+$0x30];
	v12 =	vunpack.i.l.bf16.f32 v17;
	v37 =	vunpack.i.l.bf16.f32 v46;
	v58 =	vunpack.i.l.bf16.f32 v55  }
0x21a: {  	v45 =	vmovc v25;
	v16 =	vld [tilespmem:s20+$0xFFFFFFC0];
	v25 =	vunpack.i.l.bf16.f32 v53;
	v61 =	vunpack.i.u.bf16.f32 v26;
	v0 =	vadd.f32 v7, v0  }
0x21b: {  	v10 =	vmovc v22;
	v6 =	vmax.f32 v6, v15;
	v15 =	vunpack.i.l.bf16.f32 v21;
	v1 =	vadd.f32 v1, v13  }
0x21c: {  	v7 =	vunpack.i.u.bf16.f32 v53;
	v56 =	vmul.f32 v6, v10;
	v57 =	vadd.f32 v15, v12  }
0x21d: {  	v2 =	vadd.f32 v11, v2;
	v11 =	vunpack.i.u.bf16.f32 v17;
	v60 =	vunpack.i.u.bf16.f32 v18  }
0x21e: {  	v21 =	vld [tilespmem:s21+$0x0];
	v18 =	vunpack.i.l.bf16.f32 v18;
	v17 =	vunpack.i.l.bf16.f32 v20;
	v15 =	vunpack.i.l.bf16.f32 v23  }
0x21f: {  	v22 =	vunpack.i.l.bf16.f32 v16;
	v24 =	vunpack.i.u.bf16.f32 v16;
	v29 =	vadd.f32 v18, v17  }
0x220: {  	v16 =	vmovc v14;
	v14 =	vunpack.i.u.bf16.f32 v20;
	v3 =	vadd.f32 v3, v11;
	v0 =	vadd.f32 v0, v56  }
0x221: {  	v20 =	vunpack.i.u.bf16.f32 v55;
	v2 =	vadd.f32 v2, v4;
	v31 =	vadd.f32 v19, v16  }
0x222: {  	s22 =	simm.s32 $0x0;
	v59 =	vmul.f32 $2.000000030e-01, v57;
	v8 =	vadd.f32 v61, v20;
	v4 =	vadd.f32 v60, v14  }
0x223: {  	v56 =	vmov s22;
	v62 =	vmul.f32 $2.000000030e-01, v3;
	v27 =	vunpack.i.l.bf16.f32 v21  }
0x224: {  	v5 =	vmax.f32 v57, v59;
	v51 =	vmul.f32 $2.000000030e-01, v8;
	(xrf2) =	vadd.scan.msk.f32 $0xffff, v2;
	v25 =	vadd.f32 v25, v27  }
0x225: {  	[tilespmem:$0x1FE10] =	vst v27;
	v2 =	vmul.f32 v5, v43;
	v3 =	vmax.f32 v3, v62;
	v5 =	vand.u32 $0xFFFFFFFE, v56  }
0x226: {  	v27 =	vld [tilespmem:s20+$0x30];
	[tilespmem:$0x1FE20] =	vst v17;
	v17 =	vunpack.i.u.bf16.f32 v21;
	v21 =	vunpack.i.l.bf16.f32 v26;
	v8 =	vmax.f32 v8, v51  }
0x227: {  	[tilespmem:$0x1FE40] =	vst v58;
	v3 =	vmul.f32 v3, v44;
	v19 =	vmul.f32 $2.000000030e-01, v25;
	v21 =	vadd.f32 v21, v58  }
0x228: {  	[tilespmem:$0x1FE30] =	vst v17;
	v7 =	vadd.f32 v7, v17;
	v8 =	vmul.f32 v8, v10;
	v0 =	vadd.f32 v2, v0  }
0x229: {  	v52 =	vld [tilespmem:s21+$0xFFFFFFC0];
	v19 =	vmax.f32 v25, v19;
	v25 =	vmul.f32 $2.000000030e-01, v31;
	v63 =	vmul.f32 $2.000000030e-01, v21  }
0x22a: {  	v17 =	vunpack.i.u.bf16.f32 v23;
	v2 =	vld [tilespmem:s21+$0xFFFFFFD0];
	v53 =	vmul.f32 $2.000000030e-01, v7;
	v19 =	vmul.f32 v19, v47  }
0x22b: {  	s23 =	simm.s32 $0x181A0;
	v54 =	vld [tilespmem:s20+$0xFFFFFFD0];
	[tilespmem:$0x1FE50] =	vst v17;
	v0 =	vadd.f32 v0, v3;
	v26 =	vunpack.i.l.bf16.f32 v27;
	v21 =	vmax.f32 v21, v63  }
0x22c: {  	v62 =	vld [tilespmem:s23+$0xFFFFFFF0];
	v23 =	vmax.f32 v31, v25;
	v46 =	vadd.f32 $0.0e+00, v19;
	v19 =	vmul.f32 $2.000000030e-01, v29  }
0x22d: {  	v7 =	vmax.f32 v7, v53;
	v55 =	vmul.f32 v21, v9;
	v21 =	vmul.f32 $2.000000030e-01, v4  }
0x22e: {  	v26 =	vadd.f32 v26, v15;
	v25 =	vmul.f32 v23, v50;
	v7 =	vmul.f32 v7, v49  }
0x22f: {  	v23 =	vunpack.i.l.bf16.f32 v2;
	v29 =	vmax.f32 v29, v19;
	v19 =	vmul.f32 $2.000000030e-01, v1  }
0x230: {  	v4 =	vmax.f32 v4, v21;
	v21 =	vunpack.i.u.bf16.f32 v27;
	v27 =	vunpack.i.l.bf16.f32 v54  }
0x231: {  	v6 =	vadd.f32 v46, v7;
	v46 =	vbroadcast v5, $0x0;
	v38 =	vunpack.i.u.bf16.f32 v62  }
0x232: {  	v57 =	vadd.f32 v21, v17;
	v21 =	vunpack.i.l.bf16.f32 v52;
	v1 =	vmax.f32 v1, v19  }
0x233: {  	v4 =	vmul.f32 v4, v44;
	v3 =	vadd.f32 v22, v21;
	v1 =	vmul.f32 v1, v45  }
0x234: {  	v31 =	vmul.f32 v29, v43;
	v27 =	vadd.f32 v27, v23;
	v22 =	vunpack.i.u.bf16.f32 v52  }
0x235: {  	v24 =	vadd.f32 v24, v22;
	v0 =	vadd.f32 v1, v0;
	v1 =	vmul.f32 $2.000000030e-01, v3  }
0x236: {  	v40 =	vunpack.i.l.bf16.f32 v62;
	v29 =	vld [tilespmem:s21+$0xFFFFFFF0];
	v58 =	vmul.f32 $2.000000030e-01, v57;
	v60 =	vmul.f32 $2.000000030e-01, v27  }
0x237: {  	s24 =	simm.s32 $0x1;
	v59, _, _ =	vpop (xrf2);
	v0 =	vadd.f32 v0, v25;
	v1 =	vmax.f32 v3, v1;
	v3 =	vmul.f32 $2.000000030e-01, v24  }
0x238: {  	v19 =	vmovc v45;
	v45 =	vmov s24;
	v25 =	vmax.f32 v57, v58;
	v1 =	vmul.f32 v1, v47  }
0x239: {  	v33 =	vmul.f32 v25, v50;
	v25 =	vld [tilespmem:s20+$0xFFFFFFE0];
	(xrf2) =	vadd.scan.msk.f32 $0xffff, v0;
	v0 =	vmul.f32 $1.442695020e+00, v59;
	v3 =	vmax.f32 v24, v3  }
0x23a: {  	v24 =	vmax.f32 v27, v60;
	v1 =	vadd.f32 $0.0e+00, v1;
	v3 =	vmul.f32 v3, v49  }
0x23b: {  	v63 =	vld [tilespmem:s21+$0xFFFFFFE0];
	v61 =	vmul.f32 v24, v9;
	v24 =	vunpack.i.l.bf16.f32 v29;
	v0 =	vbroadcast v0, $0xF  }
0x23c: {  	s21 =	simm.s32 $0x159A0;
	v27 =	vld [tilespmem:s23+$0xFFFFFFC0];
	v29 =	vunpack.i.u.bf16.f32 v29;
	v1 =	vadd.f32 v1, v3;
	v3 =	vmul.f32 $2.000000030e-01, v26  }
0x23d: {  	v42 =	vld [tilespmem:s21+$0x10];
	v37 =	vadd.f32 v37, v24;
	(erf) = vpow2.f32 v0;
	v0 =	vadd.f32 v55, v6  }
0x23e: {  	v17 =	vmovc v43;
	v60 =	vld [tilespmem:s23+$0x20];
	v43 =	vunpack.i.u.bf16.f32 v25;
	v1 =	vadd.f32 v61, v1;
	v3 =	vmax.f32 v26, v3  }
0x23f: {  	v26 =	vunpack.i.u.bf16.f32 v2;
	v2 =	vunpack.i.u.bf16.f32 v54;
	v61 =	vunpack.i.l.bf16.f32 v25  }
0x240: {  	v25 =	vunpack.i.l.bf16.f32 v63;
	v0 =	vadd.f32 v0, v8;
	v2 =	vadd.f32 v2, v26  }
0x241: {  	v18 =	vmovc v44;
	v44 =	vunpack.i.l.bf16.f32 v27;
	v56 =	vunpack.i.u.bf16.f32 v27;
	v52 =	vadd.f32 v61, v25  }
0x242: {  	v58 =	vld [tilespmem:s23+$0x10];
	v27 =	vunpack.i.l.bf16.f32 v42;
	v0 =	vadd.f32 v31, v0;
	v59 =	vmul.f32 $2.000000030e-01, v2  }
0x243: {  	v51 =	vld [tilespmem:s21+$0x30];
	v55 =	vunpack.i.u.bf16.f32 v60;
	v3 =	vmul.f32 v3, v19;
	v7 =	vmul.f32 $2.000000030e-01, v52;
	v31, _, _ =	vpop (xrf2)  }
0x244: {  	v62 =	vld [tilespmem:s21+$0x20];
	v2 =	vmax.f32 v2, v59;
	v0 =	vadd.f32 v0, v4;
	v31 =	vmul.f32 $1.442695020e+00, v31  }
0x245: {  	v54 =	vld [tilespmem:s23+$0x0];
	v39 =	vunpack.i.l.bf16.f32 v60;
	v7 =	vmax.f32 v52, v7;
	v2 =	vmul.f32 v2, v10  }
0x246: {  	v7 =	vmul.f32 v7, v17;
	v0 =	vadd.f32 v3, v0;
	v53 =	vbroadcast v31, $0xF  }
0x247: {  	v3 =	vld [tilespmem:s21+$0x0];
	v41 =	vpop (erf);
	v5 =	vadd.f32 v1, v2;
	v31 =	vunpack.i.u.bf16.f32 v63;
	v63 =	vunpack.i.l.bf16.f32 v58  }
0x248: {  	v58 =	vunpack.i.u.bf16.f32 v58;
	v8 =	vmul.f32 v41, v28;
	v2 =	vadd.f32 v0, v33  }
0x249: {  	v57 =	vmul.f32 v41, v32;
	v32 =	vunpack.i.u.bf16.f32 v62;
	v28 =	vunpack.i.l.bf16.f32 v62  }
0x24a: {  	v6 =	vmul.f32 v41, v30;
	v30 =	vunpack.i.l.bf16.f32 v54;
	v33 =	vunpack.i.l.bf16.f32 v51  }
0x24b: {  	v59 =	vmul.f32 v41, v34;
	v62 =	vmul.f32 v41, v35;
	v54 =	vunpack.i.u.bf16.f32 v54  }
0x24c: {  	v61 =	vld [tilespmem:s23+$0x30];
	v43 =	vadd.f32 v43, v31;
	v39 =	vadd.f32 v39, v28;
	v34 =	vunpack.i.l.bf16.f32 v3  }
0x24d: {  	v35 =	vunpack.i.u.bf16.f32 v3;
	v3 =	vadd.f32 v36, v29;
	v36 =	vadd.f32 v63, v27  }
0x24e: {  	(erf) = vpow2.f32 v53;
	(xrf2) =	vadd.scan.msk.f32 $0xffff, v2;
	v2 =	vadd.f32 v7, v5;
	v60 =	vadd.f32 v30, v34  }
0x24f: {  	v63 =	vmul.f32 $2.000000030e-01, v43;
	v30 =	vunpack.i.u.bf16.f32 v42;
	v42 =	vmul.f32 $2.000000030e-01, v36  }
0x250: {  	v54 =	vadd.f32 v54, v35;
	v58 =	vadd.f32 v58, v30;
	v4 =	vmul.f32 $2.000000030e-01, v60  }
0x251: {  	v43 =	vmax.f32 v43, v63;
	v63 =	vunpack.i.u.bf16.f32 v61;
	v1 =	vmax.f32 v36, v42  }
0x252: {  	v0 =	vld [tilespmem:s21+$0xFFFFFFC0];
	v36 =	vadd.f32 v55, v32;
	v53 =	vmax.f32 v60, v4;
	v4 =	vmul.f32 $2.000000030e-01, v39  }
0x253: {  	s22 =	simm.s32 $0x1BCE0;
	[tilespmem:v45+s17+$0x0] =	vst.idx.msk $0x1, v41;
	v42 =	vunpack.i.u.bf16.f32 v51;
	v51 =	vmul.f32 v43, v18;
	v60 =	vmul.f32 $2.000000030e-01, v58  }
0x254: {  	v52 =	vld [tilespmem:s23+$0xFFFFFFD0];
	[tilespmem:s22+$0x0] =	vst v8;
	v5 =	vadd.f32 v63, v42;
	v4 =	vmax.f32 v39, v4;
	v39 =	vmul.f32 $2.000000030e-01, v36  }
0x255: {  	[tilespmem:s22+$0x10] =	vst v57;
	v55 =	vld [tilespmem:s21+$0xFFFFFFD0];
	v2 =	vadd.f32 v2, v51;
	v58 =	vmax.f32 v58, v60;
	v60 =	vmul.f32 $2.000000030e-01, v37  }
0x256: {  	[tilespmem:s22+$0x20] =	vst v6;
	v51 =	vmul.f32 v53, v47;
	v63 =	vmul.f32 $2.000000030e-01, v5;
	v43 =	vmax.f32 v36, v39  }
0x257: {  	[tilespmem:s22+$0x30] =	vst v59;
	v57 =	vpop (erf);
	v39 =	vmul.f32 $2.000000030e-01, v3;
	v37 =	vmax.f32 v37, v60;
	v36 =	vunpack.i.l.bf16.f32 v0  }
0x258: {  	v53 =	vmul.f32 $2.000000030e-01, v54;
	[tilespmem:v46+s17+$0x0] =	vst.idx.msk $0x1, v57;
	v37 =	vmul.f32 v37, v19;
	v44 =	vadd.f32 v44, v36  }
0x259: {  	v60 =	vunpack.i.l.bf16.f32 v52;
	v5 =	vmax.f32 v5, v63;
	v59 =	vld [tilespmem:$0x1FE60];
	v3 =	vmax.f32 v3, v39  }
0x25a: {  	v39 =	vunpack.i.l.bf16.f32 v55;
	v63 =	vmul.f32 $2.000000030e-01, v44;
	v2 =	vadd.f32 v37, v2  }
0x25b: {  	v37 =	vunpack.i.u.bf16.f32 v0;
	v0 =	vmul.f32 v3, v50;
	v3 =	vadd.f32 v60, v39  }
0x25c: {  	v60 =	vmul.f32 v1, v9;
	v1 =	vmax.f32 v54, v53;
	v45 =	vadd.f32 v56, v37  }
0x25d: {  	v53 =	vmul.f32 v5, v50;
	v0 =	vadd.f32 v2, v0;
	v2 =	vmul.f32 $2.000000030e-01, v3  }
0x25e: {  	v7 =	vmax.f32 v44, v63;
	v5 =	vmul.f32 v57, v59;
	v63 =	vmul.f32 $2.000000030e-01, v45  }
0x25f: {  	[tilespmem:s22+$0x40] =	vst v62;
	v2 =	vmax.f32 v3, v2;
	v3, _, _ =	vpop (xrf2)  }
0x260: {  	v6 =	vmax.f32 v45, v63;
	v3 =	vmul.f32 $1.442695020e+00, v3;
	v63 =	vld [tilespmem:$0x1FE70];
	[tilespmem:s22+$0xFFFFFF80] =	vst v5  }
0x261: {  	v8 =	vunpack.i.l.bf16.f32 v61;
	v58 =	vmul.f32 v58, v10;
	v61 =	vmul.f32 v4, v17;
	v5 =	vld [tilespmem:$0x1FE80]  }
0x262: {  	s28 =	simm.s32 $0x2;
	v4 =	vadd.f32 $0.0e+00, v51;
	v54 =	vmul.f32 v43, v18;
	v43 =	vld [tilespmem:s21+$0xFFFFFFF0];
	v3 =	vbroadcast v3, $0xF  }
0x263: {  	v51 =	vmov s28;
	v1 =	vmul.f32 v1, v49;
	v7 =	vmul.f32 v7, v47  }
0x264: {  	v59 =	vadd.f32 v8, v33;
	(erf) = vpow2.f32 v3;
	v3 =	vmul.f32 v57, v48  }
0x265: {  	v1 =	vadd.f32 v4, v1;
	v47 =	vmul.f32 v57, v13;
	v8 =	vmul.f32 v57, v63  }
0x266: {  	s31 =	simm.s32 $0x3;
	(xrf2) =	vadd.scan.msk.f32 $0xffff, v0;
	v0 =	vadd.f32 $0.0e+00, v7;
	v5 =	vmul.f32 v57, v5;
	[tilespmem:s22+$0xFFFFFFB0] =	vst v3  }
0x267: {  	s6 =	simm.s32 $0x6;
	s10 =	simm.s32 $0x1BDE0;
	s24 =	simm.s32 $0x18220;
	v44 =	vld [tilespmem:s23+$0xFFFFFFE0];
	v62 =	vmul.f32 v2, v9;
	v56 =	vunpack.i.l.bf16.f32 v43;
	v2 =	vmul.f32 v6, v49;
	[tilespmem:s22+$0xFFFFFF90] =	vst v8  }
0x268: {  	s20 =	simm.s32 $0x4;
	s23 =	simm.s32 $0x1BDE0;
	v45 =	vld [tilespmem:s21+$0xFFFFFFE0];
	s21 =	simm.s32 $0x15A20;
	v49 =	vmul.f32 v57, v11;
	v48 =	vmul.f32 v57, v12;
	v63 =	vmov s31;
	[tilespmem:s22+$0xFFFFFFA0] =	vst v5  }
.LBB2_7:
0x269: {  	v3 =	vld [tilespmem:s24+$0xFFFFFFC0]  }
0x26a: {  	v46 =	vmov v24;
	v24 =	vmov v56;
	v56 =	vld [tilespmem:s21+$0x30]  }
0x26b: {  	v5 =	vld [tilespmem:$0x1FDE0]  }
0x26c: {  	v6 =	vld [tilespmem:$0x1FDF0]  }
0x26d: {  	v4 =	vmul.f32 v57, v16;
	v57 =	vld [tilespmem:$0x1FE00]  }
0x26e: {  	v8 =	vld [tilespmem:s24+$0x0]  }
0x26f: {  	v9 =	vmovc v14;
	v14 =	vld [tilespmem:$0x1FFB0];
	v0 =	vadd.f32 v0, v2;
	v2 =	vmul.f32 $2.000000030e-01, v59;
	v1 =	vadd.f32 v60, v1;
	[tilespmem:s22+$0xFFFFFFE0] =	vst v47  }
0x270: {  	v10 =	vunpack.i.u.bf16.f32 v52;
	v47 =	vunpack.i.u.bf16.f32 v55;
	v7 =	vld [tilespmem:s24+$0xFFFFFFF0];
	[tilespmem:s22+$0xFFFFFFF0] =	vst v4  }
0x271: {  	[tilespmem:s22+$0xFFFFFFD0] =	vst v49;
	v49 =	vld [tilespmem:$0x1FE50];
	v2 =	vmax.f32 v59, v2;
	v1 =	vadd.f32 v1, v58;
	v59 =	vadd.f32 v10, v47  }
0x272: {  	v19 =	vmovc v29;
	v29 =	vunpack.i.u.bf16.f32 v43;
	v12 =	vand.u32 $0xFFFFFFFE, v51;
	v51 =	vunpack.i.u.bf16.f32 v44;
	v43 =	vld [tilespmem:s21+$0xFFFFFFF0]  }
0x273: {  	v58 =	vunpack.i.l.bf16.f32 v44;
	v44 =	vld [tilespmem:s24+$0xFFFFFFE0];
	v1 =	vadd.f32 v61, v1;
	v61 =	vmul.f32 $2.000000030e-01, v59  }
0x274: {  	v6 =	vmul.f32 v41, v6;
	v11 =	vmul.f32 v41, v57;
	v57 =	vmov v42;
	v42 =	vld [tilespmem:s21+$0xFFFFFFE0]  }
0x275: {  	v17 =	vmov v32;
	[tilespmem:$0x1FDE0] =	vst v9;
	v32 =	vmax.f32 v59, v61;
	v61 =	vld [tilespmem:s21+$0xFFFFFFC0]  }
0x276: {  	v60 =	vmov v15;
	[tilespmem:s22+$0x60] =	vst v6;
	v59 =	vld [tilespmem:$0x1FE10]  }
0x277: {  	[tilespmem:$0x1FDF0] =	vst v60;
	v13, _, _ =	vpop (xrf2);
	v6 =	vld [tilespmem:s24+$0x20]  }
0x278: {  	v5 =	vmul.f32 v41, v5;
	[tilespmem:s22+$0x70] =	vst v11;
	v50 =	vmul.f32 $1.442695020e+00, v13;
	v13 =	vld [tilespmem:$0x1FF80]  }
0x279: {  	v2 =	vmul.f32 v2, v14;
	[tilespmem:$0x1FE50] =	vst v57;
	v10 =	vmov v49;
	v1 =	vadd.f32 v1, v54;
	v4 =	vld [tilespmem:s21+$0x10]  }
0x27a: {  	v49 =	vunpack.i.l.bf16.f32 v45;
	v41 =	vpop (erf);
	[tilespmem:s22+$0x50] =	vst v5;
	v54 =	vbroadcast v50, $0xF;
	v50 =	vunpack.i.u.bf16.f32 v45;
	v45 =	vld [tilespmem:$0x1FE30]  }
0x27b: {  	v18 =	vmov v33;
	v33 =	vmov v34;
	v55 =	vbroadcast v12, $0x0;
	v52 =	vld [tilespmem:s21+$0x20];
	[tilespmem:v63+s17+$0x0] =	vst.idx.msk $0x1, v41  }
0x27c: {  	v0 =	vadd.f32 v62, v0;
	[tilespmem:$0x1FE10] =	vst v33;
	v1 =	vadd.f32 v2, v1;
	v2 =	vld [tilespmem:s21+$0x0];
	v60 =	vmul.f32 v41, v59  }
0x27d: {  	v62 =	vunpack.i.l.bf16.f32 v3;
	v33 =	vunpack.i.l.bf16.f32 v56;
	[tilespmem:s22+$0xFFFFFFC0] =	vst v48;
	v5 =	vunpack.i.u.bf16.f32 v7;
	v9 =	vld [tilespmem:s24+$0x30]  }
0x27e: {  	v63 =	vunpack.i.u.bf16.f32 v3;
	v3 =	vadd.f32 v58, v49;
	v1 =	vadd.f32 v1, v53;
	v59 =	vmovc v35;
	v35 =	vld [tilespmem:$0x1FE20];
	[tilespmem:s23+$0x0] =	vst v60  }
0x27f: {  	[tilespmem:$0x1FE00] =	vst v10;
	v7 =	vunpack.i.l.bf16.f32 v7;
	v20 =	vmul.f32 v41, v20;
	v34 =	vmul.f32 v41, v45;
	v45 =	vmovc v42;
	v42 =	vld [tilespmem:s24+$0x10]  }
0x280: {  	v10 =	vadd.f32 v51, v50;
	v58 =	vmul.f32 $2.000000030e-01, v3;
	(erf) = vpow2.f32 v54;
	(xrf2) =	vadd.scan.msk.f32 $0xffff, v1;
	v1 =	vld [tilespmem:$0x1FE40]  }
0x281: {  	v32 =	vmul.f32 v32, v13;
	v53 =	vunpack.i.u.bf16.f32 v6;
	v6 =	vunpack.i.l.bf16.f32 v6;
	[tilespmem:$0x1FE30] =	vst v59  }
0x282: {  	v48 =	vmul.f32 $2.000000030e-01, v10;
	v57 =	vunpack.i.l.bf16.f32 v4;
	v4 =	vunpack.i.u.bf16.f32 v4;
	[tilespmem:s23+$0x10] =	vst v34  }
0x283: {  	v34 =	vmovc v27;
	v27 =	vmovc v57;
	v57 =	vadd.f32 v40, v24;
	v40 =	vmov v7;
	v7 =	vmul.f32 v41, v35  }
0x284: {  	v60 =	vunpack.i.l.bf16.f32 v8;
	v3 =	vmax.f32 v3, v58;
	[tilespmem:s23+$0x30] =	vst v20;
	v20 =	vmovc v30;
	v30 =	vmovc v4;
	v11 =	vunpack.i.u.bf16.f32 v42  }
0x285: {  	v0 =	vadd.f32 v0, v32;
	v1 =	vmul.f32 v41, v1;
	[tilespmem:s23+$0x40] =	vst v7;
	v7 =	vadd.f32 v11, v30  }
0x286: {  	v32 =	vunpack.i.u.bf16.f32 v52;
	v52 =	vunpack.i.l.bf16.f32 v52;
	[tilespmem:$0x1FE40] =	vst v34;
	v34 =	vunpack.i.l.bf16.f32 v2  }
0x287: {  	v59 =	vmovc v28;
	v6 =	vadd.f32 v6, v52;
	[tilespmem:s23+$0x20] =	vst v1;
	v1 =	vadd.f32 v60, v34;
	v58 =	vmul.f32 $2.000000030e-01, v7  }
0x288: {  	[tilespmem:$0x1FE20] =	vst v59;
	v59 =	vunpack.i.l.bf16.f32 v9;
	v35 =	vunpack.i.u.bf16.f32 v2;
	v42 =	vunpack.i.l.bf16.f32 v42  }
0x289: {  	v16 =	vld [tilespmem:$0x1FFF0];
	v4 =	vadd.f32 v42, v27;
	v60 =	vmul.f32 $2.000000030e-01, v1;
	v51 =	vmax.f32 v7, v58  }
0x28a: {  	v2 =	vunpack.i.u.bf16.f32 v8;
	v8 =	vadd.f32 v38, v29;
	v58 =	vmul.f32 v51, v13;
	v13 =	vld [tilespmem:$0x1FF90]  }
0x28b: {  	v2 =	vadd.f32 v2, v35;
	v1 =	vmax.f32 v1, v60;
	v60 =	vmul.f32 $2.000000030e-01, v4  }
0x28c: {  	v53 =	vadd.f32 v53, v32;
	v54 =	vmul.f32 $2.000000030e-01, v6;
	v42 =	vunpack.i.u.bf16.f32 v56  }
0x28d: {  	v38 =	vmovc v5;
	v56 =	vld [tilespmem:$0x1FFA0];
	v5 =	vmul.f32 $2.000000030e-01, v8;
	v12 =	vmul.f32 $2.000000030e-01, v2;
	v4 =	vmax.f32 v4, v60  }
0x28e: {  	v59 =	vadd.f32 v59, v33;
	v7 =	vmul.f32 $2.000000030e-01, v53;
	v60 =	vmul.f32 v4, v16  }
0x28f: {  	v15 =	vld [tilespmem:$0x1FFD0];
	v11, _, _ =	vpop (xrf2);
	v4 =	vmax.f32 v6, v54;
	v54 =	vmul.f32 $2.000000030e-01, v57;
	v3 =	vmul.f32 v3, v13  }
0x290: {  	v28 =	vmovc v52;
	v11 =	vmul.f32 $1.442695020e+00, v11;
	v6 =	vmax.f32 v53, v7;
	v7 =	vunpack.i.u.bf16.f32 v9  }
0x291: {  	v52 =	vld [tilespmem:s24+$0xFFFFFFD0];
	v9 =	vmax.f32 v57, v54;
	v57 =	vpop (erf);
	v0 =	vadd.f32 v3, v0;
	v3 =	vmax.f32 v10, v48  }
0x292: {  	v2 =	vmax.f32 v2, v12;
	[tilespmem:v55+s17+$0x0] =	vst.idx.msk $0x1, v57;
	v48 =	vunpack.i.l.bf16.f32 v61;
	v3 =	vmul.f32 v3, v56  }
0x293: {  	v54 =	vmul.f32 v6, v56;
	v6 =	vmul.f32 v9, v14;
	v55 =	vld [tilespmem:s21+$0xFFFFFFD0];
	v9 =	vadd.f32 v62, v48  }
0x294: {  	v1 =	vmul.f32 v1, v15;
	v7 =	vadd.f32 v7, v42;
	v0 =	vadd.f32 v0, v3  }
0x295: {  	v3 =	vunpack.i.u.bf16.f32 v61;
	v61 =	vmul.f32 v4, v13;
	v62 =	vmul.f32 $2.000000030e-01, v9;
	v13 =	vld [tilespmem:$0x1FFC0]  }
0x296: {  	v53 =	vmul.f32 $2.000000030e-01, v7;
	v10 =	vunpack.i.l.bf16.f32 v52;
	v56 =	vmax.f32 v8, v5  }
0x297: {  	v5 =	vmax.f32 v9, v62;
	v62 =	vmul.f32 v57, v21;
	v21 =	vmovc v36;
	v36 =	vmovc v48;
	v48 =	vbroadcast v11, $0xF  }
0x298: {  	v7 =	vmax.f32 v7, v53;
	v8 =	vunpack.i.l.bf16.f32 v55;
	v0 =	vadd.f32 v6, v0  }
0x299: {  	v9 =	vadd.f32 v63, v3;
	v5 =	vmul.f32 v5, v15;
	(erf) = vpow2.f32 v48  }
0x29a: {  	v11 =	vld [tilespmem:$0x1FFE0];
	v48 =	vmul.f32 v57, v25;
	v4 =	vmul.f32 v56, v13;
	v56 =	vadd.f32 v10, v8  }
0x29b: {  	v1 =	vadd.f32 $0.0e+00, v1;
	v53 =	vmul.f32 v7, v13;
	v7 =	vmul.f32 $2.000000030e-01, v9  }
0x29c: {  	p0 =	slt.u32 s6, $0x4E;
	s22 =	smov.u32 s23;
	v14 =	vmovc v17;
	v25 =	vmovc v49;
	v49 =	vmul.f32 v57, v31;
	v4 =	vadd.f32 v0, v4;
	v10 =	vmul.f32 $2.000000030e-01, v56  }
.Ltmp2:
0x29d: {  	v15 =	vmovc v18;
	[tilespmem:s22+$0xFFFFFF80] =	vst v62;
	v0 =	vadd.f32 $0.0e+00, v5;
	v5 =	vmul.f32 v57, v23;
	v9 =	vmax.f32 v9, v7;
	(pc) =	sbr.rel @p0 .LBB2_7-.Ltmp2, $4  }
0x29e: {  	v31 =	vmovc v50;
	(xrf2) =	vadd.scan.msk.f32 $0xffff, v4;
	v4 =	vmul.f32 v57, v22;
	v22 =	vmov v37;
	v6 =	vmax.f32 v56, v10  }
0x29f: {  	s10 =	sadd.s32 $0x100, s10;
	s28 =	sadd.s32 $0x1, s20;
	v51 =	vmov s20;
	v37 =	vmovc v3;
	v3 =	vmul.f32 v57, v26;
	v26 =	vmovc v47;
	v47 =	vmul.f32 v2, v11;
	[tilespmem:s22+$0xFFFFFFA0] =	vst v5  }
0x2a0: {  	s0 =	smov.u32 s6;
	s6 =	sadd.s32 $0x2, s6;
	s24 =	sadd.s32 $0x80, s24;
	v63 =	vmov s28;
	v23 =	vmovc v39;
	v39 =	vmovc v8;
	v2 =	vmul.f32 v9, v11;
	v62 =	vmul.f32 v6, v16;
	[tilespmem:s22+$0xFFFFFF90] =	vst v4  }
0x2a1: {  	s23 =	smov.u32 s10;
	s20 =	smov.u32 s0;
	s21 =	sadd.s32 $0x80, s21;
	v56 =	vunpack.i.l.bf16.f32 v43;
	v16 =	vmovc v19;
	[tilespmem:s22+$0xFFFFFFB0] =	vst v3;
	v1 =	vadd.f32 v1, v47;
	v47 =	vmul.f32 v57, v46  }
0x2a2: {  	v3 =	vunpack.i.u.bf16.f32 v55;
	v4 =	vunpack.i.u.bf16.f32 v52  }
0x2a3: {  	v10 =	vld [tilespmem:$0x1FF80];
	v4 =	vadd.f32 v4, v3;
	_ =	sdelay $0x1  }
0x2a4: {  	v6 =	vmul.f32 $2.000000030e-01, v4  }
0x2a5: {  	v0 =	vadd.f32 v0, v2  }
0x2a6: {  	v5 =	vunpack.i.l.bf16.f32 v44;
	v46 =	vunpack.i.l.bf16.f32 v45;
	v4 =	vmax.f32 v4, v6  }
0x2a7: {  	v1 =	vadd.f32 v60, v1;
	v0 =	vadd.f32 v62, v0;
	v4 =	vmul.f32 v4, v10  }
0x2a8: {  	v11 =	vld [tilespmem:$0x1FFB0];
	v5 =	vadd.f32 v5, v46  }
0x2a9: {  	v1 =	vadd.f32 v1, v58;
	v0 =	vadd.f32 v0, v4;
	v4 =	vld [tilespmem:$0x1FF90]  }
0x2aa: {  	v2 =	vmul.f32 $2.000000030e-01, v59  }
0x2ab: {  	v1 =	vadd.f32 v61, v1;
	v6 =	vmul.f32 $2.000000030e-01, v5  }
0x2ac: {  	v2 =	vmax.f32 v59, v2  }
0x2ad: {  	v2 =	vmul.f32 v2, v11;
	v1 =	vadd.f32 v1, v54;
	v5 =	vmax.f32 v5, v6  }
0x2ae: {  	v7 =	vunpack.i.u.bf16.f32 v44;
	v8 =	vunpack.i.u.bf16.f32 v45;
	v4 =	vmul.f32 v5, v4  }
0x2af: {  	v7 =	vadd.f32 v7, v8;
	v1 =	vadd.f32 v2, v1  }
0x2b0: {  	v2 =	vadd.f32 v40, v56;
	v0 =	vadd.f32 v4, v0;
	v4 =	vld [tilespmem:$0x1FFA0];
	_ =	sdelay $0x1  }
0x2b1: {  	v9 =	vunpack.i.u.bf16.f32 v43;
	v61 =	vmul.f32 $2.000000030e-01, v7;
	v6 =	vmul.f32 $2.000000030e-01, v2  }
0x2b2: {  	v1 =	vadd.f32 v1, v53;
	v5 =	vadd.f32 v38, v9  }
0x2b3: {  	v7 =	vmax.f32 v7, v61;
	v2 =	vmax.f32 v2, v6;
	v6 =	vmul.f32 v57, v16  }
0x2b4: {  	v62, _, _ =	vpop (xrf2);
	(xrf2) =	vadd.scan.msk.f32 $0xffff, v1;
	v1 =	vmul.f32 $2.000000030e-01, v5;
	v4 =	vmul.f32 v7, v4  }
0x2b5: {  	[tilespmem:s22+$0xFFFFFFE0] =	vst v47;
	v7 =	vmul.f32 $1.442695020e+00, v62  }
0x2b6: {  	v2 =	vmul.f32 v2, v11;
	v1 =	vmax.f32 v5, v1;
	v5 =	vld [tilespmem:$0x1FDF0];
	[tilespmem:s22+$0xFFFFFFF0] =	vst v6;
	v0 =	vadd.f32 v0, v4  }
0x2b7: {  	v6 =	vld [tilespmem:$0x1FFC0];
	v4 =	vbroadcast v7, $0xF  }
0x2b8: {  	v0 =	vadd.f32 v2, v0;
	v2 =	vld [tilespmem:$0x1FE00];
	[tilespmem:s22+$0xFFFFFFD0] =	vst v49  }
0x2b9: {  	(erf) = vpow2.f32 v4;
	v4 =	vld [tilespmem:$0x1FDE0];
	_ =	sdelay $0x2  }
0x2ba: {  	v5 =	vmul.f32 v41, v5  }
0x2bb: {  	v2 =	vmul.f32 v41, v2  }
0x2bc: {  	[tilespmem:s22+$0x60] =	vst v5;
	v4 =	vmul.f32 v41, v4  }
0x2bd: {  	[tilespmem:s22+$0x70] =	vst v2  }
0x2be: {  	[tilespmem:s22+$0x50] =	vst v4  }
0x2bf: {  	v1 =	vmul.f32 v1, v6;
	v2 =	vld [tilespmem:$0x1FE10];
	_ =	sdelay $0x3  }
0x2c0: {  	v0 =	vadd.f32 v0, v1;
	v1 =	vpop (erf)  }
0x2c1: {  	v2 =	vmul.f32 v1, v2  }
0x2c2: {  	[tilespmem:v63+s17+$0x0] =	vst.idx.msk $0x1, v1  }
0x2c3: {  	v4 =	vld [tilespmem:$0x1FE30];
	[tilespmem:s23+$0x0] =	vst v2  }
0x2c4: {  	v2 =	vld [tilespmem:$0x1FE40];
	_ =	sdelay $0x3  }
0x2c5: {  	v4 =	vmul.f32 v1, v4  }
0x2c6: {  	v2 =	vmul.f32 v1, v2  }
0x2c7: {  	[tilespmem:s23+$0x10] =	vst v4  }
0x2c8: {  	[tilespmem:s23+$0x20] =	vst v2  }
0x2c9: {  	v2 =	vld [tilespmem:$0x1FE20];
	_ =	sdelay $0x3  }
0x2ca: {  	(xrf2) =	vadd.scan.msk.f32 $0xffff, v0;
	v0 =	vand.u32 $0xFFFFFFFE, v51  }
0x2cb: {  	v0 =	vbroadcast v0, $0x0;
	v2 =	vmul.f32 v1, v2  }
0x2cc: {  	v4 =	vmul.f32 v1, v20  }
0x2cd: {  	v5, _, _ =	vpop (xrf2)  }
0x2ce: {  	v5 =	vmul.f32 $1.442695020e+00, v5;
	[tilespmem:s23+$0x30] =	vst v4  }
0x2cf: {  	[tilespmem:s23+$0x40] =	vst v2;
	v2 =	vpop (erf)  }
0x2d0: {  	v4 =	vbroadcast v5, $0xF;
	[tilespmem:s22+$0xFFFFFFC0] =	vst v48;
	v5 =	vmul.f32 v2, v21  }
0x2d1: {  	[tilespmem:v0+s17+$0x0] =	vst.idx.msk $0x1, v2;
	v0 =	vmul.f32 v2, v22  }
0x2d2: {  	(erf) = vpow2.f32 v4;
	v4 =	vmul.f32 v2, v23;
	[tilespmem:s23+$0xFFFFFF80] =	vst v5  }
0x2d3: {  	[tilespmem:s23+$0xFFFFFF90] =	vst v0;
	v0 =	vmul.f32 v2, v26  }
0x2d4: {  	[tilespmem:s23+$0xFFFFFFA0] =	vst v4;
	v4 =	vmul.f32 v2, v24  }
0x2d5: {  	[tilespmem:s23+$0xFFFFFFB0] =	vst v0;
	v0 =	vmul.f32 v2, v29  }
0x2d6: {  	v5, _, _ =	vpop (xrf2);
	[tilespmem:s23+$0xFFFFFFE0] =	vst v4  }
0x2d7: {  	v5 =	vmul.f32 $1.442695020e+00, v5;
	[tilespmem:s23+$0xFFFFFFF0] =	vst v0  }
0x2d8: {  	s0 =	sadd.s32 $0x1, s20;
	v0 =	vld [tilespmem:$0x1FE50]  }
0x2d9: {  	v4 =	vbroadcast v5, $0xF;
	v5 =	vmov s0;
	_ =	sdelay $0x2  }
0x2da: {  	v7 =	vmul.f32 v1, v15;
	(erf) = vpow2.f32 v4  }
0x2db: {  	v4 =	vpop (erf);
	v0 =	vmul.f32 v1, v0;
	v1 =	vmul.f32 v1, v14  }
0x2dc: {  	[tilespmem:v5+s17+$0x0] =	vst.idx.msk $0x1, v4  }
0x2dd: {  	[tilespmem:s23+$0x50] =	vst v1;
	v1 =	vmul.f32 v4, v34  }
0x2de: {  	s28 =	sadd.s32 $0x100, s10;
	v6 =	vmul.f32 v2, v31;
	[tilespmem:s23+$0x70] =	vst v0  }
0x2df: {  	v0 =	vmov s20;
	[tilespmem:s28+$0x0] =	vst v1;
	v1 =	vmul.f32 v4, v27  }
0x2e0: {  	v2 =	vmul.f32 v2, v25;
	[tilespmem:s23+$0xFFFFFFD0] =	vst v6;
	v0 =	vand.u32 $0xFFFFFFFE, v0  }
0x2e1: {  	v0 =	vbroadcast v0, $0x0;
	[tilespmem:s28+$0x20] =	vst v1;
	v1 =	vmul.f32 v4, v28  }
0x2e2: {  	[tilespmem:s23+$0x60] =	vst v7;
	v5 =	vmul.f32 v4, v35  }
0x2e3: {  	[tilespmem:s23+$0xFFFFFFC0] =	vst v2  }
0x2e4: {  	[tilespmem:s28+$0x10] =	vst v5;
	v5 =	vmul.f32 v4, v30  }
0x2e5: {  	[tilespmem:s28+$0x40] =	vst v1;
	v1 =	vpop (erf)  }
0x2e6: {  	[tilespmem:s28+$0x30] =	vst v5;
	v2 =	vmul.f32 v1, v36  }
0x2e7: {  	[tilespmem:v0+s17+$0x0] =	vst.idx.msk $0x1, v1;
	v0 =	vmul.f32 v1, v37  }
0x2e8: {  	[tilespmem:s28+$0xFFFFFF80] =	vst v2;
	v2 =	vmul.f32 v1, v39  }
0x2e9: {  	[tilespmem:s28+$0xFFFFFF90] =	vst v0;
	v0 =	vmul.f32 v1, v3  }
0x2ea: {  	v3 =	vmul.f32 v1, v8;
	[tilespmem:s28+$0xFFFFFFA0] =	vst v2  }
0x2eb: {  	v2 =	vmul.f32 v1, v56;
	[tilespmem:s28+$0xFFFFFFB0] =	vst v0  }
0x2ec: {  	v0 =	vmul.f32 v1, v9;
	[tilespmem:s28+$0xFFFFFFD0] =	vst v3  }
0x2ed: {  	v3 =	vmul.f32 v4, v32;
	[tilespmem:s28+$0xFFFFFFE0] =	vst v2  }
0x2ee: {  	v1 =	vmul.f32 v1, v46;
	[tilespmem:s28+$0xFFFFFFF0] =	vst v0  }
0x2ef: {  	s26 =	sadd.s32 $0x1, s26;
	v2 =	vmul.f32 v4, v33;
	[tilespmem:s28+$0x50] =	vst v3  }
0x2f0: {  	p0 =	sne.s32 s26, s29;
	v0 =	vmul.f32 v4, v42;
	[tilespmem:s28+$0xFFFFFFC0] =	vst v1  }
.Ltmp3:
0x2f1: {  	[tilespmem:s28+$0x60] =	vst v2;
	(pc) =	sbr.rel @p0 .LBB2_4-.Ltmp3, $4  }
0x2f2: {  	s31 =	simm.s32 $0x1BC60;
	[tilespmem:s28+$0x70] =	vst v0  }
0x2f3: {  	[spmem:s4] =	stream.indirect.scatter.add.f32 [tilespmem:s31], [sflag:$0x6], $0x80, s18, s11, $0xb8;
	v3 =	vld [tilespmem:$0x1FFD0]  }
0x2f4: {  	v4 =	vld [tilespmem:$0x1FFE0]  }
0x2f5: {  	v5 =	vld [tilespmem:$0x1FFF0];
	[spmem:s5] =	stream.indirect.scatter.add.f32 [tilespmem:s17], [sflag:$0x8], $0x1, s18, s11, $0xb8  }
0x2f6: {  	s0 =	simm.s32 $0x6  }
0x2f7: {  	_ =	swait.ge [sflag:s0], $0x2800  }
0x2f8: {  	[sflag:s0] =	ssyncset.done $0x0  }
0x2f9: {  	s22 =	simm.s32 $0x8;
	[sflag:s0] =	ssyncadd.s32 $0xFFFFD800  }
0x2fa: {  	_ =	swait.ge [sflag:s22], $0x50  }
0x2fb: {  	[sflag:s22] =	ssyncset.done $0x0  }
0x2fc: {  	[sflag:s22] =	ssyncadd.s32 $0xFFFFFFB0  }
0x2fd: {  	s23 =	stileid.u32;
	[bflag:$0x0] =	sbarrier.arrive $0xFFFF  }
0x2fe: {  	s0 =	sshll.u32 s23, $0x6;
	s23 =	simm.s32 $0x9;
	s21 =	rddreg [dreg:$0x6]  }
0x2ff: {  	s0 =	sor.u32 $0x1C09, s0;
	s10 =	rddreg [dreg:$0x13];
	s6 =	sshrl.u32 s21, $0x3  }
0x300: {  	[hbm:s10], [sflag:s0] =	dma.local [spmem:s6], $0x2800  }
0x301: {  	_ =	swait.ge [sflag:s23], $0x2800  }
0x302: {  	[sflag:s23] =	ssyncset.done $0x0;
	s22 =	rddreg [dreg:$0xe]  }
0x303: {  	s26 =	rddreg [dreg:$0x14];
	[sflag:s23] =	ssyncadd.s32 $0xFFFFD800;
	s24 =	sshrl.u32 s22, $0x3  }
0x304: {  	[hbm:s26], [sflag:s0] =	dma.local [spmem:s24], $0x50  }
0x305: {  	_ =	swait.ge [sflag:s23], $0x50  }
0x306: {  	s28 =	rddreg [dreg:$0x16]  }
0x307: {  	s31 =	rddreg [dreg:$0x15];
	s6 =	sadd.s32 $0x1, s28  }
0x308: {  	p0 =	sne.s32 s6, s31  }
.Ltmp4:
0x309: {  	_ = 	snop;
	(pc) =	sbr.rel @p0 .LBB2_1-.Ltmp4, $3  }
0x30a: {  	_ =	sdelay $0x1  }
0x30b: {  	[sflag:s23] =	ssyncset.done $0x0  }
0x30c: {  	v0 =	vimm.f32 $0.0e+00;
	[sflag:s23] =	ssyncadd.s32 $0xFFFFFFB0  }
0x30d: {  	_ =	sfence.sel $0x180000  }
0x30e: {  	[bflag:$0x0] =	sbarrier.arrive $0xFFFF  }
0x30f: {  	_ =	strace $0x90000047  }
0x310: {  	s0 =	stileid.u32;
	[bflag:$0x2] =	sbarrier.arrive $0xFFFF  }
0x311: {  	p0 =	sne.s32 s0, $0x0;
	s0 =	rddreg [dreg:$0x5]  }
0x312: {  	s0 =	sadd.s32 @!p0 $0x100000, s0  }
0x313: {  	[sflag:s0] =	ssyncadd.tile.s32 @!p0 $0x1;
	_ =	shalt  }
.Lfunc_end2:
_tile_overlayer_lowered:
.L_overlay_start_2:
0x314: {  	(tag) =	ssettag $0x2  }
0x315: {  	s0 =	rddreg [dreg:$0x0];
	s2 =	stileid.u32  }
0x316: {  	s1 =	rddreg [dreg:$0x1];
	p0 =	sne.s32 s2, $0x0  }
0x317: {  	s3 =	rddreg [dreg:$0x2];
	[bflag:$0x3] =	sbarrier.arrive $0xFFFF;
	s2 =	simm.s32 @!p0 $0x1C09  }
0x318: {  	[timem:s3], [sflag:s2] =	dma.local @!p0 [hbm:s0], s1  }
0x319: {  	s0 =	simm.s32 @!p0 $0x9  }
0x31a: {  	_ =	swait.ge @!p0 [sflag:s0], s1  }
0x31b: {  	s1 =	ssub.s32 @!p0 $0x0, s1;
	[sflag:s0] =	ssyncset.done @!p0 $0x0  }
0x31c: {  	[sflag:s0] =	ssyncadd.s32 @!p0 s1  }
0x31d: {  	[bflag:$0x3] =	sbarrier.arrive $0xFFFF  }
0x31e: {  	_ =	shalt  }

</sc_bundles>
